<compile_context>
chip_gen: v7x
topology: tpu7x:2x2x1
jax: 0.10.2.dev20260603
libtpu: 0.0.44.dev20260713+nightly
codegen_flags: <defaults>
</compile_context>

<pallas_src>
import functools

import jax
import jax.numpy as jnp
from jax import lax
from jax.experimental import pallas as pl
from jax.experimental.pallas import tpu as pltpu
from jax.experimental.pallas import tpu_sc as plsc

NC = 2
NS = 16
NW = NC * NS
CHUNK = 125


def _mesh():
    return plsc.VectorSubcoreMesh(core_axis_name="c", subcore_axis_name="s")


def _make_agg_kernel(E, N, D):
    iters = E // (NW * CHUNK)
    rows_per_tile = N // NS

    @functools.partial(
        pl.kernel,
        mesh=_mesh(),
        out_type=jax.ShapeDtypeStruct((NC, NS, rows_per_tile, D),
                                      jnp.float32),
        scratch_types=[
            pltpu.VMEM((iters // 2, CHUNK), jnp.int32),
            pltpu.VMEM((iters // 2, CHUNK), jnp.int32),
            [pltpu.VMEM((CHUNK, D), jnp.float32)] * 2,
            pltpu.VMEM_SHARED((N, D), jnp.float32),
            [pltpu.SemaphoreType.DMA] * 2,
        ],
    )
    def agg_kernel(xs_hbm, row_hbm, col_hbm, zeros_hbm, part_hbm,
                   rowm, colm, bufs, acc, sems):
        c = lax.axis_index("c")
        s = lax.axis_index("s")
        w = c * NS + s
        r0 = s * rows_per_tile
        ip = iters // 2
        pltpu.sync_copy(zeros_hbm.at[s], acc.at[pl.ds(r0, rows_per_tile)])
        plsc.subcore_barrier()

        for p in range(2):
            pltpu.sync_copy(row_hbm.at[w, pl.ds(p * ip, ip)], rowm)
            pltpu.sync_copy(col_hbm.at[w, pl.ds(p * ip, ip)], colm)
            pltpu.async_copy(xs_hbm.at[rowm.at[0]], bufs[0], sems[0])

            def body(g, carry):
                for b in range(2):
                    i = 2 * g + b
                    nxt = i + 1

                    @pl.when(nxt < ip)
                    def _():
                        pltpu.async_copy(xs_hbm.at[rowm.at[nxt]],
                                         bufs[1 - b], sems[1 - b])

                    pltpu.make_async_copy(xs_hbm.at[rowm.at[i]], bufs[b],
                                          sems[b]).wait()
                    pltpu.sync_copy(bufs[b], acc.at[colm.at[i]], add=True)
                return carry

            lax.fori_loop(0, ip // 2, body, 0)
        plsc.subcore_barrier()
        pltpu.sync_copy(acc.at[pl.ds(r0, rows_per_tile)], part_hbm.at[c, s])

    return agg_kernel


def _dis_block(pd0, pd1):
    deg = pd0[:, :1] + pd1[:, :1] + 1.0
    return lax.rsqrt(deg)


def _tc_mm_body(x_ref, w_ref, xl_ref):
    xl_ref[...] = jnp.dot(x_ref[...], w_ref[...],
                          preferred_element_type=jnp.float32)


def _tc_scale_body(xl_ref, pd0_ref, pd1_ref, xs_ref):
    dis = _dis_block(pd0_ref[...], pd1_ref[...])
    xs_ref[...] = dis * xl_ref[...]


def _tc_mid_body(p0_ref, p1_ref, xs_ref, pd0_ref, pd1_ref, w_ref, b_ref,
                 out_ref):
    dis = _dis_block(pd0_ref[...], pd1_ref[...])
    h = dis * (p0_ref[...] + p1_ref[...] + xs_ref[...]) + b_ref[...]
    h = jnp.maximum(h, 0.0)
    out_ref[...] = dis * jnp.dot(h, w_ref[...],
                                 preferred_element_type=jnp.float32)


def _tc_final_body(p0_ref, p1_ref, xs_ref, pd0_ref, pd1_ref, b_ref,
                   batch_ref, wm_ref, bm_ref, out_ref, ysum, cnt, *, steps, g):
    i = pl.program_id(0)
    dis = _dis_block(pd0_ref[...], pd1_ref[...])
    h = dis * (p0_ref[...] + p1_ref[...] + xs_ref[...]) + b_ref[...]
    nb = h.shape[0]
    gids = lax.broadcasted_iota(jnp.int32, (nb, g), 1)
    onehot = (batch_ref[...] == gids).astype(jnp.float32)
    ones = jnp.ones((nb, h.shape[1]), jnp.float32)
    dn = (((0,), (0,)), ((), ()))
    ys = lax.dot_general(onehot, h, dn, preferred_element_type=jnp.float32)
    cs = lax.dot_general(onehot, ones, dn, preferred_element_type=jnp.float32)

    @pl.when(i == 0)
    def _():
        ysum[...] = jnp.zeros_like(ysum)
        cnt[...] = jnp.zeros_like(cnt)

    ysum[...] += ys
    cnt[...] += cs

    @pl.when(i == steps - 1)
    def _():
        y = ysum[...] / cnt[...]
        out_ref[...] = jnp.dot(y, wm_ref[...],
                               preferred_element_type=jnp.float32) + bm_ref[...]


def kernel(x, edge_index, batch, W1, b1, W2, b2, Wm, bm):
    N, D = x.shape
    E = edge_index.shape[1]
    H = Wm.shape[1]
    G = 64
    BN = 2000
    steps = N // BN

    ipw = E // (NW * CHUNK)
    row3 = edge_index[0].reshape(NW, ipw, CHUNK)
    col3 = edge_index[1].reshape(NW, ipw, CHUNK)
    rpt = N // NS
    zeros_d = jnp.zeros((NS, rpt, D), jnp.float32)
    ones_d = jnp.ones((N, D), jnp.float32)
    b1r = b1.reshape(1, D)
    b2r = b2.reshape(1, D)
    bmr = bm.reshape(1, H)
    batch2d = batch.reshape(N, 1)

    agg = _make_agg_kernel(E, N, D)

    pdeg = agg(ones_d, col3, col3, zeros_d).reshape(NC, N, D)
    pd0 = pdeg[0]
    pd1 = pdeg[1]

    rowspec = pl.BlockSpec((BN, D), lambda i: (i, 0))
    wspec = pl.BlockSpec((D, D), lambda i: (0, 0))
    bspec = pl.BlockSpec((1, D), lambda i: (0, 0))

    xl1 = pl.pallas_call(
        _tc_mm_body,
        grid=(steps,),
        in_specs=[rowspec, wspec],
        out_specs=rowspec,
        out_shape=jax.ShapeDtypeStruct((N, D), jnp.float32),
    )(x, W1)
    xs1 = pl.pallas_call(
        _tc_scale_body,
        grid=(steps,),
        in_specs=[rowspec, rowspec, rowspec],
        out_specs=rowspec,
        out_shape=jax.ShapeDtypeStruct((N, D), jnp.float32),
    )(xl1, pd0, pd1)

    part1 = agg(xs1, row3, col3, zeros_d).reshape(NC, N, D)
    xs2 = pl.pallas_call(
        _tc_mid_body,
        grid=(steps,),
        in_specs=[rowspec, rowspec, rowspec, rowspec, rowspec, wspec, bspec],
        out_specs=rowspec,
        out_shape=jax.ShapeDtypeStruct((N, D), jnp.float32),
    )(part1[0], part1[1], xs1, pd0, pd1, W2, b1r)

    part2 = agg(xs2, row3, col3, zeros_d).reshape(NC, N, D)
    out = pl.pallas_call(
        functools.partial(_tc_final_body, steps=steps, g=G),
        grid=(steps,),
        in_specs=[rowspec, rowspec, rowspec, rowspec, rowspec, bspec,
                  pl.BlockSpec((BN, 1), lambda i: (i, 0)),
                  pl.BlockSpec((D, H), lambda i: (0, 0)),
                  pl.BlockSpec((1, H), lambda i: (0, 0))],
        out_specs=pl.BlockSpec((G, H), lambda i: (0, 0)),
        out_shape=jax.ShapeDtypeStruct((G, H), jnp.float32),
        scratch_shapes=[pltpu.VMEM((G, D), jnp.float32),
                        pltpu.VMEM((G, D), jnp.float32)],
    )(part2[0], part2[1], xs2, pd0, pd1, b2r, batch2d, Wm, bmr)

    return out

# --- scband reference (transcript-rebuilt; emitter-appended) ---
"""Pipeline reference for scband-gcnnet-41961830482015 (READ-ONLY COPY).

The authoritative reference and input builder live on the scoring server;
editing this copy changes nothing except your own understanding.
"""

import jax, jax.numpy as jnp
import numpy as np

N = 10000
E = 320000
D = 128
H = 64
G = 64


def setup_inputs(seed: int = 0) -> dict:
    key = jax.random.key(seed)
    ks = jax.random.split(key, 10)
    x = jax.random.normal(ks[0], (N, D), dtype=jnp.float32)
    edge_index = jax.random.randint(ks[1], (2, E), 0, N).astype(jnp.int32)
    batch = jnp.sort(jax.random.randint(ks[2], (N,), 0, G).astype(jnp.int32))
    s = 1.0 / np.sqrt(D)
    W1 = jax.random.uniform(ks[3], (D, D), jnp.float32, -s, s)
    b1 = jnp.zeros((D,), jnp.float32)
    W2 = jax.random.uniform(ks[4], (D, D), jnp.float32, -s, s)
    b2 = jnp.zeros((D,), jnp.float32)
    Wm = jax.random.uniform(ks[5], (D, H), jnp.float32, -s, s)
    bm = jax.random.uniform(ks[6], (H,), jnp.float32, -s, s)
    return {"x": x, "edge_index": edge_index, "batch": batch,
            "W1": W1, "b1": b1, "W2": W2, "b2": b2, "Wm": Wm, "bm": bm}


def _gcn_conv(x, edge_index, W, b):
    n = x.shape[0]
    loops = jnp.arange(n, dtype=edge_index.dtype)
    ei = jnp.concatenate([edge_index, jnp.stack([loops, loops])], axis=1)
    xl = x @ W
    row, col = ei[0], ei[1]
    deg = jnp.zeros((n,), x.dtype).at[col].add(1.0)
    safe = jnp.where(deg > 0, deg, 1.0)
    dis = jnp.where(deg > 0, 1.0 / jnp.sqrt(safe), 0.0)
    norm = dis[row] * dis[col]
    out = jnp.zeros((n, W.shape[1]), x.dtype).at[col].add(norm[:, None] * xl[row])
    return out + b


def reference(x, edge_index, batch, W1, b1, W2, b2, Wm, bm):
    h = _gcn_conv(x, edge_index, W1, b1)
    h = jax.nn.relu(h)
    h = _gcn_conv(h, edge_index, W2, b2)
    g = G
    y = jnp.zeros((g, h.shape[1]), h.dtype).at[batch].add(h)
    counts = jnp.bincount(batch, length=g).astype(h.dtype)
    y = y / counts[:, None]
    out = y @ Wm + bm
    return out

if __name__ == "__main__":
    import jax
    _d = setup_inputs()
    print(jax.jit(kernel)(*tuple(_d.values())))

</pallas_src>

<mosaic_0001>
#map = affine_map<(d0, d1) -> (0, 0)>
#map1 = affine_map<(d0, d1) -> (0, 0, 0)>
#map2 = affine_map<(d0, d1) -> (0, 0, 0, 0)>
module attributes {stable_mosaic.version = 14 : i64} {
  func.func @agg_kernel(%arg0: i32, %arg1: i32, %arg2: memref<10000x128xf32, #tpu.memory_space<hbm>>, %arg3: memref<32x80x125xi32, #tpu.memory_space<hbm>>, %arg4: memref<32x80x125xi32, #tpu.memory_space<hbm>>, %arg5: memref<16x625x128xf32, #tpu.memory_space<hbm>>, %arg6: memref<2x16x625x128xf32, #tpu.memory_space<hbm>>, %arg7: memref<40x125xi32, #tpu.memory_space<vmem>>, %arg8: memref<40x125xi32, #tpu.memory_space<vmem>>, %arg9: memref<125x128xf32, #tpu.memory_space<vmem>>, %arg10: memref<125x128xf32, #tpu.memory_space<vmem>>, %arg11: memref<10000x128xf32, #tpu.memory_space<vmem_shared>>, %arg12: memref<!tpu.dma_semaphore, #tpu.memory_space<semaphore_mem>>, %arg13: memref<!tpu.dma_semaphore, #tpu.memory_space<semaphore_mem>>) attributes {dimension_semantics = [#tpu.dimension_semantics<core_parallel>, #tpu.dimension_semantics<subcore_parallel>], iteration_bounds = array<i64: 2, 16>, scalar_prefetch = 0 : i64, scratch_operands = 7 : i64, tpu.core_type = #tpu.core_type<sc_vector_subcore>, window_params = [{transform_indices = #map}, {transform_indices = #map1}, {transform_indices = #map1}, {transform_indices = #map1}, {transform_indices = #map2}]} {
    %mul3A = arith.constant 16 : i32
    %mul3A_0 = arith.muli %arg0, %mul3A : i32
    %add3A = arith.addi %mul3A_0, %arg1 : i32
    %mul3A_1 = arith.constant 625 : i32
    %mul3A_2 = arith.muli %arg1, %mul3A_1 : i32
    "tpu.region"() ({
      %run_scoped3A = tpu.sem_alloc : memref<!tpu.dma_semaphore, #tpu.memory_space<semaphore_mem>>
      %dma_start3A_28 = arith.constant 0 : i32
      %dma_start3A_29 = tpu.memref_slice %arg11[%mul3A_2, %dma_start3A_28] : memref<10000x128xf32, #tpu.memory_space<vmem_shared>> -> memref<625x128xf32, #tpu.memory_space<vmem_shared>>
      %dma_start3A_30 = arith.constant 0 : i32
      %dma_start3A_31 = arith.constant 0 : i32
      %dma_start3A_32 = tpu.memref_slice %arg5[%arg1, %dma_start3A_30, %dma_start3A_31] : memref<16x625x128xf32, #tpu.memory_space<hbm>> -> memref<1x625x128xf32, #tpu.memory_space<hbm>>
      %dma_start3A_33 = tpu.memref_squeeze %dma_start3A_32 : memref<1x625x128xf32, #tpu.memory_space<hbm>> -> memref<625x128xf32, #tpu.memory_space<hbm>>
      tpu.enqueue_dma source(%dma_start3A_33 : memref<625x128xf32, #tpu.memory_space<hbm>>) target(%dma_start3A_29 : memref<625x128xf32, #tpu.memory_space<vmem_shared>>) target_semaphore(%run_scoped3A : memref<!tpu.dma_semaphore, #tpu.memory_space<semaphore_mem>>)
      %dma_wait3A = arith.constant 0 : i32
      %dma_wait3A_34 = tpu.memref_slice %arg11[%mul3A_2, %dma_wait3A] : memref<10000x128xf32, #tpu.memory_space<vmem_shared>> -> memref<625x128xf32, #tpu.memory_space<vmem_shared>>
      %dma_wait3A_35 = arith.constant 0 : i32
      %dma_wait3A_36 = arith.constant 0 : i32
      %dma_wait3A_37 = tpu.memref_slice %arg5[%arg1, %dma_wait3A_35, %dma_wait3A_36] : memref<16x625x128xf32, #tpu.memory_space<hbm>> -> memref<1x625x128xf32, #tpu.memory_space<hbm>>
      %dma_wait3A_38 = tpu.memref_squeeze %dma_wait3A_37 : memref<1x625x128xf32, #tpu.memory_space<hbm>> -> memref<625x128xf32, #tpu.memory_space<hbm>>
      tpu.wait_dma2 semaphore(%run_scoped3A : memref<!tpu.dma_semaphore, #tpu.memory_space<semaphore_mem>>) src(%dma_wait3A_38 : memref<625x128xf32, #tpu.memory_space<hbm>>) dst(%dma_wait3A_34 : memref<625x128xf32, #tpu.memory_space<vmem_shared>>)
      tpu.yield
    }) : () -> ()
    %barrier3A = arith.constant 0 : index
    tpu.barrier barrier_id(%barrier3A)
    "tpu.region"() ({
      %run_scoped3A = tpu.sem_alloc : memref<!tpu.dma_semaphore, #tpu.memory_space<semaphore_mem>>
      %dma_start3A_28 = arith.constant 0 : i32
      %dma_start3A_29 = arith.constant 0 : i32
      %dma_start3A_30 = tpu.memref_slice %arg3[%add3A, %dma_start3A_28, %dma_start3A_29] : memref<32x80x125xi32, #tpu.memory_space<hbm>> -> memref<1x40x125xi32, #tpu.memory_space<hbm>>
      %dma_start3A_31 = tpu.memref_squeeze %dma_start3A_30 : memref<1x40x125xi32, #tpu.memory_space<hbm>> -> memref<40x125xi32, #tpu.memory_space<hbm>>
      %dma_start3A_32 = arith.constant 0 : i32
      %dma_start3A_33 = arith.constant 0 : i32
      %dma_start3A_34 = tpu.memref_slice %arg3[%add3A, %dma_start3A_32, %dma_start3A_33] : memref<32x80x125xi32, #tpu.memory_space<hbm>> -> memref<1x40x125xi32, #tpu.memory_space<hbm>>
      %dma_start3A_35 = tpu.memref_squeeze %dma_start3A_34 : memref<1x40x125xi32, #tpu.memory_space<hbm>> -> memref<40x125xi32, #tpu.memory_space<hbm>>
      tpu.enqueue_dma source(%dma_start3A_35 : memref<40x125xi32, #tpu.memory_space<hbm>>) target(%arg7 : memref<40x125xi32, #tpu.memory_space<vmem>>) target_semaphore(%run_scoped3A : memref<!tpu.dma_semaphore, #tpu.memory_space<semaphore_mem>>)
      %dma_wait3A = arith.constant 0 : i32
      %dma_wait3A_36 = arith.constant 0 : i32
      %dma_wait3A_37 = tpu.memref_slice %arg3[%add3A, %dma_wait3A, %dma_wait3A_36] : memref<32x80x125xi32, #tpu.memory_space<hbm>> -> memref<1x40x125xi32, #tpu.memory_space<hbm>>
      %dma_wait3A_38 = tpu.memref_squeeze %dma_wait3A_37 : memref<1x40x125xi32, #tpu.memory_space<hbm>> -> memref<40x125xi32, #tpu.memory_space<hbm>>
      %dma_wait3A_39 = arith.constant 0 : i32
      %dma_wait3A_40 = arith.constant 0 : i32
      %dma_wait3A_41 = tpu.memref_slice %arg3[%add3A, %dma_wait3A_39, %dma_wait3A_40] : memref<32x80x125xi32, #tpu.memory_space<hbm>> -> memref<1x40x125xi32, #tpu.memory_space<hbm>>
      %dma_wait3A_42 = tpu.memref_squeeze %dma_wait3A_41 : memref<1x40x125xi32, #tpu.memory_space<hbm>> -> memref<40x125xi32, #tpu.memory_space<hbm>>
      tpu.wait_dma2 semaphore(%run_scoped3A : memref<!tpu.dma_semaphore, #tpu.memory_space<semaphore_mem>>) src(%dma_wait3A_42 : memref<40x125xi32, #tpu.memory_space<hbm>>) dst(%arg7 : memref<40x125xi32, #tpu.memory_space<vmem>>)
      tpu.yield
    }) : () -> ()
    "tpu.region"() ({
      %run_scoped3A = tpu.sem_alloc : memref<!tpu.dma_semaphore, #tpu.memory_space<semaphore_mem>>
      %dma_start3A_28 = arith.constant 0 : i32
      %dma_start3A_29 = arith.constant 0 : i32
      %dma_start3A_30 = tpu.memref_slice %arg4[%add3A, %dma_start3A_28, %dma_start3A_29] : memref<32x80x125xi32, #tpu.memory_space<hbm>> -> memref<1x40x125xi32, #tpu.memory_space<hbm>>
      %dma_start3A_31 = tpu.memref_squeeze %dma_start3A_30 : memref<1x40x125xi32, #tpu.memory_space<hbm>> -> memref<40x125xi32, #tpu.memory_space<hbm>>
      %dma_start3A_32 = arith.constant 0 : i32
      %dma_start3A_33 = arith.constant 0 : i32
      %dma_start3A_34 = tpu.memref_slice %arg4[%add3A, %dma_start3A_32, %dma_start3A_33] : memref<32x80x125xi32, #tpu.memory_space<hbm>> -> memref<1x40x125xi32, #tpu.memory_space<hbm>>
      %dma_start3A_35 = tpu.memref_squeeze %dma_start3A_34 : memref<1x40x125xi32, #tpu.memory_space<hbm>> -> memref<40x125xi32, #tpu.memory_space<hbm>>
      tpu.enqueue_dma source(%dma_start3A_35 : memref<40x125xi32, #tpu.memory_space<hbm>>) target(%arg8 : memref<40x125xi32, #tpu.memory_space<vmem>>) target_semaphore(%run_scoped3A : memref<!tpu.dma_semaphore, #tpu.memory_space<semaphore_mem>>)
      %dma_wait3A = arith.constant 0 : i32
      %dma_wait3A_36 = arith.constant 0 : i32
      %dma_wait3A_37 = tpu.memref_slice %arg4[%add3A, %dma_wait3A, %dma_wait3A_36] : memref<32x80x125xi32, #tpu.memory_space<hbm>> -> memref<1x40x125xi32, #tpu.memory_space<hbm>>
      %dma_wait3A_38 = tpu.memref_squeeze %dma_wait3A_37 : memref<1x40x125xi32, #tpu.memory_space<hbm>> -> memref<40x125xi32, #tpu.memory_space<hbm>>
      %dma_wait3A_39 = arith.constant 0 : i32
      %dma_wait3A_40 = arith.constant 0 : i32
      %dma_wait3A_41 = tpu.memref_slice %arg4[%add3A, %dma_wait3A_39, %dma_wait3A_40] : memref<32x80x125xi32, #tpu.memory_space<hbm>> -> memref<1x40x125xi32, #tpu.memory_space<hbm>>
      %dma_wait3A_42 = tpu.memref_squeeze %dma_wait3A_41 : memref<1x40x125xi32, #tpu.memory_space<hbm>> -> memref<40x125xi32, #tpu.memory_space<hbm>>
      tpu.wait_dma2 semaphore(%run_scoped3A : memref<!tpu.dma_semaphore, #tpu.memory_space<semaphore_mem>>) src(%dma_wait3A_42 : memref<40x125xi32, #tpu.memory_space<hbm>>) dst(%arg8 : memref<40x125xi32, #tpu.memory_space<vmem>>)
      tpu.yield
    }) : () -> ()
    %dma_start3A = arith.constant 0 : i32
    %dma_start3A_3 = arith.constant 0 : i32
    %dma_start3A_4 = tpu.memref_slice %arg7[%dma_start3A, %dma_start3A_3] : memref<40x125xi32, #tpu.memory_space<vmem>> -> memref<1x125xi32, #tpu.memory_space<vmem>>
    %dma_start3A_5 = tpu.memref_squeeze %dma_start3A_4 : memref<1x125xi32, #tpu.memory_space<vmem>> -> memref<125xi32, #tpu.memory_space<vmem>>
    %dma_start3A_6 = arith.constant 0 : i32
    %dma_start3A_7 = arith.constant 0 : i32
    %dma_start3A_8 = tpu.memref_slice %arg2[%dma_start3A_6, %dma_start3A_7] : memref<10000x128xf32, #tpu.memory_space<hbm>> -> memref<10000x128xf32, #tpu.memory_space<hbm>>
    tpu.enqueue_indirect_dma source(%dma_start3A_8 : memref<10000x128xf32, #tpu.memory_space<hbm>>) target(%arg9 : memref<125x128xf32, #tpu.memory_space<vmem>>) offsets(%dma_start3A_5 : memref<125xi32, #tpu.memory_space<vmem>>) semaphore(%arg12 : memref<!tpu.dma_semaphore, #tpu.memory_space<semaphore_mem>>)
    %scan3A = arith.constant 0 : i32
    %scan3A_9 = arith.constant 0 : i32
    %scan3A_10 = arith.constant 20 : i32
    %scan3A_11 = arith.addi %scan3A_9, %scan3A_10 : i32
    %scan3A_12 = arith.constant 1 : i32
    scf.for %scan3A_28 = %scan3A_9 to %scan3A_11 step %scan3A_12  : i32 {
      %mul3A_29 = arith.constant 2 : i32
      %mul3A_30 = arith.muli %mul3A_29, %scan3A_28 : i32
      %add3A_31 = arith.constant 0 : i32
      %add3A_32 = arith.addi %mul3A_30, %add3A_31 : i32
      %add3A_33 = arith.constant 1 : i32
      %add3A_34 = arith.addi %add3A_32, %add3A_33 : i32
      %lt3A = arith.constant 40 : i32
      %lt3A_35 = arith.cmpi slt, %add3A_34, %lt3A : i32
      %convert_element_type3A = arith.extui %lt3A_35 : i1 to i32
      %cond3A = arith.constant 0 : i32
      %cond3A_36 = arith.cmpi ne, %convert_element_type3A, %cond3A : i32
      scf.if %cond3A_36 {
        %dma_start3A_59 = arith.constant 0 : i32
        %dma_start3A_60 = tpu.memref_slice %arg7[%add3A_34, %dma_start3A_59] : memref<40x125xi32, #tpu.memory_space<vmem>> -> memref<1x125xi32, #tpu.memory_space<vmem>>
        %dma_start3A_61 = tpu.memref_squeeze %dma_start3A_60 : memref<1x125xi32, #tpu.memory_space<vmem>> -> memref<125xi32, #tpu.memory_space<vmem>>
        %dma_start3A_62 = arith.constant 0 : i32
        %dma_start3A_63 = arith.constant 0 : i32
        %dma_start3A_64 = tpu.memref_slice %arg2[%dma_start3A_62, %dma_start3A_63] : memref<10000x128xf32, #tpu.memory_space<hbm>> -> memref<10000x128xf32, #tpu.memory_space<hbm>>
        tpu.enqueue_indirect_dma source(%dma_start3A_64 : memref<10000x128xf32, #tpu.memory_space<hbm>>) target(%arg10 : memref<125x128xf32, #tpu.memory_space<vmem>>) offsets(%dma_start3A_61 : memref<125xi32, #tpu.memory_space<vmem>>) semaphore(%arg13 : memref<!tpu.dma_semaphore, #tpu.memory_space<semaphore_mem>>)
      } else {
      }
      %dma_wait3A = arith.constant 0 : i32
      %dma_wait3A_37 = tpu.memref_slice %arg7[%add3A_32, %dma_wait3A] : memref<40x125xi32, #tpu.memory_space<vmem>> -> memref<1x125xi32, #tpu.memory_space<vmem>>
      %dma_wait3A_38 = tpu.memref_squeeze %dma_wait3A_37 : memref<1x125xi32, #tpu.memory_space<vmem>> -> memref<125xi32, #tpu.memory_space<vmem>>
      %dma_wait3A_39 = arith.constant 0 : i32
      %dma_wait3A_40 = arith.constant 0 : i32
      %dma_wait3A_41 = tpu.memref_slice %arg2[%dma_wait3A_39, %dma_wait3A_40] : memref<10000x128xf32, #tpu.memory_space<hbm>> -> memref<10000x128xf32, #tpu.memory_space<hbm>>
      tpu.wait_indirect_dma semaphore(%arg12 : memref<!tpu.dma_semaphore, #tpu.memory_space<semaphore_mem>>) src(%dma_wait3A_41 : memref<10000x128xf32, #tpu.memory_space<hbm>>) dst(%arg9 : memref<125x128xf32, #tpu.memory_space<vmem>>)
      "tpu.region"() ({
        %run_scoped3A = tpu.sem_alloc : memref<!tpu.dma_semaphore, #tpu.memory_space<semaphore_mem>>
        %dma_start3A_59 = arith.constant 0 : i32
        %dma_start3A_60 = tpu.memref_slice %arg8[%add3A_32, %dma_start3A_59] : memref<40x125xi32, #tpu.memory_space<vmem>> -> memref<1x125xi32, #tpu.memory_space<vmem>>
        %dma_start3A_61 = tpu.memref_squeeze %dma_start3A_60 : memref<1x125xi32, #tpu.memory_space<vmem>> -> memref<125xi32, #tpu.memory_space<vmem>>
        %dma_start3A_62 = arith.constant 0 : i32
        %dma_start3A_63 = arith.constant 0 : i32
        %dma_start3A_64 = tpu.memref_slice %arg11[%dma_start3A_62, %dma_start3A_63] : memref<10000x128xf32, #tpu.memory_space<vmem_shared>> -> memref<10000x128xf32, #tpu.memory_space<vmem_shared>>
        tpu.enqueue_indirect_dma source(%arg9 : memref<125x128xf32, #tpu.memory_space<vmem>>) target(%dma_start3A_64 : memref<10000x128xf32, #tpu.memory_space<vmem_shared>>) offsets(%dma_start3A_61 : memref<125xi32, #tpu.memory_space<vmem>>) semaphore(%run_scoped3A : memref<!tpu.dma_semaphore, #tpu.memory_space<semaphore_mem>>) {add = true}
        %dma_wait3A_65 = arith.constant 0 : i32
        %dma_wait3A_66 = tpu.memref_slice %arg8[%add3A_32, %dma_wait3A_65] : memref<40x125xi32, #tpu.memory_space<vmem>> -> memref<1x125xi32, #tpu.memory_space<vmem>>
        %dma_wait3A_67 = tpu.memref_squeeze %dma_wait3A_66 : memref<1x125xi32, #tpu.memory_space<vmem>> -> memref<125xi32, #tpu.memory_space<vmem>>
        %dma_wait3A_68 = arith.constant 0 : i32
        %dma_wait3A_69 = arith.constant 0 : i32
        %dma_wait3A_70 = tpu.memref_slice %arg11[%dma_wait3A_68, %dma_wait3A_69] : memref<10000x128xf32, #tpu.memory_space<vmem_shared>> -> memref<10000x128xf32, #tpu.memory_space<vmem_shared>>
        tpu.wait_indirect_dma semaphore(%run_scoped3A : memref<!tpu.dma_semaphore, #tpu.memory_space<semaphore_mem>>) src(%arg9 : memref<125x128xf32, #tpu.memory_space<vmem>>) dst(%dma_wait3A_70 : memref<10000x128xf32, #tpu.memory_space<vmem_shared>>)
        tpu.yield
      }) : () -> ()
      %mul3A_42 = arith.constant 2 : i32
      %mul3A_43 = arith.muli %mul3A_42, %scan3A_28 : i32
      %add3A_44 = arith.constant 1 : i32
      %add3A_45 = arith.addi %mul3A_43, %add3A_44 : i32
      %add3A_46 = arith.constant 1 : i32
      %add3A_47 = arith.addi %add3A_45, %add3A_46 : i32
      %lt3A_48 = arith.constant 40 : i32
      %lt3A_49 = arith.cmpi slt, %add3A_47, %lt3A_48 : i32
      %convert_element_type3A_50 = arith.extui %lt3A_49 : i1 to i32
      %cond3A_51 = arith.constant 0 : i32
      %cond3A_52 = arith.cmpi ne, %convert_element_type3A_50, %cond3A_51 : i32
      scf.if %cond3A_52 {
        %dma_start3A_59 = arith.constant 0 : i32
        %dma_start3A_60 = tpu.memref_slice %arg7[%add3A_47, %dma_start3A_59] : memref<40x125xi32, #tpu.memory_space<vmem>> -> memref<1x125xi32, #tpu.memory_space<vmem>>
        %dma_start3A_61 = tpu.memref_squeeze %dma_start3A_60 : memref<1x125xi32, #tpu.memory_space<vmem>> -> memref<125xi32, #tpu.memory_space<vmem>>
        %dma_start3A_62 = arith.constant 0 : i32
        %dma_start3A_63 = arith.constant 0 : i32
        %dma_start3A_64 = tpu.memref_slice %arg2[%dma_start3A_62, %dma_start3A_63] : memref<10000x128xf32, #tpu.memory_space<hbm>> -> memref<10000x128xf32, #tpu.memory_space<hbm>>
        tpu.enqueue_indirect_dma source(%dma_start3A_64 : memref<10000x128xf32, #tpu.memory_space<hbm>>) target(%arg9 : memref<125x128xf32, #tpu.memory_space<vmem>>) offsets(%dma_start3A_61 : memref<125xi32, #tpu.memory_space<vmem>>) semaphore(%arg12 : memref<!tpu.dma_semaphore, #tpu.memory_space<semaphore_mem>>)
      } else {
      }
      %dma_wait3A_53 = arith.constant 0 : i32
      %dma_wait3A_54 = tpu.memref_slice %arg7[%add3A_45, %dma_wait3A_53] : memref<40x125xi32, #tpu.memory_space<vmem>> -> memref<1x125xi32, #tpu.memory_space<vmem>>
      %dma_wait3A_55 = tpu.memref_squeeze %dma_wait3A_54 : memref<1x125xi32, #tpu.memory_space<vmem>> -> memref<125xi32, #tpu.memory_space<vmem>>
      %dma_wait3A_56 = arith.constant 0 : i32
      %dma_wait3A_57 = arith.constant 0 : i32
      %dma_wait3A_58 = tpu.memref_slice %arg2[%dma_wait3A_56, %dma_wait3A_57] : memref<10000x128xf32, #tpu.memory_space<hbm>> -> memref<10000x128xf32, #tpu.memory_space<hbm>>
      tpu.wait_indirect_dma semaphore(%arg13 : memref<!tpu.dma_semaphore, #tpu.memory_space<semaphore_mem>>) src(%dma_wait3A_58 : memref<10000x128xf32, #tpu.memory_space<hbm>>) dst(%arg10 : memref<125x128xf32, #tpu.memory_space<vmem>>)
      "tpu.region"() ({
        %run_scoped3A = tpu.sem_alloc : memref<!tpu.dma_semaphore, #tpu.memory_space<semaphore_mem>>
        %dma_start3A_59 = arith.constant 0 : i32
        %dma_start3A_60 = tpu.memref_slice %arg8[%add3A_45, %dma_start3A_59] : memref<40x125xi32, #tpu.memory_space<vmem>> -> memref<1x125xi32, #tpu.memory_space<vmem>>
        %dma_start3A_61 = tpu.memref_squeeze %dma_start3A_60 : memref<1x125xi32, #tpu.memory_space<vmem>> -> memref<125xi32, #tpu.memory_space<vmem>>
        %dma_start3A_62 = arith.constant 0 : i32
        %dma_start3A_63 = arith.constant 0 : i32
        %dma_start3A_64 = tpu.memref_slice %arg11[%dma_start3A_62, %dma_start3A_63] : memref<10000x128xf32, #tpu.memory_space<vmem_shared>> -> memref<10000x128xf32, #tpu.memory_space<vmem_shared>>
        tpu.enqueue_indirect_dma source(%arg10 : memref<125x128xf32, #tpu.memory_space<vmem>>) target(%dma_start3A_64 : memref<10000x128xf32, #tpu.memory_space<vmem_shared>>) offsets(%dma_start3A_61 : memref<125xi32, #tpu.memory_space<vmem>>) semaphore(%run_scoped3A : memref<!tpu.dma_semaphore, #tpu.memory_space<semaphore_mem>>) {add = true}
        %dma_wait3A_65 = arith.constant 0 : i32
        %dma_wait3A_66 = tpu.memref_slice %arg8[%add3A_45, %dma_wait3A_65] : memref<40x125xi32, #tpu.memory_space<vmem>> -> memref<1x125xi32, #tpu.memory_space<vmem>>
        %dma_wait3A_67 = tpu.memref_squeeze %dma_wait3A_66 : memref<1x125xi32, #tpu.memory_space<vmem>> -> memref<125xi32, #tpu.memory_space<vmem>>
        %dma_wait3A_68 = arith.constant 0 : i32
        %dma_wait3A_69 = arith.constant 0 : i32
        %dma_wait3A_70 = tpu.memref_slice %arg11[%dma_wait3A_68, %dma_wait3A_69] : memref<10000x128xf32, #tpu.memory_space<vmem_shared>> -> memref<10000x128xf32, #tpu.memory_space<vmem_shared>>
        tpu.wait_indirect_dma semaphore(%run_scoped3A : memref<!tpu.dma_semaphore, #tpu.memory_space<semaphore_mem>>) src(%arg10 : memref<125x128xf32, #tpu.memory_space<vmem>>) dst(%dma_wait3A_70 : memref<10000x128xf32, #tpu.memory_space<vmem_shared>>)
        tpu.yield
      }) : () -> ()
    }
    %scan3A_13 = arith.constant 20 : i32
    "tpu.region"() ({
      %run_scoped3A = tpu.sem_alloc : memref<!tpu.dma_semaphore, #tpu.memory_space<semaphore_mem>>
      %dma_start3A_28 = arith.constant 40 : i32
      %dma_start3A_29 = arith.constant 0 : i32
      %dma_start3A_30 = tpu.memref_slice %arg3[%add3A, %dma_start3A_28, %dma_start3A_29] : memref<32x80x125xi32, #tpu.memory_space<hbm>> -> memref<1x40x125xi32, #tpu.memory_space<hbm>>
      %dma_start3A_31 = tpu.memref_squeeze %dma_start3A_30 : memref<1x40x125xi32, #tpu.memory_space<hbm>> -> memref<40x125xi32, #tpu.memory_space<hbm>>
      %dma_start3A_32 = arith.constant 40 : i32
      %dma_start3A_33 = arith.constant 0 : i32
      %dma_start3A_34 = tpu.memref_slice %arg3[%add3A, %dma_start3A_32, %dma_start3A_33] : memref<32x80x125xi32, #tpu.memory_space<hbm>> -> memref<1x40x125xi32, #tpu.memory_space<hbm>>
      %dma_start3A_35 = tpu.memref_squeeze %dma_start3A_34 : memref<1x40x125xi32, #tpu.memory_space<hbm>> -> memref<40x125xi32, #tpu.memory_space<hbm>>
      tpu.enqueue_dma source(%dma_start3A_35 : memref<40x125xi32, #tpu.memory_space<hbm>>) target(%arg7 : memref<40x125xi32, #tpu.memory_space<vmem>>) target_semaphore(%run_scoped3A : memref<!tpu.dma_semaphore, #tpu.memory_space<semaphore_mem>>)
      %dma_wait3A = arith.constant 40 : i32
      %dma_wait3A_36 = arith.constant 0 : i32
      %dma_wait3A_37 = tpu.memref_slice %arg3[%add3A, %dma_wait3A, %dma_wait3A_36] : memref<32x80x125xi32, #tpu.memory_space<hbm>> -> memref<1x40x125xi32, #tpu.memory_space<hbm>>
      %dma_wait3A_38 = tpu.memref_squeeze %dma_wait3A_37 : memref<1x40x125xi32, #tpu.memory_space<hbm>> -> memref<40x125xi32, #tpu.memory_space<hbm>>
      %dma_wait3A_39 = arith.constant 40 : i32
      %dma_wait3A_40 = arith.constant 0 : i32
      %dma_wait3A_41 = tpu.memref_slice %arg3[%add3A, %dma_wait3A_39, %dma_wait3A_40] : memref<32x80x125xi32, #tpu.memory_space<hbm>> -> memref<1x40x125xi32, #tpu.memory_space<hbm>>
      %dma_wait3A_42 = tpu.memref_squeeze %dma_wait3A_41 : memref<1x40x125xi32, #tpu.memory_space<hbm>> -> memref<40x125xi32, #tpu.memory_space<hbm>>
      tpu.wait_dma2 semaphore(%run_scoped3A : memref<!tpu.dma_semaphore, #tpu.memory_space<semaphore_mem>>) src(%dma_wait3A_42 : memref<40x125xi32, #tpu.memory_space<hbm>>) dst(%arg7 : memref<40x125xi32, #tpu.memory_space<vmem>>)
      tpu.yield
    }) : () -> ()
    "tpu.region"() ({
      %run_scoped3A = tpu.sem_alloc : memref<!tpu.dma_semaphore, #tpu.memory_space<semaphore_mem>>
      %dma_start3A_28 = arith.constant 40 : i32
      %dma_start3A_29 = arith.constant 0 : i32
      %dma_start3A_30 = tpu.memref_slice %arg4[%add3A, %dma_start3A_28, %dma_start3A_29] : memref<32x80x125xi32, #tpu.memory_space<hbm>> -> memref<1x40x125xi32, #tpu.memory_space<hbm>>
      %dma_start3A_31 = tpu.memref_squeeze %dma_start3A_30 : memref<1x40x125xi32, #tpu.memory_space<hbm>> -> memref<40x125xi32, #tpu.memory_space<hbm>>
      %dma_start3A_32 = arith.constant 40 : i32
      %dma_start3A_33 = arith.constant 0 : i32
      %dma_start3A_34 = tpu.memref_slice %arg4[%add3A, %dma_start3A_32, %dma_start3A_33] : memref<32x80x125xi32, #tpu.memory_space<hbm>> -> memref<1x40x125xi32, #tpu.memory_space<hbm>>
      %dma_start3A_35 = tpu.memref_squeeze %dma_start3A_34 : memref<1x40x125xi32, #tpu.memory_space<hbm>> -> memref<40x125xi32, #tpu.memory_space<hbm>>
      tpu.enqueue_dma source(%dma_start3A_35 : memref<40x125xi32, #tpu.memory_space<hbm>>) target(%arg8 : memref<40x125xi32, #tpu.memory_space<vmem>>) target_semaphore(%run_scoped3A : memref<!tpu.dma_semaphore, #tpu.memory_space<semaphore_mem>>)
      %dma_wait3A = arith.constant 40 : i32
      %dma_wait3A_36 = arith.constant 0 : i32
      %dma_wait3A_37 = tpu.memref_slice %arg4[%add3A, %dma_wait3A, %dma_wait3A_36] : memref<32x80x125xi32, #tpu.memory_space<hbm>> -> memref<1x40x125xi32, #tpu.memory_space<hbm>>
      %dma_wait3A_38 = tpu.memref_squeeze %dma_wait3A_37 : memref<1x40x125xi32, #tpu.memory_space<hbm>> -> memref<40x125xi32, #tpu.memory_space<hbm>>
      %dma_wait3A_39 = arith.constant 40 : i32
      %dma_wait3A_40 = arith.constant 0 : i32
      %dma_wait3A_41 = tpu.memref_slice %arg4[%add3A, %dma_wait3A_39, %dma_wait3A_40] : memref<32x80x125xi32, #tpu.memory_space<hbm>> -> memref<1x40x125xi32, #tpu.memory_space<hbm>>
      %dma_wait3A_42 = tpu.memref_squeeze %dma_wait3A_41 : memref<1x40x125xi32, #tpu.memory_space<hbm>> -> memref<40x125xi32, #tpu.memory_space<hbm>>
      tpu.wait_dma2 semaphore(%run_scoped3A : memref<!tpu.dma_semaphore, #tpu.memory_space<semaphore_mem>>) src(%dma_wait3A_42 : memref<40x125xi32, #tpu.memory_space<hbm>>) dst(%arg8 : memref<40x125xi32, #tpu.memory_space<vmem>>)
      tpu.yield
    }) : () -> ()
    %dma_start3A_14 = arith.constant 0 : i32
    %dma_start3A_15 = arith.constant 0 : i32
    %dma_start3A_16 = tpu.memref_slice %arg7[%dma_start3A_14, %dma_start3A_15] : memref<40x125xi32, #tpu.memory_space<vmem>> -> memref<1x125xi32, #tpu.memory_space<vmem>>
    %dma_start3A_17 = tpu.memref_squeeze %dma_start3A_16 : memref<1x125xi32, #tpu.memory_space<vmem>> -> memref<125xi32, #tpu.memory_space<vmem>>
    %dma_start3A_18 = arith.constant 0 : i32
    %dma_start3A_19 = arith.constant 0 : i32
    %dma_start3A_20 = tpu.memref_slice %arg2[%dma_start3A_18, %dma_start3A_19] : memref<10000x128xf32, #tpu.memory_space<hbm>> -> memref<10000x128xf32, #tpu.memory_space<hbm>>
    tpu.enqueue_indirect_dma source(%dma_start3A_20 : memref<10000x128xf32, #tpu.memory_space<hbm>>) target(%arg9 : memref<125x128xf32, #tpu.memory_space<vmem>>) offsets(%dma_start3A_17 : memref<125xi32, #tpu.memory_space<vmem>>) semaphore(%arg12 : memref<!tpu.dma_semaphore, #tpu.memory_space<semaphore_mem>>)
    %scan3A_21 = arith.constant 0 : i32
    %scan3A_22 = arith.constant 0 : i32
    %scan3A_23 = arith.constant 20 : i32
    %scan3A_24 = arith.addi %scan3A_22, %scan3A_23 : i32
    %scan3A_25 = arith.constant 1 : i32
    scf.for %scan3A_28 = %scan3A_22 to %scan3A_24 step %scan3A_25  : i32 {
      %mul3A_29 = arith.constant 2 : i32
      %mul3A_30 = arith.muli %mul3A_29, %scan3A_28 : i32
      %add3A_31 = arith.constant 0 : i32
      %add3A_32 = arith.addi %mul3A_30, %add3A_31 : i32
      %add3A_33 = arith.constant 1 : i32
      %add3A_34 = arith.addi %add3A_32, %add3A_33 : i32
      %lt3A = arith.constant 40 : i32
      %lt3A_35 = arith.cmpi slt, %add3A_34, %lt3A : i32
      %convert_element_type3A = arith.extui %lt3A_35 : i1 to i32
      %cond3A = arith.constant 0 : i32
      %cond3A_36 = arith.cmpi ne, %convert_element_type3A, %cond3A : i32
      scf.if %cond3A_36 {
        %dma_start3A_59 = arith.constant 0 : i32
        %dma_start3A_60 = tpu.memref_slice %arg7[%add3A_34, %dma_start3A_59] : memref<40x125xi32, #tpu.memory_space<vmem>> -> memref<1x125xi32, #tpu.memory_space<vmem>>
        %dma_start3A_61 = tpu.memref_squeeze %dma_start3A_60 : memref<1x125xi32, #tpu.memory_space<vmem>> -> memref<125xi32, #tpu.memory_space<vmem>>
        %dma_start3A_62 = arith.constant 0 : i32
        %dma_start3A_63 = arith.constant 0 : i32
        %dma_start3A_64 = tpu.memref_slice %arg2[%dma_start3A_62, %dma_start3A_63] : memref<10000x128xf32, #tpu.memory_space<hbm>> -> memref<10000x128xf32, #tpu.memory_space<hbm>>
        tpu.enqueue_indirect_dma source(%dma_start3A_64 : memref<10000x128xf32, #tpu.memory_space<hbm>>) target(%arg10 : memref<125x128xf32, #tpu.memory_space<vmem>>) offsets(%dma_start3A_61 : memref<125xi32, #tpu.memory_space<vmem>>) semaphore(%arg13 : memref<!tpu.dma_semaphore, #tpu.memory_space<semaphore_mem>>)
      } else {
      }
      %dma_wait3A = arith.constant 0 : i32
      %dma_wait3A_37 = tpu.memref_slice %arg7[%add3A_32, %dma_wait3A] : memref<40x125xi32, #tpu.memory_space<vmem>> -> memref<1x125xi32, #tpu.memory_space<vmem>>
      %dma_wait3A_38 = tpu.memref_squeeze %dma_wait3A_37 : memref<1x125xi32, #tpu.memory_space<vmem>> -> memref<125xi32, #tpu.memory_space<vmem>>
      %dma_wait3A_39 = arith.constant 0 : i32
      %dma_wait3A_40 = arith.constant 0 : i32
      %dma_wait3A_41 = tpu.memref_slice %arg2[%dma_wait3A_39, %dma_wait3A_40] : memref<10000x128xf32, #tpu.memory_space<hbm>> -> memref<10000x128xf32, #tpu.memory_space<hbm>>
      tpu.wait_indirect_dma semaphore(%arg12 : memref<!tpu.dma_semaphore, #tpu.memory_space<semaphore_mem>>) src(%dma_wait3A_41 : memref<10000x128xf32, #tpu.memory_space<hbm>>) dst(%arg9 : memref<125x128xf32, #tpu.memory_space<vmem>>)
      "tpu.region"() ({
        %run_scoped3A = tpu.sem_alloc : memref<!tpu.dma_semaphore, #tpu.memory_space<semaphore_mem>>
        %dma_start3A_59 = arith.constant 0 : i32
        %dma_start3A_60 = tpu.memref_slice %arg8[%add3A_32, %dma_start3A_59] : memref<40x125xi32, #tpu.memory_space<vmem>> -> memref<1x125xi32, #tpu.memory_space<vmem>>
        %dma_start3A_61 = tpu.memref_squeeze %dma_start3A_60 : memref<1x125xi32, #tpu.memory_space<vmem>> -> memref<125xi32, #tpu.memory_space<vmem>>
        %dma_start3A_62 = arith.constant 0 : i32
        %dma_start3A_63 = arith.constant 0 : i32
        %dma_start3A_64 = tpu.memref_slice %arg11[%dma_start3A_62, %dma_start3A_63] : memref<10000x128xf32, #tpu.memory_space<vmem_shared>> -> memref<10000x128xf32, #tpu.memory_space<vmem_shared>>
        tpu.enqueue_indirect_dma source(%arg9 : memref<125x128xf32, #tpu.memory_space<vmem>>) target(%dma_start3A_64 : memref<10000x128xf32, #tpu.memory_space<vmem_shared>>) offsets(%dma_start3A_61 : memref<125xi32, #tpu.memory_space<vmem>>) semaphore(%run_scoped3A : memref<!tpu.dma_semaphore, #tpu.memory_space<semaphore_mem>>) {add = true}
        %dma_wait3A_65 = arith.constant 0 : i32
        %dma_wait3A_66 = tpu.memref_slice %arg8[%add3A_32, %dma_wait3A_65] : memref<40x125xi32, #tpu.memory_space<vmem>> -> memref<1x125xi32, #tpu.memory_space<vmem>>
        %dma_wait3A_67 = tpu.memref_squeeze %dma_wait3A_66 : memref<1x125xi32, #tpu.memory_space<vmem>> -> memref<125xi32, #tpu.memory_space<vmem>>
        %dma_wait3A_68 = arith.constant 0 : i32
        %dma_wait3A_69 = arith.constant 0 : i32
        %dma_wait3A_70 = tpu.memref_slice %arg11[%dma_wait3A_68, %dma_wait3A_69] : memref<10000x128xf32, #tpu.memory_space<vmem_shared>> -> memref<10000x128xf32, #tpu.memory_space<vmem_shared>>
        tpu.wait_indirect_dma semaphore(%run_scoped3A : memref<!tpu.dma_semaphore, #tpu.memory_space<semaphore_mem>>) src(%arg9 : memref<125x128xf32, #tpu.memory_space<vmem>>) dst(%dma_wait3A_70 : memref<10000x128xf32, #tpu.memory_space<vmem_shared>>)
        tpu.yield
      }) : () -> ()
      %mul3A_42 = arith.constant 2 : i32
      %mul3A_43 = arith.muli %mul3A_42, %scan3A_28 : i32
      %add3A_44 = arith.constant 1 : i32
      %add3A_45 = arith.addi %mul3A_43, %add3A_44 : i32
      %add3A_46 = arith.constant 1 : i32
      %add3A_47 = arith.addi %add3A_45, %add3A_46 : i32
      %lt3A_48 = arith.constant 40 : i32
      %lt3A_49 = arith.cmpi slt, %add3A_47, %lt3A_48 : i32
      %convert_element_type3A_50 = arith.extui %lt3A_49 : i1 to i32
      %cond3A_51 = arith.constant 0 : i32
      %cond3A_52 = arith.cmpi ne, %convert_element_type3A_50, %cond3A_51 : i32
      scf.if %cond3A_52 {
        %dma_start3A_59 = arith.constant 0 : i32
        %dma_start3A_60 = tpu.memref_slice %arg7[%add3A_47, %dma_start3A_59] : memref<40x125xi32, #tpu.memory_space<vmem>> -> memref<1x125xi32, #tpu.memory_space<vmem>>
        %dma_start3A_61 = tpu.memref_squeeze %dma_start3A_60 : memref<1x125xi32, #tpu.memory_space<vmem>> -> memref<125xi32, #tpu.memory_space<vmem>>
        %dma_start3A_62 = arith.constant 0 : i32
        %dma_start3A_63 = arith.constant 0 : i32
        %dma_start3A_64 = tpu.memref_slice %arg2[%dma_start3A_62, %dma_start3A_63] : memref<10000x128xf32, #tpu.memory_space<hbm>> -> memref<10000x128xf32, #tpu.memory_space<hbm>>
        tpu.enqueue_indirect_dma source(%dma_start3A_64 : memref<10000x128xf32, #tpu.memory_space<hbm>>) target(%arg9 : memref<125x128xf32, #tpu.memory_space<vmem>>) offsets(%dma_start3A_61 : memref<125xi32, #tpu.memory_space<vmem>>) semaphore(%arg12 : memref<!tpu.dma_semaphore, #tpu.memory_space<semaphore_mem>>)
      } else {
      }
      %dma_wait3A_53 = arith.constant 0 : i32
      %dma_wait3A_54 = tpu.memref_slice %arg7[%add3A_45, %dma_wait3A_53] : memref<40x125xi32, #tpu.memory_space<vmem>> -> memref<1x125xi32, #tpu.memory_space<vmem>>
      %dma_wait3A_55 = tpu.memref_squeeze %dma_wait3A_54 : memref<1x125xi32, #tpu.memory_space<vmem>> -> memref<125xi32, #tpu.memory_space<vmem>>
      %dma_wait3A_56 = arith.constant 0 : i32
      %dma_wait3A_57 = arith.constant 0 : i32
      %dma_wait3A_58 = tpu.memref_slice %arg2[%dma_wait3A_56, %dma_wait3A_57] : memref<10000x128xf32, #tpu.memory_space<hbm>> -> memref<10000x128xf32, #tpu.memory_space<hbm>>
      tpu.wait_indirect_dma semaphore(%arg13 : memref<!tpu.dma_semaphore, #tpu.memory_space<semaphore_mem>>) src(%dma_wait3A_58 : memref<10000x128xf32, #tpu.memory_space<hbm>>) dst(%arg10 : memref<125x128xf32, #tpu.memory_space<vmem>>)
      "tpu.region"() ({
        %run_scoped3A = tpu.sem_alloc : memref<!tpu.dma_semaphore, #tpu.memory_space<semaphore_mem>>
        %dma_start3A_59 = arith.constant 0 : i32
        %dma_start3A_60 = tpu.memref_slice %arg8[%add3A_45, %dma_start3A_59] : memref<40x125xi32, #tpu.memory_space<vmem>> -> memref<1x125xi32, #tpu.memory_space<vmem>>
        %dma_start3A_61 = tpu.memref_squeeze %dma_start3A_60 : memref<1x125xi32, #tpu.memory_space<vmem>> -> memref<125xi32, #tpu.memory_space<vmem>>
        %dma_start3A_62 = arith.constant 0 : i32
        %dma_start3A_63 = arith.constant 0 : i32
        %dma_start3A_64 = tpu.memref_slice %arg11[%dma_start3A_62, %dma_start3A_63] : memref<10000x128xf32, #tpu.memory_space<vmem_shared>> -> memref<10000x128xf32, #tpu.memory_space<vmem_shared>>
        tpu.enqueue_indirect_dma source(%arg10 : memref<125x128xf32, #tpu.memory_space<vmem>>) target(%dma_start3A_64 : memref<10000x128xf32, #tpu.memory_space<vmem_shared>>) offsets(%dma_start3A_61 : memref<125xi32, #tpu.memory_space<vmem>>) semaphore(%run_scoped3A : memref<!tpu.dma_semaphore, #tpu.memory_space<semaphore_mem>>) {add = true}
        %dma_wait3A_65 = arith.constant 0 : i32
        %dma_wait3A_66 = tpu.memref_slice %arg8[%add3A_45, %dma_wait3A_65] : memref<40x125xi32, #tpu.memory_space<vmem>> -> memref<1x125xi32, #tpu.memory_space<vmem>>
        %dma_wait3A_67 = tpu.memref_squeeze %dma_wait3A_66 : memref<1x125xi32, #tpu.memory_space<vmem>> -> memref<125xi32, #tpu.memory_space<vmem>>
        %dma_wait3A_68 = arith.constant 0 : i32
        %dma_wait3A_69 = arith.constant 0 : i32
        %dma_wait3A_70 = tpu.memref_slice %arg11[%dma_wait3A_68, %dma_wait3A_69] : memref<10000x128xf32, #tpu.memory_space<vmem_shared>> -> memref<10000x128xf32, #tpu.memory_space<vmem_shared>>
        tpu.wait_indirect_dma semaphore(%run_scoped3A : memref<!tpu.dma_semaphore, #tpu.memory_space<semaphore_mem>>) src(%arg10 : memref<125x128xf32, #tpu.memory_space<vmem>>) dst(%dma_wait3A_70 : memref<10000x128xf32, #tpu.memory_space<vmem_shared>>)
        tpu.yield
      }) : () -> ()
    }
    %scan3A_26 = arith.constant 20 : i32
    %barrier3A_27 = arith.constant 0 : index
    tpu.barrier barrier_id(%barrier3A_27)
    "tpu.region"() ({
      %run_scoped3A = tpu.sem_alloc : memref<!tpu.dma_semaphore, #tpu.memory_space<semaphore_mem>>
      %dma_start3A_28 = arith.constant 0 : i32
      %dma_start3A_29 = arith.constant 0 : i32
      %dma_start3A_30 = tpu.memref_slice %arg6[%arg0, %arg1, %dma_start3A_28, %dma_start3A_29] : memref<2x16x625x128xf32, #tpu.memory_space<hbm>> -> memref<1x1x625x128xf32, #tpu.memory_space<hbm>>
      %dma_start3A_31 = tpu.memref_squeeze %dma_start3A_30 : memref<1x1x625x128xf32, #tpu.memory_space<hbm>> -> memref<625x128xf32, #tpu.memory_space<hbm>>
      %dma_start3A_32 = arith.constant 0 : i32
      %dma_start3A_33 = tpu.memref_slice %arg11[%mul3A_2, %dma_start3A_32] : memref<10000x128xf32, #tpu.memory_space<vmem_shared>> -> memref<625x128xf32, #tpu.memory_space<vmem_shared>>
      tpu.enqueue_dma source(%dma_start3A_33 : memref<625x128xf32, #tpu.memory_space<vmem_shared>>) target(%dma_start3A_31 : memref<625x128xf32, #tpu.memory_space<hbm>>) target_semaphore(%run_scoped3A : memref<!tpu.dma_semaphore, #tpu.memory_space<semaphore_mem>>)
      %dma_wait3A = arith.constant 0 : i32
      %dma_wait3A_34 = arith.constant 0 : i32
      %dma_wait3A_35 = tpu.memref_slice %arg6[%arg0, %arg1, %dma_wait3A, %dma_wait3A_34] : memref<2x16x625x128xf32, #tpu.memory_space<hbm>> -> memref<1x1x625x128xf32, #tpu.memory_space<hbm>>
      %dma_wait3A_36 = tpu.memref_squeeze %dma_wait3A_35 : memref<1x1x625x128xf32, #tpu.memory_space<hbm>> -> memref<625x128xf32, #tpu.memory_space<hbm>>
      %dma_wait3A_37 = arith.constant 0 : i32
      %dma_wait3A_38 = tpu.memref_slice %arg11[%mul3A_2, %dma_wait3A_37] : memref<10000x128xf32, #tpu.memory_space<vmem_shared>> -> memref<625x128xf32, #tpu.memory_space<vmem_shared>>
      tpu.wait_dma2 semaphore(%run_scoped3A : memref<!tpu.dma_semaphore, #tpu.memory_space<semaphore_mem>>) src(%dma_wait3A_38 : memref<625x128xf32, #tpu.memory_space<vmem_shared>>) dst(%dma_wait3A_36 : memref<625x128xf32, #tpu.memory_space<hbm>>)
      tpu.yield
    }) : () -> ()
    return
  }
}

#map = affine_map<(d0, d1) -> (0, 0)>
#map1 = affine_map<(d0, d1) -> (0, 0, 0)>
#map2 = affine_map<(d0, d1) -> (0, 0, 0, 0)>
module attributes {stable_mosaic.version = 14 : i64} {
  func.func @agg_kernel(%arg0: i32, %arg1: i32, %arg2: memref<10000x128xf32, #tpu.memory_space<hbm>>, %arg3: memref<32x80x125xi32, #tpu.memory_space<hbm>>, %arg4: memref<32x80x125xi32, #tpu.memory_space<hbm>>, %arg5: memref<16x625x128xf32, #tpu.memory_space<hbm>>, %arg6: memref<2x16x625x128xf32, #tpu.memory_space<hbm>>, %arg7: memref<40x125xi32, #tpu.memory_space<vmem>>, %arg8: memref<40x125xi32, #tpu.memory_space<vmem>>, %arg9: memref<125x128xf32, #tpu.memory_space<vmem>>, %arg10: memref<125x128xf32, #tpu.memory_space<vmem>>, %arg11: memref<10000x128xf32, #tpu.memory_space<vmem_shared>>, %arg12: memref<!tpu.dma_semaphore, #tpu.memory_space<semaphore_mem>>, %arg13: memref<!tpu.dma_semaphore, #tpu.memory_space<semaphore_mem>>) attributes {dimension_semantics = [#tpu.dimension_semantics<core_parallel>, #tpu.dimension_semantics<subcore_parallel>], iteration_bounds = array<i64: 2, 16>, scalar_prefetch = 0 : i64, scratch_operands = 7 : i64, tpu.core_type = #tpu.core_type<sc_vector_subcore>, window_params = [{transform_indices = #map}, {transform_indices = #map1}, {transform_indices = #map1}, {transform_indices = #map1}, {transform_indices = #map2}]} {
    %mul3A = arith.constant 16 : i32
    %mul3A_0 = arith.muli %arg0, %mul3A : i32
    %add3A = arith.addi %mul3A_0, %arg1 : i32
    %mul3A_1 = arith.constant 625 : i32
    %mul3A_2 = arith.muli %arg1, %mul3A_1 : i32
    "tpu.region"() ({
      %run_scoped3A = tpu.sem_alloc : memref<!tpu.dma_semaphore, #tpu.memory_space<semaphore_mem>>
      %dma_start3A_28 = arith.constant 0 : i32
      %dma_start3A_29 = tpu.memref_slice %arg11[%mul3A_2, %dma_start3A_28] : memref<10000x128xf32, #tpu.memory_space<vmem_shared>> -> memref<625x128xf32, #tpu.memory_space<vmem_shared>>
      %dma_start3A_30 = arith.constant 0 : i32
      %dma_start3A_31 = arith.constant 0 : i32
      %dma_start3A_32 = tpu.memref_slice %arg5[%arg1, %dma_start3A_30, %dma_start3A_31] : memref<16x625x128xf32, #tpu.memory_space<hbm>> -> memref<1x625x128xf32, #tpu.memory_space<hbm>>
      %dma_start3A_33 = tpu.memref_squeeze %dma_start3A_32 : memref<1x625x128xf32, #tpu.memory_space<hbm>> -> memref<625x128xf32, #tpu.memory_space<hbm>>
      tpu.enqueue_dma source(%dma_start3A_33 : memref<625x128xf32, #tpu.memory_space<hbm>>) target(%dma_start3A_29 : memref<625x128xf32, #tpu.memory_space<vmem_shared>>) target_semaphore(%run_scoped3A : memref<!tpu.dma_semaphore, #tpu.memory_space<semaphore_mem>>)
      %dma_wait3A = arith.constant 0 : i32
      %dma_wait3A_34 = tpu.memref_slice %arg11[%mul3A_2, %dma_wait3A] : memref<10000x128xf32, #tpu.memory_space<vmem_shared>> -> memref<625x128xf32, #tpu.memory_space<vmem_shared>>
      %dma_wait3A_35 = arith.constant 0 : i32
      %dma_wait3A_36 = arith.constant 0 : i32
      %dma_wait3A_37 = tpu.memref_slice %arg5[%arg1, %dma_wait3A_35, %dma_wait3A_36] : memref<16x625x128xf32, #tpu.memory_space<hbm>> -> memref<1x625x128xf32, #tpu.memory_space<hbm>>
      %dma_wait3A_38 = tpu.memref_squeeze %dma_wait3A_37 : memref<1x625x128xf32, #tpu.memory_space<hbm>> -> memref<625x128xf32, #tpu.memory_space<hbm>>
      tpu.wait_dma2 semaphore(%run_scoped3A : memref<!tpu.dma_semaphore, #tpu.memory_space<semaphore_mem>>) src(%dma_wait3A_38 : memref<625x128xf32, #tpu.memory_space<hbm>>) dst(%dma_wait3A_34 : memref<625x128xf32, #tpu.memory_space<vmem_shared>>)
      tpu.yield
    }) : () -> ()
    %barrier3A = arith.constant 0 : index
    tpu.barrier barrier_id(%barrier3A)
    "tpu.region"() ({
      %run_scoped3A = tpu.sem_alloc : memref<!tpu.dma_semaphore, #tpu.memory_space<semaphore_mem>>
      %dma_start3A_28 = arith.constant 0 : i32
      %dma_start3A_29 = arith.constant 0 : i32
      %dma_start3A_30 = tpu.memref_slice %arg3[%add3A, %dma_start3A_28, %dma_start3A_29] : memref<32x80x125xi32, #tpu.memory_space<hbm>> -> memref<1x40x125xi32, #tpu.memory_space<hbm>>
      %dma_start3A_31 = tpu.memref_squeeze %dma_start3A_30 : memref<1x40x125xi32, #tpu.memory_space<hbm>> -> memref<40x125xi32, #tpu.memory_space<hbm>>
      %dma_start3A_32 = arith.constant 0 : i32
      %dma_start3A_33 = arith.constant 0 : i32
      %dma_start3A_34 = tpu.memref_slice %arg3[%add3A, %dma_start3A_32, %dma_start3A_33] : memref<32x80x125xi32, #tpu.memory_space<hbm>> -> memref<1x40x125xi32, #tpu.memory_space<hbm>>
      %dma_start3A_35 = tpu.memref_squeeze %dma_start3A_34 : memref<1x40x125xi32, #tpu.memory_space<hbm>> -> memref<40x125xi32, #tpu.memory_space<hbm>>
      tpu.enqueue_dma source(%dma_start3A_35 : memref<40x125xi32, #tpu.memory_space<hbm>>) target(%arg7 : memref<40x125xi32, #tpu.memory_space<vmem>>) target_semaphore(%run_scoped3A : memref<!tpu.dma_semaphore, #tpu.memory_space<semaphore_mem>>)
      %dma_wait3A = arith.constant 0 : i32
      %dma_wait3A_36 = arith.constant 0 : i32
      %dma_wait3A_37 = tpu.memref_slice %arg3[%add3A, %dma_wait3A, %dma_wait3A_36] : memref<32x80x125xi32, #tpu.memory_space<hbm>> -> memref<1x40x125xi32, #tpu.memory_space<hbm>>
      %dma_wait3A_38 = tpu.memref_squeeze %dma_wait3A_37 : memref<1x40x125xi32, #tpu.memory_space<hbm>> -> memref<40x125xi32, #tpu.memory_space<hbm>>
      %dma_wait3A_39 = arith.constant 0 : i32
      %dma_wait3A_40 = arith.constant 0 : i32
      %dma_wait3A_41 = tpu.memref_slice %arg3[%add3A, %dma_wait3A_39, %dma_wait3A_40] : memref<32x80x125xi32, #tpu.memory_space<hbm>> -> memref<1x40x125xi32, #tpu.memory_space<hbm>>
      %dma_wait3A_42 = tpu.memref_squeeze %dma_wait3A_41 : memref<1x40x125xi32, #tpu.memory_space<hbm>> -> memref<40x125xi32, #tpu.memory_space<hbm>>
      tpu.wait_dma2 semaphore(%run_scoped3A : memref<!tpu.dma_semaphore, #tpu.memory_space<semaphore_mem>>) src(%dma_wait3A_42 : memref<40x125xi32, #tpu.memory_space<hbm>>) dst(%arg7 : memref<40x125xi32, #tpu.memory_space<vmem>>)
      tpu.yield
    }) : () -> ()
    "tpu.region"() ({
      %run_scoped3A = tpu.sem_alloc : memref<!tpu.dma_semaphore, #tpu.memory_space<semaphore_mem>>
      %dma_start3A_28 = arith.constant 0 : i32
      %dma_start3A_29 = arith.constant 0 : i32
      %dma_start3A_30 = tpu.memref_slice %arg4[%add3A, %dma_start3A_28, %dma_start3A_29] : memref<32x80x125xi32, #tpu.memory_space<hbm>> -> memref<1x40x125xi32, #tpu.memory_space<hbm>>
      %dma_start3A_31 = tpu.memref_squeeze %dma_start3A_30 : memref<1x40x125xi32, #tpu.memory_space<hbm>> -> memref<40x125xi32, #tpu.memory_space<hbm>>
      %dma_start3A_32 = arith.constant 0 : i32
      %dma_start3A_33 = arith.constant 0 : i32
      %dma_start3A_34 = tpu.memref_slice %arg4[%add3A, %dma_start3A_32, %dma_start3A_33] : memref<32x80x125xi32, #tpu.memory_space<hbm>> -> memref<1x40x125xi32, #tpu.memory_space<hbm>>
      %dma_start3A_35 = tpu.memref_squeeze %dma_start3A_34 : memref<1x40x125xi32, #tpu.memory_space<hbm>> -> memref<40x125xi32, #tpu.memory_space<hbm>>
      tpu.enqueue_dma source(%dma_start3A_35 : memref<40x125xi32, #tpu.memory_space<hbm>>) target(%arg8 : memref<40x125xi32, #tpu.memory_space<vmem>>) target_semaphore(%run_scoped3A : memref<!tpu.dma_semaphore, #tpu.memory_space<semaphore_mem>>)
      %dma_wait3A = arith.constant 0 : i32
      %dma_wait3A_36 = arith.constant 0 : i32
      %dma_wait3A_37 = tpu.memref_slice %arg4[%add3A, %dma_wait3A, %dma_wait3A_36] : memref<32x80x125xi32, #tpu.memory_space<hbm>> -> memref<1x40x125xi32, #tpu.memory_space<hbm>>
      %dma_wait3A_38 = tpu.memref_squeeze %dma_wait3A_37 : memref<1x40x125xi32, #tpu.memory_space<hbm>> -> memref<40x125xi32, #tpu.memory_space<hbm>>
      %dma_wait3A_39 = arith.constant 0 : i32
      %dma_wait3A_40 = arith.constant 0 : i32
      %dma_wait3A_41 = tpu.memref_slice %arg4[%add3A, %dma_wait3A_39, %dma_wait3A_40] : memref<32x80x125xi32, #tpu.memory_space<hbm>> -> memref<1x40x125xi32, #tpu.memory_space<hbm>>
      %dma_wait3A_42 = tpu.memref_squeeze %dma_wait3A_41 : memref<1x40x125xi32, #tpu.memory_space<hbm>> -> memref<40x125xi32, #tpu.memory_space<hbm>>
      tpu.wait_dma2 semaphore(%run_scoped3A : memref<!tpu.dma_semaphore, #tpu.memory_space<semaphore_mem>>) src(%dma_wait3A_42 : memref<40x125xi32, #tpu.memory_space<hbm>>) dst(%arg8 : memref<40x125xi32, #tpu.memory_space<vmem>>)
      tpu.yield
    }) : () -> ()
    %dma_start3A = arith.constant 0 : i32
    %dma_start3A_3 = arith.constant 0 : i32
    %dma_start3A_4 = tpu.memref_slice %arg7[%dma_start3A, %dma_start3A_3] : memref<40x125xi32, #tpu.memory_space<vmem>> -> memref<1x125xi32, #tpu.memory_space<vmem>>
    %dma_start3A_5 = tpu.memref_squeeze %dma_start3A_4 : memref<1x125xi32, #tpu.memory_space<vmem>> -> memref<125xi32, #tpu.memory_space<vmem>>
    %dma_start3A_6 = arith.constant 0 : i32
    %dma_start3A_7 = arith.constant 0 : i32
    %dma_start3A_8 = tpu.memref_slice %arg2[%dma_start3A_6, %dma_start3A_7] : memref<10000x128xf32, #tpu.memory_space<hbm>> -> memref<10000x128xf32, #tpu.memory_space<hbm>>
    tpu.enqueue_indirect_dma source(%dma_start3A_8 : memref<10000x128xf32, #tpu.memory_space<hbm>>) target(%arg9 : memref<125x128xf32, #tpu.memory_space<vmem>>) offsets(%dma_start3A_5 : memref<125xi32, #tpu.memory_space<vmem>>) semaphore(%arg12 : memref<!tpu.dma_semaphore, #tpu.memory_space<semaphore_mem>>)
    %scan3A = arith.constant 0 : i32
    %scan3A_9 = arith.constant 0 : i32
    %scan3A_10 = arith.constant 20 : i32
    %scan3A_11 = arith.addi %scan3A_9, %scan3A_10 : i32
    %scan3A_12 = arith.constant 1 : i32
    scf.for %scan3A_28 = %scan3A_9 to %scan3A_11 step %scan3A_12  : i32 {
      %mul3A_29 = arith.constant 2 : i32
      %mul3A_30 = arith.muli %mul3A_29, %scan3A_28 : i32
      %add3A_31 = arith.constant 0 : i32
      %add3A_32 = arith.addi %mul3A_30, %add3A_31 : i32
      %add3A_33 = arith.constant 1 : i32
      %add3A_34 = arith.addi %add3A_32, %add3A_33 : i32
      %lt3A = arith.constant 40 : i32
      %lt3A_35 = arith.cmpi slt, %add3A_34, %lt3A : i32
      %convert_element_type3A = arith.extui %lt3A_35 : i1 to i32
      %cond3A = arith.constant 0 : i32
      %cond3A_36 = arith.cmpi ne, %convert_element_type3A, %cond3A : i32
      scf.if %cond3A_36 {
        %dma_start3A_59 = arith.constant 0 : i32
        %dma_start3A_60 = tpu.memref_slice %arg7[%add3A_34, %dma_start3A_59] : memref<40x125xi32, #tpu.memory_space<vmem>> -> memref<1x125xi32, #tpu.memory_space<vmem>>
        %dma_start3A_61 = tpu.memref_squeeze %dma_start3A_60 : memref<1x125xi32, #tpu.memory_space<vmem>> -> memref<125xi32, #tpu.memory_space<vmem>>
        %dma_start3A_62 = arith.constant 0 : i32
        %dma_start3A_63 = arith.constant 0 : i32
        %dma_start3A_64 = tpu.memref_slice %arg2[%dma_start3A_62, %dma_start3A_63] : memref<10000x128xf32, #tpu.memory_space<hbm>> -> memref<10000x128xf32, #tpu.memory_space<hbm>>
        tpu.enqueue_indirect_dma source(%dma_start3A_64 : memref<10000x128xf32, #tpu.memory_space<hbm>>) target(%arg10 : memref<125x128xf32, #tpu.memory_space<vmem>>) offsets(%dma_start3A_61 : memref<125xi32, #tpu.memory_space<vmem>>) semaphore(%arg13 : memref<!tpu.dma_semaphore, #tpu.memory_space<semaphore_mem>>)
      } else {
      }
      %dma_wait3A = arith.constant 0 : i32
      %dma_wait3A_37 = tpu.memref_slice %arg7[%add3A_32, %dma_wait3A] : memref<40x125xi32, #tpu.memory_space<vmem>> -> memref<1x125xi32, #tpu.memory_space<vmem>>
      %dma_wait3A_38 = tpu.memref_squeeze %dma_wait3A_37 : memref<1x125xi32, #tpu.memory_space<vmem>> -> memref<125xi32, #tpu.memory_space<vmem>>
      %dma_wait3A_39 = arith.constant 0 : i32
      %dma_wait3A_40 = arith.constant 0 : i32
      %dma_wait3A_41 = tpu.memref_slice %arg2[%dma_wait3A_39, %dma_wait3A_40] : memref<10000x128xf32, #tpu.memory_space<hbm>> -> memref<10000x128xf32, #tpu.memory_space<hbm>>
      tpu.wait_indirect_dma semaphore(%arg12 : memref<!tpu.dma_semaphore, #tpu.memory_space<semaphore_mem>>) src(%dma_wait3A_41 : memref<10000x128xf32, #tpu.memory_space<hbm>>) dst(%arg9 : memref<125x128xf32, #tpu.memory_space<vmem>>)
      "tpu.region"() ({
        %run_scoped3A = tpu.sem_alloc : memref<!tpu.dma_semaphore, #tpu.memory_space<semaphore_mem>>
        %dma_start3A_59 = arith.constant 0 : i32
        %dma_start3A_60 = tpu.memref_slice %arg8[%add3A_32, %dma_start3A_59] : memref<40x125xi32, #tpu.memory_space<vmem>> -> memref<1x125xi32, #tpu.memory_space<vmem>>
        %dma_start3A_61 = tpu.memref_squeeze %dma_start3A_60 : memref<1x125xi32, #tpu.memory_space<vmem>> -> memref<125xi32, #tpu.memory_space<vmem>>
        %dma_start3A_62 = arith.constant 0 : i32
        %dma_start3A_63 = arith.constant 0 : i32
        %dma_start3A_64 = tpu.memref_slice %arg11[%dma_start3A_62, %dma_start3A_63] : memref<10000x128xf32, #tpu.memory_space<vmem_shared>> -> memref<10000x128xf32, #tpu.memory_space<vmem_shared>>
        tpu.enqueue_indirect_dma source(%arg9 : memref<125x128xf32, #tpu.memory_space<vmem>>) target(%dma_start3A_64 : memref<10000x128xf32, #tpu.memory_space<vmem_shared>>) offsets(%dma_start3A_61 : memref<125xi32, #tpu.memory_space<vmem>>) semaphore(%run_scoped3A : memref<!tpu.dma_semaphore, #tpu.memory_space<semaphore_mem>>) {add = true}
        %dma_wait3A_65 = arith.constant 0 : i32
        %dma_wait3A_66 = tpu.memref_slice %arg8[%add3A_32, %dma_wait3A_65] : memref<40x125xi32, #tpu.memory_space<vmem>> -> memref<1x125xi32, #tpu.memory_space<vmem>>
        %dma_wait3A_67 = tpu.memref_squeeze %dma_wait3A_66 : memref<1x125xi32, #tpu.memory_space<vmem>> -> memref<125xi32, #tpu.memory_space<vmem>>
        %dma_wait3A_68 = arith.constant 0 : i32
        %dma_wait3A_69 = arith.constant 0 : i32
        %dma_wait3A_70 = tpu.memref_slice %arg11[%dma_wait3A_68, %dma_wait3A_69] : memref<10000x128xf32, #tpu.memory_space<vmem_shared>> -> memref<10000x128xf32, #tpu.memory_space<vmem_shared>>
        tpu.wait_indirect_dma semaphore(%run_scoped3A : memref<!tpu.dma_semaphore, #tpu.memory_space<semaphore_mem>>) src(%arg9 : memref<125x128xf32, #tpu.memory_space<vmem>>) dst(%dma_wait3A_70 : memref<10000x128xf32, #tpu.memory_space<vmem_shared>>)
        tpu.yield
      }) : () -> ()
      %mul3A_42 = arith.constant 2 : i32
      %mul3A_43 = arith.muli %mul3A_42, %scan3A_28 : i32
      %add3A_44 = arith.constant 1 : i32
      %add3A_45 = arith.addi %mul3A_43, %add3A_44 : i32
      %add3A_46 = arith.constant 1 : i32
      %add3A_47 = arith.addi %add3A_45, %add3A_46 : i32
      %lt3A_48 = arith.constant 40 : i32
      %lt3A_49 = arith.cmpi slt, %add3A_47, %lt3A_48 : i32
      %convert_element_type3A_50 = arith.extui %lt3A_49 : i1 to i32
      %cond3A_51 = arith.constant 0 : i32
      %cond3A_52 = arith.cmpi ne, %convert_element_type3A_50, %cond3A_51 : i32
      scf.if %cond3A_52 {
        %dma_start3A_59 = arith.constant 0 : i32
        %dma_start3A_60 = tpu.memref_slice %arg7[%add3A_47, %dma_start3A_59] : memref<40x125xi32, #tpu.memory_space<vmem>> -> memref<1x125xi32, #tpu.memory_space<vmem>>
        %dma_start3A_61 = tpu.memref_squeeze %dma_start3A_60 : memref<1x125xi32, #tpu.memory_space<vmem>> -> memref<125xi32, #tpu.memory_space<vmem>>
        %dma_start3A_62 = arith.constant 0 : i32
        %dma_start3A_63 = arith.constant 0 : i32
        %dma_start3A_64 = tpu.memref_slice %arg2[%dma_start3A_62, %dma_start3A_63] : memref<10000x128xf32, #tpu.memory_space<hbm>> -> memref<10000x128xf32, #tpu.memory_space<hbm>>
        tpu.enqueue_indirect_dma source(%dma_start3A_64 : memref<10000x128xf32, #tpu.memory_space<hbm>>) target(%arg9 : memref<125x128xf32, #tpu.memory_space<vmem>>) offsets(%dma_start3A_61 : memref<125xi32, #tpu.memory_space<vmem>>) semaphore(%arg12 : memref<!tpu.dma_semaphore, #tpu.memory_space<semaphore_mem>>)
      } else {
      }
      %dma_wait3A_53 = arith.constant 0 : i32
      %dma_wait3A_54 = tpu.memref_slice %arg7[%add3A_45, %dma_wait3A_53] : memref<40x125xi32, #tpu.memory_space<vmem>> -> memref<1x125xi32, #tpu.memory_space<vmem>>
      %dma_wait3A_55 = tpu.memref_squeeze %dma_wait3A_54 : memref<1x125xi32, #tpu.memory_space<vmem>> -> memref<125xi32, #tpu.memory_space<vmem>>
      %dma_wait3A_56 = arith.constant 0 : i32
      %dma_wait3A_57 = arith.constant 0 : i32
      %dma_wait3A_58 = tpu.memref_slice %arg2[%dma_wait3A_56, %dma_wait3A_57] : memref<10000x128xf32, #tpu.memory_space<hbm>> -> memref<10000x128xf32, #tpu.memory_space<hbm>>
      tpu.wait_indirect_dma semaphore(%arg13 : memref<!tpu.dma_semaphore, #tpu.memory_space<semaphore_mem>>) src(%dma_wait3A_58 : memref<10000x128xf32, #tpu.memory_space<hbm>>) dst(%arg10 : memref<125x128xf32, #tpu.memory_space<vmem>>)
      "tpu.region"() ({
        %run_scoped3A = tpu.sem_alloc : memref<!tpu.dma_semaphore, #tpu.memory_space<semaphore_mem>>
        %dma_start3A_59 = arith.constant 0 : i32
        %dma_start3A_60 = tpu.memref_slice %arg8[%add3A_45, %dma_start3A_59] : memref<40x125xi32, #tpu.memory_space<vmem>> -> memref<1x125xi32, #tpu.memory_space<vmem>>
        %dma_start3A_61 = tpu.memref_squeeze %dma_start3A_60 : memref<1x125xi32, #tpu.memory_space<vmem>> -> memref<125xi32, #tpu.memory_space<vmem>>
        %dma_start3A_62 = arith.constant 0 : i32
        %dma_start3A_63 = arith.constant 0 : i32
        %dma_start3A_64 = tpu.memref_slice %arg11[%dma_start3A_62, %dma_start3A_63] : memref<10000x128xf32, #tpu.memory_space<vmem_shared>> -> memref<10000x128xf32, #tpu.memory_space<vmem_shared>>
        tpu.enqueue_indirect_dma source(%arg10 : memref<125x128xf32, #tpu.memory_space<vmem>>) target(%dma_start3A_64 : memref<10000x128xf32, #tpu.memory_space<vmem_shared>>) offsets(%dma_start3A_61 : memref<125xi32, #tpu.memory_space<vmem>>) semaphore(%run_scoped3A : memref<!tpu.dma_semaphore, #tpu.memory_space<semaphore_mem>>) {add = true}
        %dma_wait3A_65 = arith.constant 0 : i32
        %dma_wait3A_66 = tpu.memref_slice %arg8[%add3A_45, %dma_wait3A_65] : memref<40x125xi32, #tpu.memory_space<vmem>> -> memref<1x125xi32, #tpu.memory_space<vmem>>
        %dma_wait3A_67 = tpu.memref_squeeze %dma_wait3A_66 : memref<1x125xi32, #tpu.memory_space<vmem>> -> memref<125xi32, #tpu.memory_space<vmem>>
        %dma_wait3A_68 = arith.constant 0 : i32
        %dma_wait3A_69 = arith.constant 0 : i32
        %dma_wait3A_70 = tpu.memref_slice %arg11[%dma_wait3A_68, %dma_wait3A_69] : memref<10000x128xf32, #tpu.memory_space<vmem_shared>> -> memref<10000x128xf32, #tpu.memory_space<vmem_shared>>
        tpu.wait_indirect_dma semaphore(%run_scoped3A : memref<!tpu.dma_semaphore, #tpu.memory_space<semaphore_mem>>) src(%arg10 : memref<125x128xf32, #tpu.memory_space<vmem>>) dst(%dma_wait3A_70 : memref<10000x128xf32, #tpu.memory_space<vmem_shared>>)
        tpu.yield
      }) : () -> ()
    }
    %scan3A_13 = arith.constant 20 : i32
    "tpu.region"() ({
      %run_scoped3A = tpu.sem_alloc : memref<!tpu.dma_semaphore, #tpu.memory_space<semaphore_mem>>
      %dma_start3A_28 = arith.constant 40 : i32
      %dma_start3A_29 = arith.constant 0 : i32
      %dma_start3A_30 = tpu.memref_slice %arg3[%add3A, %dma_start3A_28, %dma_start3A_29] : memref<32x80x125xi32, #tpu.memory_space<hbm>> -> memref<1x40x125xi32, #tpu.memory_space<hbm>>
      %dma_start3A_31 = tpu.memref_squeeze %dma_start3A_30 : memref<1x40x125xi32, #tpu.memory_space<hbm>> -> memref<40x125xi32, #tpu.memory_space<hbm>>
      %dma_start3A_32 = arith.constant 40 : i32
      %dma_start3A_33 = arith.constant 0 : i32
      %dma_start3A_34 = tpu.memref_slice %arg3[%add3A, %dma_start3A_32, %dma_start3A_33] : memref<32x80x125xi32, #tpu.memory_space<hbm>> -> memref<1x40x125xi32, #tpu.memory_space<hbm>>
      %dma_start3A_35 = tpu.memref_squeeze %dma_start3A_34 : memref<1x40x125xi32, #tpu.memory_space<hbm>> -> memref<40x125xi32, #tpu.memory_space<hbm>>
      tpu.enqueue_dma source(%dma_start3A_35 : memref<40x125xi32, #tpu.memory_space<hbm>>) target(%arg7 : memref<40x125xi32, #tpu.memory_space<vmem>>) target_semaphore(%run_scoped3A : memref<!tpu.dma_semaphore, #tpu.memory_space<semaphore_mem>>)
      %dma_wait3A = arith.constant 40 : i32
      %dma_wait3A_36 = arith.constant 0 : i32
      %dma_wait3A_37 = tpu.memref_slice %arg3[%add3A, %dma_wait3A, %dma_wait3A_36] : memref<32x80x125xi32, #tpu.memory_space<hbm>> -> memref<1x40x125xi32, #tpu.memory_space<hbm>>
      %dma_wait3A_38 = tpu.memref_squeeze %dma_wait3A_37 : memref<1x40x125xi32, #tpu.memory_space<hbm>> -> memref<40x125xi32, #tpu.memory_space<hbm>>
      %dma_wait3A_39 = arith.constant 40 : i32
      %dma_wait3A_40 = arith.constant 0 : i32
      %dma_wait3A_41 = tpu.memref_slice %arg3[%add3A, %dma_wait3A_39, %dma_wait3A_40] : memref<32x80x125xi32, #tpu.memory_space<hbm>> -> memref<1x40x125xi32, #tpu.memory_space<hbm>>
      %dma_wait3A_42 = tpu.memref_squeeze %dma_wait3A_41 : memref<1x40x125xi32, #tpu.memory_space<hbm>> -> memref<40x125xi32, #tpu.memory_space<hbm>>
      tpu.wait_dma2 semaphore(%run_scoped3A : memref<!tpu.dma_semaphore, #tpu.memory_space<semaphore_mem>>) src(%dma_wait3A_42 : memref<40x125xi32, #tpu.memory_space<hbm>>) dst(%arg7 : memref<40x125xi32, #tpu.memory_space<vmem>>)
      tpu.yield
    }) : () -> ()
    "tpu.region"() ({
      %run_scoped3A = tpu.sem_alloc : memref<!tpu.dma_semaphore, #tpu.memory_space<semaphore_mem>>
      %dma_start3A_28 = arith.constant 40 : i32
      %dma_start3A_29 = arith.constant 0 : i32
      %dma_start3A_30 = tpu.memref_slice %arg4[%add3A, %dma_start3A_28, %dma_start3A_29] : memref<32x80x125xi32, #tpu.memory_space<hbm>> -> memref<1x40x125xi32, #tpu.memory_space<hbm>>
      %dma_start3A_31 = tpu.memref_squeeze %dma_start3A_30 : memref<1x40x125xi32, #tpu.memory_space<hbm>> -> memref<40x125xi32, #tpu.memory_space<hbm>>
      %dma_start3A_32 = arith.constant 40 : i32
      %dma_start3A_33 = arith.constant 0 : i32
      %dma_start3A_34 = tpu.memref_slice %arg4[%add3A, %dma_start3A_32, %dma_start3A_33] : memref<32x80x125xi32, #tpu.memory_space<hbm>> -> memref<1x40x125xi32, #tpu.memory_space<hbm>>
      %dma_start3A_35 = tpu.memref_squeeze %dma_start3A_34 : memref<1x40x125xi32, #tpu.memory_space<hbm>> -> memref<40x125xi32, #tpu.memory_space<hbm>>
      tpu.enqueue_dma source(%dma_start3A_35 : memref<40x125xi32, #tpu.memory_space<hbm>>) target(%arg8 : memref<40x125xi32, #tpu.memory_space<vmem>>) target_semaphore(%run_scoped3A : memref<!tpu.dma_semaphore, #tpu.memory_space<semaphore_mem>>)
      %dma_wait3A = arith.constant 40 : i32
      %dma_wait3A_36 = arith.constant 0 : i32
      %dma_wait3A_37 = tpu.memref_slice %arg4[%add3A, %dma_wait3A, %dma_wait3A_36] : memref<32x80x125xi32, #tpu.memory_space<hbm>> -> memref<1x40x125xi32, #tpu.memory_space<hbm>>
      %dma_wait3A_38 = tpu.memref_squeeze %dma_wait3A_37 : memref<1x40x125xi32, #tpu.memory_space<hbm>> -> memref<40x125xi32, #tpu.memory_space<hbm>>
      %dma_wait3A_39 = arith.constant 40 : i32
      %dma_wait3A_40 = arith.constant 0 : i32
      %dma_wait3A_41 = tpu.memref_slice %arg4[%add3A, %dma_wait3A_39, %dma_wait3A_40] : memref<32x80x125xi32, #tpu.memory_space<hbm>> -> memref<1x40x125xi32, #tpu.memory_space<hbm>>
      %dma_wait3A_42 = tpu.memref_squeeze %dma_wait3A_41 : memref<1x40x125xi32, #tpu.memory_space<hbm>> -> memref<40x125xi32, #tpu.memory_space<hbm>>
      tpu.wait_dma2 semaphore(%run_scoped3A : memref<!tpu.dma_semaphore, #tpu.memory_space<semaphore_mem>>) src(%dma_wait3A_42 : memref<40x125xi32, #tpu.memory_space<hbm>>) dst(%arg8 : memref<40x125xi32, #tpu.memory_space<vmem>>)
      tpu.yield
    }) : () -> ()
    %dma_start3A_14 = arith.constant 0 : i32
    %dma_start3A_15 = arith.constant 0 : i32
    %dma_start3A_16 = tpu.memref_slice %arg7[%dma_start3A_14, %dma_start3A_15] : memref<40x125xi32, #tpu.memory_space<vmem>> -> memref<1x125xi32, #tpu.memory_space<vmem>>
    %dma_start3A_17 = tpu.memref_squeeze %dma_start3A_16 : memref<1x125xi32, #tpu.memory_space<vmem>> -> memref<125xi32, #tpu.memory_space<vmem>>
    %dma_start3A_18 = arith.constant 0 : i32
    %dma_start3A_19 = arith.constant 0 : i32
    %dma_start3A_20 = tpu.memref_slice %arg2[%dma_start3A_18, %dma_start3A_19] : memref<10000x128xf32, #tpu.memory_space<hbm>> -> memref<10000x128xf32, #tpu.memory_space<hbm>>
    tpu.enqueue_indirect_dma source(%dma_start3A_20 : memref<10000x128xf32, #tpu.memory_space<hbm>>) target(%arg9 : memref<125x128xf32, #tpu.memory_space<vmem>>) offsets(%dma_start3A_17 : memref<125xi32, #tpu.memory_space<vmem>>) semaphore(%arg12 : memref<!tpu.dma_semaphore, #tpu.memory_space<semaphore_mem>>)
    %scan3A_21 = arith.constant 0 : i32
    %scan3A_22 = arith.constant 0 : i32
    %scan3A_23 = arith.constant 20 : i32
    %scan3A_24 = arith.addi %scan3A_22, %scan3A_23 : i32
    %scan3A_25 = arith.constant 1 : i32
    scf.for %scan3A_28 = %scan3A_22 to %scan3A_24 step %scan3A_25  : i32 {
      %mul3A_29 = arith.constant 2 : i32
      %mul3A_30 = arith.muli %mul3A_29, %scan3A_28 : i32
      %add3A_31 = arith.constant 0 : i32
      %add3A_32 = arith.addi %mul3A_30, %add3A_31 : i32
      %add3A_33 = arith.constant 1 : i32
      %add3A_34 = arith.addi %add3A_32, %add3A_33 : i32
      %lt3A = arith.constant 40 : i32
      %lt3A_35 = arith.cmpi slt, %add3A_34, %lt3A : i32
      %convert_element_type3A = arith.extui %lt3A_35 : i1 to i32
      %cond3A = arith.constant 0 : i32
      %cond3A_36 = arith.cmpi ne, %convert_element_type3A, %cond3A : i32
      scf.if %cond3A_36 {
        %dma_start3A_59 = arith.constant 0 : i32
        %dma_start3A_60 = tpu.memref_slice %arg7[%add3A_34, %dma_start3A_59] : memref<40x125xi32, #tpu.memory_space<vmem>> -> memref<1x125xi32, #tpu.memory_space<vmem>>
        %dma_start3A_61 = tpu.memref_squeeze %dma_start3A_60 : memref<1x125xi32, #tpu.memory_space<vmem>> -> memref<125xi32, #tpu.memory_space<vmem>>
        %dma_start3A_62 = arith.constant 0 : i32
        %dma_start3A_63 = arith.constant 0 : i32
        %dma_start3A_64 = tpu.memref_slice %arg2[%dma_start3A_62, %dma_start3A_63] : memref<10000x128xf32, #tpu.memory_space<hbm>> -> memref<10000x128xf32, #tpu.memory_space<hbm>>
        tpu.enqueue_indirect_dma source(%dma_start3A_64 : memref<10000x128xf32, #tpu.memory_space<hbm>>) target(%arg10 : memref<125x128xf32, #tpu.memory_space<vmem>>) offsets(%dma_start3A_61 : memref<125xi32, #tpu.memory_space<vmem>>) semaphore(%arg13 : memref<!tpu.dma_semaphore, #tpu.memory_space<semaphore_mem>>)
      } else {
      }
      %dma_wait3A = arith.constant 0 : i32
      %dma_wait3A_37 = tpu.memref_slice %arg7[%add3A_32, %dma_wait3A] : memref<40x125xi32, #tpu.memory_space<vmem>> -> memref<1x125xi32, #tpu.memory_space<vmem>>
      %dma_wait3A_38 = tpu.memref_squeeze %dma_wait3A_37 : memref<1x125xi32, #tpu.memory_space<vmem>> -> memref<125xi32, #tpu.memory_space<vmem>>
      %dma_wait3A_39 = arith.constant 0 : i32
      %dma_wait3A_40 = arith.constant 0 : i32
      %dma_wait3A_41 = tpu.memref_slice %arg2[%dma_wait3A_39, %dma_wait3A_40] : memref<10000x128xf32, #tpu.memory_space<hbm>> -> memref<10000x128xf32, #tpu.memory_space<hbm>>
      tpu.wait_indirect_dma semaphore(%arg12 : memref<!tpu.dma_semaphore, #tpu.memory_space<semaphore_mem>>) src(%dma_wait3A_41 : memref<10000x128xf32, #tpu.memory_space<hbm>>) dst(%arg9 : memref<125x128xf32, #tpu.memory_space<vmem>>)
      "tpu.region"() ({
        %run_scoped3A = tpu.sem_alloc : memref<!tpu.dma_semaphore, #tpu.memory_space<semaphore_mem>>
        %dma_start3A_59 = arith.constant 0 : i32
        %dma_start3A_60 = tpu.memref_slice %arg8[%add3A_32, %dma_start3A_59] : memref<40x125xi32, #tpu.memory_space<vmem>> -> memref<1x125xi32, #tpu.memory_space<vmem>>
        %dma_start3A_61 = tpu.memref_squeeze %dma_start3A_60 : memref<1x125xi32, #tpu.memory_space<vmem>> -> memref<125xi32, #tpu.memory_space<vmem>>
        %dma_start3A_62 = arith.constant 0 : i32
        %dma_start3A_63 = arith.constant 0 : i32
        %dma_start3A_64 = tpu.memref_slice %arg11[%dma_start3A_62, %dma_start3A_63] : memref<10000x128xf32, #tpu.memory_space<vmem_shared>> -> memref<10000x128xf32, #tpu.memory_space<vmem_shared>>
        tpu.enqueue_indirect_dma source(%arg9 : memref<125x128xf32, #tpu.memory_space<vmem>>) target(%dma_start3A_64 : memref<10000x128xf32, #tpu.memory_space<vmem_shared>>) offsets(%dma_start3A_61 : memref<125xi32, #tpu.memory_space<vmem>>) semaphore(%run_scoped3A : memref<!tpu.dma_semaphore, #tpu.memory_space<semaphore_mem>>) {add = true}
        %dma_wait3A_65 = arith.constant 0 : i32
        %dma_wait3A_66 = tpu.memref_slice %arg8[%add3A_32, %dma_wait3A_65] : memref<40x125xi32, #tpu.memory_space<vmem>> -> memref<1x125xi32, #tpu.memory_space<vmem>>
        %dma_wait3A_67 = tpu.memref_squeeze %dma_wait3A_66 : memref<1x125xi32, #tpu.memory_space<vmem>> -> memref<125xi32, #tpu.memory_space<vmem>>
        %dma_wait3A_68 = arith.constant 0 : i32
        %dma_wait3A_69 = arith.constant 0 : i32
        %dma_wait3A_70 = tpu.memref_slice %arg11[%dma_wait3A_68, %dma_wait3A_69] : memref<10000x128xf32, #tpu.memory_space<vmem_shared>> -> memref<10000x128xf32, #tpu.memory_space<vmem_shared>>
        tpu.wait_indirect_dma semaphore(%run_scoped3A : memref<!tpu.dma_semaphore, #tpu.memory_space<semaphore_mem>>) src(%arg9 : memref<125x128xf32, #tpu.memory_space<vmem>>) dst(%dma_wait3A_70 : memref<10000x128xf32, #tpu.memory_space<vmem_shared>>)
        tpu.yield
      }) : () -> ()
      %mul3A_42 = arith.constant 2 : i32
      %mul3A_43 = arith.muli %mul3A_42, %scan3A_28 : i32
      %add3A_44 = arith.constant 1 : i32
      %add3A_45 = arith.addi %mul3A_43, %add3A_44 : i32
      %add3A_46 = arith.constant 1 : i32
      %add3A_47 = arith.addi %add3A_45, %add3A_46 : i32
      %lt3A_48 = arith.constant 40 : i32
      %lt3A_49 = arith.cmpi slt, %add3A_47, %lt3A_48 : i32
      %convert_element_type3A_50 = arith.extui %lt3A_49 : i1 to i32
      %cond3A_51 = arith.constant 0 : i32
      %cond3A_52 = arith.cmpi ne, %convert_element_type3A_50, %cond3A_51 : i32
      scf.if %cond3A_52 {
        %dma_start3A_59 = arith.constant 0 : i32
        %dma_start3A_60 = tpu.memref_slice %arg7[%add3A_47, %dma_start3A_59] : memref<40x125xi32, #tpu.memory_space<vmem>> -> memref<1x125xi32, #tpu.memory_space<vmem>>
        %dma_start3A_61 = tpu.memref_squeeze %dma_start3A_60 : memref<1x125xi32, #tpu.memory_space<vmem>> -> memref<125xi32, #tpu.memory_space<vmem>>
        %dma_start3A_62 = arith.constant 0 : i32
        %dma_start3A_63 = arith.constant 0 : i32
        %dma_start3A_64 = tpu.memref_slice %arg2[%dma_start3A_62, %dma_start3A_63] : memref<10000x128xf32, #tpu.memory_space<hbm>> -> memref<10000x128xf32, #tpu.memory_space<hbm>>
        tpu.enqueue_indirect_dma source(%dma_start3A_64 : memref<10000x128xf32, #tpu.memory_space<hbm>>) target(%arg9 : memref<125x128xf32, #tpu.memory_space<vmem>>) offsets(%dma_start3A_61 : memref<125xi32, #tpu.memory_space<vmem>>) semaphore(%arg12 : memref<!tpu.dma_semaphore, #tpu.memory_space<semaphore_mem>>)
      } else {
      }
      %dma_wait3A_53 = arith.constant 0 : i32
      %dma_wait3A_54 = tpu.memref_slice %arg7[%add3A_45, %dma_wait3A_53] : memref<40x125xi32, #tpu.memory_space<vmem>> -> memref<1x125xi32, #tpu.memory_space<vmem>>
      %dma_wait3A_55 = tpu.memref_squeeze %dma_wait3A_54 : memref<1x125xi32, #tpu.memory_space<vmem>> -> memref<125xi32, #tpu.memory_space<vmem>>
      %dma_wait3A_56 = arith.constant 0 : i32
      %dma_wait3A_57 = arith.constant 0 : i32
      %dma_wait3A_58 = tpu.memref_slice %arg2[%dma_wait3A_56, %dma_wait3A_57] : memref<10000x128xf32, #tpu.memory_space<hbm>> -> memref<10000x128xf32, #tpu.memory_space<hbm>>
      tpu.wait_indirect_dma semaphore(%arg13 : memref<!tpu.dma_semaphore, #tpu.memory_space<semaphore_mem>>) src(%dma_wait3A_58 : memref<10000x128xf32, #tpu.memory_space<hbm>>) dst(%arg10 : memref<125x128xf32, #tpu.memory_space<vmem>>)
      "tpu.region"() ({
        %run_scoped3A = tpu.sem_alloc : memref<!tpu.dma_semaphore, #tpu.memory_space<semaphore_mem>>
        %dma_start3A_59 = arith.constant 0 : i32
        %dma_start3A_60 = tpu.memref_slice %arg8[%add3A_45, %dma_start3A_59] : memref<40x125xi32, #tpu.memory_space<vmem>> -> memref<1x125xi32, #tpu.memory_space<vmem>>
        %dma_start3A_61 = tpu.memref_squeeze %dma_start3A_60 : memref<1x125xi32, #tpu.memory_space<vmem>> -> memref<125xi32, #tpu.memory_space<vmem>>
        %dma_start3A_62 = arith.constant 0 : i32
        %dma_start3A_63 = arith.constant 0 : i32
        %dma_start3A_64 = tpu.memref_slice %arg11[%dma_start3A_62, %dma_start3A_63] : memref<10000x128xf32, #tpu.memory_space<vmem_shared>> -> memref<10000x128xf32, #tpu.memory_space<vmem_shared>>
        tpu.enqueue_indirect_dma source(%arg10 : memref<125x128xf32, #tpu.memory_space<vmem>>) target(%dma_start3A_64 : memref<10000x128xf32, #tpu.memory_space<vmem_shared>>) offsets(%dma_start3A_61 : memref<125xi32, #tpu.memory_space<vmem>>) semaphore(%run_scoped3A : memref<!tpu.dma_semaphore, #tpu.memory_space<semaphore_mem>>) {add = true}
        %dma_wait3A_65 = arith.constant 0 : i32
        %dma_wait3A_66 = tpu.memref_slice %arg8[%add3A_45, %dma_wait3A_65] : memref<40x125xi32, #tpu.memory_space<vmem>> -> memref<1x125xi32, #tpu.memory_space<vmem>>
        %dma_wait3A_67 = tpu.memref_squeeze %dma_wait3A_66 : memref<1x125xi32, #tpu.memory_space<vmem>> -> memref<125xi32, #tpu.memory_space<vmem>>
        %dma_wait3A_68 = arith.constant 0 : i32
        %dma_wait3A_69 = arith.constant 0 : i32
        %dma_wait3A_70 = tpu.memref_slice %arg11[%dma_wait3A_68, %dma_wait3A_69] : memref<10000x128xf32, #tpu.memory_space<vmem_shared>> -> memref<10000x128xf32, #tpu.memory_space<vmem_shared>>
        tpu.wait_indirect_dma semaphore(%run_scoped3A : memref<!tpu.dma_semaphore, #tpu.memory_space<semaphore_mem>>) src(%arg10 : memref<125x128xf32, #tpu.memory_space<vmem>>) dst(%dma_wait3A_70 : memref<10000x128xf32, #tpu.memory_space<vmem_shared>>)
        tpu.yield
      }) : () -> ()
    }
    %scan3A_26 = arith.constant 20 : i32
    %barrier3A_27 = arith.constant 0 : index
    tpu.barrier barrier_id(%barrier3A_27)
    "tpu.region"() ({
      %run_scoped3A = tpu.sem_alloc : memref<!tpu.dma_semaphore, #tpu.memory_space<semaphore_mem>>
      %dma_start3A_28 = arith.constant 0 : i32
      %dma_start3A_29 = arith.constant 0 : i32
      %dma_start3A_30 = tpu.memref_slice %arg6[%arg0, %arg1, %dma_start3A_28, %dma_start3A_29] : memref<2x16x625x128xf32, #tpu.memory_space<hbm>> -> memref<1x1x625x128xf32, #tpu.memory_space<hbm>>
      %dma_start3A_31 = tpu.memref_squeeze %dma_start3A_30 : memref<1x1x625x128xf32, #tpu.memory_space<hbm>> -> memref<625x128xf32, #tpu.memory_space<hbm>>
      %dma_start3A_32 = arith.constant 0 : i32
      %dma_start3A_33 = tpu.memref_slice %arg11[%mul3A_2, %dma_start3A_32] : memref<10000x128xf32, #tpu.memory_space<vmem_shared>> -> memref<625x128xf32, #tpu.memory_space<vmem_shared>>
      tpu.enqueue_dma source(%dma_start3A_33 : memref<625x128xf32, #tpu.memory_space<vmem_shared>>) target(%dma_start3A_31 : memref<625x128xf32, #tpu.memory_space<hbm>>) target_semaphore(%run_scoped3A : memref<!tpu.dma_semaphore, #tpu.memory_space<semaphore_mem>>)
      %dma_wait3A = arith.constant 0 : i32
      %dma_wait3A_34 = arith.constant 0 : i32
      %dma_wait3A_35 = tpu.memref_slice %arg6[%arg0, %arg1, %dma_wait3A, %dma_wait3A_34] : memref<2x16x625x128xf32, #tpu.memory_space<hbm>> -> memref<1x1x625x128xf32, #tpu.memory_space<hbm>>
      %dma_wait3A_36 = tpu.memref_squeeze %dma_wait3A_35 : memref<1x1x625x128xf32, #tpu.memory_space<hbm>> -> memref<625x128xf32, #tpu.memory_space<hbm>>
      %dma_wait3A_37 = arith.constant 0 : i32
      %dma_wait3A_38 = tpu.memref_slice %arg11[%mul3A_2, %dma_wait3A_37] : memref<10000x128xf32, #tpu.memory_space<vmem_shared>> -> memref<625x128xf32, #tpu.memory_space<vmem_shared>>
      tpu.wait_dma2 semaphore(%run_scoped3A : memref<!tpu.dma_semaphore, #tpu.memory_space<semaphore_mem>>) src(%dma_wait3A_38 : memref<625x128xf32, #tpu.memory_space<vmem_shared>>) dst(%dma_wait3A_36 : memref<625x128xf32, #tpu.memory_space<hbm>>)
      tpu.yield
    }) : () -> ()
    return
  }
}

#map = affine_map<(d0, d1) -> (0, 0)>
#map1 = affine_map<(d0, d1) -> (0, 0, 0)>
#map2 = affine_map<(d0, d1) -> (0, 0, 0, 0)>
module attributes {stable_mosaic.version = 14 : i64} {
  func.func @agg_kernel(%arg0: i32, %arg1: i32, %arg2: memref<10000x128xf32, #tpu.memory_space<hbm>>, %arg3: memref<32x80x125xi32, #tpu.memory_space<hbm>>, %arg4: memref<32x80x125xi32, #tpu.memory_space<hbm>>, %arg5: memref<16x625x128xf32, #tpu.memory_space<hbm>>, %arg6: memref<2x16x625x128xf32, #tpu.memory_space<hbm>>, %arg7: memref<40x125xi32, #tpu.memory_space<vmem>>, %arg8: memref<40x125xi32, #tpu.memory_space<vmem>>, %arg9: memref<125x128xf32, #tpu.memory_space<vmem>>, %arg10: memref<125x128xf32, #tpu.memory_space<vmem>>, %arg11: memref<10000x128xf32, #tpu.memory_space<vmem_shared>>, %arg12: memref<!tpu.dma_semaphore, #tpu.memory_space<semaphore_mem>>, %arg13: memref<!tpu.dma_semaphore, #tpu.memory_space<semaphore_mem>>) attributes {dimension_semantics = [#tpu.dimension_semantics<core_parallel>, #tpu.dimension_semantics<subcore_parallel>], iteration_bounds = array<i64: 2, 16>, scalar_prefetch = 0 : i64, scratch_operands = 7 : i64, tpu.core_type = #tpu.core_type<sc_vector_subcore>, window_params = [{transform_indices = #map}, {transform_indices = #map1}, {transform_indices = #map1}, {transform_indices = #map1}, {transform_indices = #map2}]} {
    %mul3A = arith.constant 16 : i32
    %mul3A_0 = arith.muli %arg0, %mul3A : i32
    %add3A = arith.addi %mul3A_0, %arg1 : i32
    %mul3A_1 = arith.constant 625 : i32
    %mul3A_2 = arith.muli %arg1, %mul3A_1 : i32
    "tpu.region"() ({
      %run_scoped3A = tpu.sem_alloc : memref<!tpu.dma_semaphore, #tpu.memory_space<semaphore_mem>>
      %dma_start3A_28 = arith.constant 0 : i32
      %dma_start3A_29 = tpu.memref_slice %arg11[%mul3A_2, %dma_start3A_28] : memref<10000x128xf32, #tpu.memory_space<vmem_shared>> -> memref<625x128xf32, #tpu.memory_space<vmem_shared>>
      %dma_start3A_30 = arith.constant 0 : i32
      %dma_start3A_31 = arith.constant 0 : i32
      %dma_start3A_32 = tpu.memref_slice %arg5[%arg1, %dma_start3A_30, %dma_start3A_31] : memref<16x625x128xf32, #tpu.memory_space<hbm>> -> memref<1x625x128xf32, #tpu.memory_space<hbm>>
      %dma_start3A_33 = tpu.memref_squeeze %dma_start3A_32 : memref<1x625x128xf32, #tpu.memory_space<hbm>> -> memref<625x128xf32, #tpu.memory_space<hbm>>
      tpu.enqueue_dma source(%dma_start3A_33 : memref<625x128xf32, #tpu.memory_space<hbm>>) target(%dma_start3A_29 : memref<625x128xf32, #tpu.memory_space<vmem_shared>>) target_semaphore(%run_scoped3A : memref<!tpu.dma_semaphore, #tpu.memory_space<semaphore_mem>>)
      %dma_wait3A = arith.constant 0 : i32
      %dma_wait3A_34 = tpu.memref_slice %arg11[%mul3A_2, %dma_wait3A] : memref<10000x128xf32, #tpu.memory_space<vmem_shared>> -> memref<625x128xf32, #tpu.memory_space<vmem_shared>>
      %dma_wait3A_35 = arith.constant 0 : i32
      %dma_wait3A_36 = arith.constant 0 : i32
      %dma_wait3A_37 = tpu.memref_slice %arg5[%arg1, %dma_wait3A_35, %dma_wait3A_36] : memref<16x625x128xf32, #tpu.memory_space<hbm>> -> memref<1x625x128xf32, #tpu.memory_space<hbm>>
      %dma_wait3A_38 = tpu.memref_squeeze %dma_wait3A_37 : memref<1x625x128xf32, #tpu.memory_space<hbm>> -> memref<625x128xf32, #tpu.memory_space<hbm>>
      tpu.wait_dma2 semaphore(%run_scoped3A : memref<!tpu.dma_semaphore, #tpu.memory_space<semaphore_mem>>) src(%dma_wait3A_38 : memref<625x128xf32, #tpu.memory_space<hbm>>) dst(%dma_wait3A_34 : memref<625x128xf32, #tpu.memory_space<vmem_shared>>)
      tpu.yield
    }) : () -> ()
    %barrier3A = arith.constant 0 : index
    tpu.barrier barrier_id(%barrier3A)
    "tpu.region"() ({
      %run_scoped3A = tpu.sem_alloc : memref<!tpu.dma_semaphore, #tpu.memory_space<semaphore_mem>>
      %dma_start3A_28 = arith.constant 0 : i32
      %dma_start3A_29 = arith.constant 0 : i32
      %dma_start3A_30 = tpu.memref_slice %arg3[%add3A, %dma_start3A_28, %dma_start3A_29] : memref<32x80x125xi32, #tpu.memory_space<hbm>> -> memref<1x40x125xi32, #tpu.memory_space<hbm>>
      %dma_start3A_31 = tpu.memref_squeeze %dma_start3A_30 : memref<1x40x125xi32, #tpu.memory_space<hbm>> -> memref<40x125xi32, #tpu.memory_space<hbm>>
      %dma_start3A_32 = arith.constant 0 : i32
      %dma_start3A_33 = arith.constant 0 : i32
      %dma_start3A_34 = tpu.memref_slice %arg3[%add3A, %dma_start3A_32, %dma_start3A_33] : memref<32x80x125xi32, #tpu.memory_space<hbm>> -> memref<1x40x125xi32, #tpu.memory_space<hbm>>
      %dma_start3A_35 = tpu.memref_squeeze %dma_start3A_34 : memref<1x40x125xi32, #tpu.memory_space<hbm>> -> memref<40x125xi32, #tpu.memory_space<hbm>>
      tpu.enqueue_dma source(%dma_start3A_35 : memref<40x125xi32, #tpu.memory_space<hbm>>) target(%arg7 : memref<40x125xi32, #tpu.memory_space<vmem>>) target_semaphore(%run_scoped3A : memref<!tpu.dma_semaphore, #tpu.memory_space<semaphore_mem>>)
      %dma_wait3A = arith.constant 0 : i32
      %dma_wait3A_36 = arith.constant 0 : i32
      %dma_wait3A_37 = tpu.memref_slice %arg3[%add3A, %dma_wait3A, %dma_wait3A_36] : memref<32x80x125xi32, #tpu.memory_space<hbm>> -> memref<1x40x125xi32, #tpu.memory_space<hbm>>
      %dma_wait3A_38 = tpu.memref_squeeze %dma_wait3A_37 : memref<1x40x125xi32, #tpu.memory_space<hbm>> -> memref<40x125xi32, #tpu.memory_space<hbm>>
      %dma_wait3A_39 = arith.constant 0 : i32
      %dma_wait3A_40 = arith.constant 0 : i32
      %dma_wait3A_41 = tpu.memref_slice %arg3[%add3A, %dma_wait3A_39, %dma_wait3A_40] : memref<32x80x125xi32, #tpu.memory_space<hbm>> -> memref<1x40x125xi32, #tpu.memory_space<hbm>>
      %dma_wait3A_42 = tpu.memref_squeeze %dma_wait3A_41 : memref<1x40x125xi32, #tpu.memory_space<hbm>> -> memref<40x125xi32, #tpu.memory_space<hbm>>
      tpu.wait_dma2 semaphore(%run_scoped3A : memref<!tpu.dma_semaphore, #tpu.memory_space<semaphore_mem>>) src(%dma_wait3A_42 : memref<40x125xi32, #tpu.memory_space<hbm>>) dst(%arg7 : memref<40x125xi32, #tpu.memory_space<vmem>>)
      tpu.yield
    }) : () -> ()
    "tpu.region"() ({
      %run_scoped3A = tpu.sem_alloc : memref<!tpu.dma_semaphore, #tpu.memory_space<semaphore_mem>>
      %dma_start3A_28 = arith.constant 0 : i32
      %dma_start3A_29 = arith.constant 0 : i32
      %dma_start3A_30 = tpu.memref_slice %arg4[%add3A, %dma_start3A_28, %dma_start3A_29] : memref<32x80x125xi32, #tpu.memory_space<hbm>> -> memref<1x40x125xi32, #tpu.memory_space<hbm>>
      %dma_start3A_31 = tpu.memref_squeeze %dma_start3A_30 : memref<1x40x125xi32, #tpu.memory_space<hbm>> -> memref<40x125xi32, #tpu.memory_space<hbm>>
      %dma_start3A_32 = arith.constant 0 : i32
      %dma_start3A_33 = arith.constant 0 : i32
      %dma_start3A_34 = tpu.memref_slice %arg4[%add3A, %dma_start3A_32, %dma_start3A_33] : memref<32x80x125xi32, #tpu.memory_space<hbm>> -> memref<1x40x125xi32, #tpu.memory_space<hbm>>
      %dma_start3A_35 = tpu.memref_squeeze %dma_start3A_34 : memref<1x40x125xi32, #tpu.memory_space<hbm>> -> memref<40x125xi32, #tpu.memory_space<hbm>>
      tpu.enqueue_dma source(%dma_start3A_35 : memref<40x125xi32, #tpu.memory_space<hbm>>) target(%arg8 : memref<40x125xi32, #tpu.memory_space<vmem>>) target_semaphore(%run_scoped3A : memref<!tpu.dma_semaphore, #tpu.memory_space<semaphore_mem>>)
      %dma_wait3A = arith.constant 0 : i32
      %dma_wait3A_36 = arith.constant 0 : i32
      %dma_wait3A_37 = tpu.memref_slice %arg4[%add3A, %dma_wait3A, %dma_wait3A_36] : memref<32x80x125xi32, #tpu.memory_space<hbm>> -> memref<1x40x125xi32, #tpu.memory_space<hbm>>
      %dma_wait3A_38 = tpu.memref_squeeze %dma_wait3A_37 : memref<1x40x125xi32, #tpu.memory_space<hbm>> -> memref<40x125xi32, #tpu.memory_space<hbm>>
      %dma_wait3A_39 = arith.constant 0 : i32
      %dma_wait3A_40 = arith.constant 0 : i32
      %dma_wait3A_41 = tpu.memref_slice %arg4[%add3A, %dma_wait3A_39, %dma_wait3A_40] : memref<32x80x125xi32, #tpu.memory_space<hbm>> -> memref<1x40x125xi32, #tpu.memory_space<hbm>>
      %dma_wait3A_42 = tpu.memref_squeeze %dma_wait3A_41 : memref<1x40x125xi32, #tpu.memory_space<hbm>> -> memref<40x125xi32, #tpu.memory_space<hbm>>
      tpu.wait_dma2 semaphore(%run_scoped3A : memref<!tpu.dma_semaphore, #tpu.memory_space<semaphore_mem>>) src(%dma_wait3A_42 : memref<40x125xi32, #tpu.memory_space<hbm>>) dst(%arg8 : memref<40x125xi32, #tpu.memory_space<vmem>>)
      tpu.yield
    }) : () -> ()
    %dma_start3A = arith.constant 0 : i32
    %dma_start3A_3 = arith.constant 0 : i32
    %dma_start3A_4 = tpu.memref_slice %arg7[%dma_start3A, %dma_start3A_3] : memref<40x125xi32, #tpu.memory_space<vmem>> -> memref<1x125xi32, #tpu.memory_space<vmem>>
    %dma_start3A_5 = tpu.memref_squeeze %dma_start3A_4 : memref<1x125xi32, #tpu.memory_space<vmem>> -> memref<125xi32, #tpu.memory_space<vmem>>
    %dma_start3A_6 = arith.constant 0 : i32
    %dma_start3A_7 = arith.constant 0 : i32
    %dma_start3A_8 = tpu.memref_slice %arg2[%dma_start3A_6, %dma_start3A_7] : memref<10000x128xf32, #tpu.memory_space<hbm>> -> memref<10000x128xf32, #tpu.memory_space<hbm>>
    tpu.enqueue_indirect_dma source(%dma_start3A_8 : memref<10000x128xf32, #tpu.memory_space<hbm>>) target(%arg9 : memref<125x128xf32, #tpu.memory_space<vmem>>) offsets(%dma_start3A_5 : memref<125xi32, #tpu.memory_space<vmem>>) semaphore(%arg12 : memref<!tpu.dma_semaphore, #tpu.memory_space<semaphore_mem>>)
    %scan3A = arith.constant 0 : i32
    %scan3A_9 = arith.constant 0 : i32
    %scan3A_10 = arith.constant 20 : i32
    %scan3A_11 = arith.addi %scan3A_9, %scan3A_10 : i32
    %scan3A_12 = arith.constant 1 : i32
    scf.for %scan3A_28 = %scan3A_9 to %scan3A_11 step %scan3A_12  : i32 {
      %mul3A_29 = arith.constant 2 : i32
      %mul3A_30 = arith.muli %mul3A_29, %scan3A_28 : i32
      %add3A_31 = arith.constant 0 : i32
      %add3A_32 = arith.addi %mul3A_30, %add3A_31 : i32
      %add3A_33 = arith.constant 1 : i32
      %add3A_34 = arith.addi %add3A_32, %add3A_33 : i32
      %lt3A = arith.constant 40 : i32
      %lt3A_35 = arith.cmpi slt, %add3A_34, %lt3A : i32
      %convert_element_type3A = arith.extui %lt3A_35 : i1 to i32
      %cond3A = arith.constant 0 : i32
      %cond3A_36 = arith.cmpi ne, %convert_element_type3A, %cond3A : i32
      scf.if %cond3A_36 {
        %dma_start3A_59 = arith.constant 0 : i32
        %dma_start3A_60 = tpu.memref_slice %arg7[%add3A_34, %dma_start3A_59] : memref<40x125xi32, #tpu.memory_space<vmem>> -> memref<1x125xi32, #tpu.memory_space<vmem>>
        %dma_start3A_61 = tpu.memref_squeeze %dma_start3A_60 : memref<1x125xi32, #tpu.memory_space<vmem>> -> memref<125xi32, #tpu.memory_space<vmem>>
        %dma_start3A_62 = arith.constant 0 : i32
        %dma_start3A_63 = arith.constant 0 : i32
        %dma_start3A_64 = tpu.memref_slice %arg2[%dma_start3A_62, %dma_start3A_63] : memref<10000x128xf32, #tpu.memory_space<hbm>> -> memref<10000x128xf32, #tpu.memory_space<hbm>>
        tpu.enqueue_indirect_dma source(%dma_start3A_64 : memref<10000x128xf32, #tpu.memory_space<hbm>>) target(%arg10 : memref<125x128xf32, #tpu.memory_space<vmem>>) offsets(%dma_start3A_61 : memref<125xi32, #tpu.memory_space<vmem>>) semaphore(%arg13 : memref<!tpu.dma_semaphore, #tpu.memory_space<semaphore_mem>>)
      } else {
      }
      %dma_wait3A = arith.constant 0 : i32
      %dma_wait3A_37 = tpu.memref_slice %arg7[%add3A_32, %dma_wait3A] : memref<40x125xi32, #tpu.memory_space<vmem>> -> memref<1x125xi32, #tpu.memory_space<vmem>>
      %dma_wait3A_38 = tpu.memref_squeeze %dma_wait3A_37 : memref<1x125xi32, #tpu.memory_space<vmem>> -> memref<125xi32, #tpu.memory_space<vmem>>
      %dma_wait3A_39 = arith.constant 0 : i32
      %dma_wait3A_40 = arith.constant 0 : i32
      %dma_wait3A_41 = tpu.memref_slice %arg2[%dma_wait3A_39, %dma_wait3A_40] : memref<10000x128xf32, #tpu.memory_space<hbm>> -> memref<10000x128xf32, #tpu.memory_space<hbm>>
      tpu.wait_indirect_dma semaphore(%arg12 : memref<!tpu.dma_semaphore, #tpu.memory_space<semaphore_mem>>) src(%dma_wait3A_41 : memref<10000x128xf32, #tpu.memory_space<hbm>>) dst(%arg9 : memref<125x128xf32, #tpu.memory_space<vmem>>)
      "tpu.region"() ({
        %run_scoped3A = tpu.sem_alloc : memref<!tpu.dma_semaphore, #tpu.memory_space<semaphore_mem>>
        %dma_start3A_59 = arith.constant 0 : i32
        %dma_start3A_60 = tpu.memref_slice %arg8[%add3A_32, %dma_start3A_59] : memref<40x125xi32, #tpu.memory_space<vmem>> -> memref<1x125xi32, #tpu.memory_space<vmem>>
        %dma_start3A_61 = tpu.memref_squeeze %dma_start3A_60 : memref<1x125xi32, #tpu.memory_space<vmem>> -> memref<125xi32, #tpu.memory_space<vmem>>
        %dma_start3A_62 = arith.constant 0 : i32
        %dma_start3A_63 = arith.constant 0 : i32
        %dma_start3A_64 = tpu.memref_slice %arg11[%dma_start3A_62, %dma_start3A_63] : memref<10000x128xf32, #tpu.memory_space<vmem_shared>> -> memref<10000x128xf32, #tpu.memory_space<vmem_shared>>
        tpu.enqueue_indirect_dma source(%arg9 : memref<125x128xf32, #tpu.memory_space<vmem>>) target(%dma_start3A_64 : memref<10000x128xf32, #tpu.memory_space<vmem_shared>>) offsets(%dma_start3A_61 : memref<125xi32, #tpu.memory_space<vmem>>) semaphore(%run_scoped3A : memref<!tpu.dma_semaphore, #tpu.memory_space<semaphore_mem>>) {add = true}
        %dma_wait3A_65 = arith.constant 0 : i32
        %dma_wait3A_66 = tpu.memref_slice %arg8[%add3A_32, %dma_wait3A_65] : memref<40x125xi32, #tpu.memory_space<vmem>> -> memref<1x125xi32, #tpu.memory_space<vmem>>
        %dma_wait3A_67 = tpu.memref_squeeze %dma_wait3A_66 : memref<1x125xi32, #tpu.memory_space<vmem>> -> memref<125xi32, #tpu.memory_space<vmem>>
        %dma_wait3A_68 = arith.constant 0 : i32
        %dma_wait3A_69 = arith.constant 0 : i32
        %dma_wait3A_70 = tpu.memref_slice %arg11[%dma_wait3A_68, %dma_wait3A_69] : memref<10000x128xf32, #tpu.memory_space<vmem_shared>> -> memref<10000x128xf32, #tpu.memory_space<vmem_shared>>
        tpu.wait_indirect_dma semaphore(%run_scoped3A : memref<!tpu.dma_semaphore, #tpu.memory_space<semaphore_mem>>) src(%arg9 : memref<125x128xf32, #tpu.memory_space<vmem>>) dst(%dma_wait3A_70 : memref<10000x128xf32, #tpu.memory_space<vmem_shared>>)
        tpu.yield
      }) : () -> ()
      %mul3A_42 = arith.constant 2 : i32
      %mul3A_43 = arith.muli %mul3A_42, %scan3A_28 : i32
      %add3A_44 = arith.constant 1 : i32
      %add3A_45 = arith.addi %mul3A_43, %add3A_44 : i32
      %add3A_46 = arith.constant 1 : i32
      %add3A_47 = arith.addi %add3A_45, %add3A_46 : i32
      %lt3A_48 = arith.constant 40 : i32
      %lt3A_49 = arith.cmpi slt, %add3A_47, %lt3A_48 : i32
      %convert_element_type3A_50 = arith.extui %lt3A_49 : i1 to i32
      %cond3A_51 = arith.constant 0 : i32
      %cond3A_52 = arith.cmpi ne, %convert_element_type3A_50, %cond3A_51 : i32
      scf.if %cond3A_52 {
        %dma_start3A_59 = arith.constant 0 : i32
        %dma_start3A_60 = tpu.memref_slice %arg7[%add3A_47, %dma_start3A_59] : memref<40x125xi32, #tpu.memory_space<vmem>> -> memref<1x125xi32, #tpu.memory_space<vmem>>
        %dma_start3A_61 = tpu.memref_squeeze %dma_start3A_60 : memref<1x125xi32, #tpu.memory_space<vmem>> -> memref<125xi32, #tpu.memory_space<vmem>>
        %dma_start3A_62 = arith.constant 0 : i32
        %dma_start3A_63 = arith.constant 0 : i32
        %dma_start3A_64 = tpu.memref_slice %arg2[%dma_start3A_62, %dma_start3A_63] : memref<10000x128xf32, #tpu.memory_space<hbm>> -> memref<10000x128xf32, #tpu.memory_space<hbm>>
        tpu.enqueue_indirect_dma source(%dma_start3A_64 : memref<10000x128xf32, #tpu.memory_space<hbm>>) target(%arg9 : memref<125x128xf32, #tpu.memory_space<vmem>>) offsets(%dma_start3A_61 : memref<125xi32, #tpu.memory_space<vmem>>) semaphore(%arg12 : memref<!tpu.dma_semaphore, #tpu.memory_space<semaphore_mem>>)
      } else {
      }
      %dma_wait3A_53 = arith.constant 0 : i32
      %dma_wait3A_54 = tpu.memref_slice %arg7[%add3A_45, %dma_wait3A_53] : memref<40x125xi32, #tpu.memory_space<vmem>> -> memref<1x125xi32, #tpu.memory_space<vmem>>
      %dma_wait3A_55 = tpu.memref_squeeze %dma_wait3A_54 : memref<1x125xi32, #tpu.memory_space<vmem>> -> memref<125xi32, #tpu.memory_space<vmem>>
      %dma_wait3A_56 = arith.constant 0 : i32
      %dma_wait3A_57 = arith.constant 0 : i32
      %dma_wait3A_58 = tpu.memref_slice %arg2[%dma_wait3A_56, %dma_wait3A_57] : memref<10000x128xf32, #tpu.memory_space<hbm>> -> memref<10000x128xf32, #tpu.memory_space<hbm>>
      tpu.wait_indirect_dma semaphore(%arg13 : memref<!tpu.dma_semaphore, #tpu.memory_space<semaphore_mem>>) src(%dma_wait3A_58 : memref<10000x128xf32, #tpu.memory_space<hbm>>) dst(%arg10 : memref<125x128xf32, #tpu.memory_space<vmem>>)
      "tpu.region"() ({
        %run_scoped3A = tpu.sem_alloc : memref<!tpu.dma_semaphore, #tpu.memory_space<semaphore_mem>>
        %dma_start3A_59 = arith.constant 0 : i32
        %dma_start3A_60 = tpu.memref_slice %arg8[%add3A_45, %dma_start3A_59] : memref<40x125xi32, #tpu.memory_space<vmem>> -> memref<1x125xi32, #tpu.memory_space<vmem>>
        %dma_start3A_61 = tpu.memref_squeeze %dma_start3A_60 : memref<1x125xi32, #tpu.memory_space<vmem>> -> memref<125xi32, #tpu.memory_space<vmem>>
        %dma_start3A_62 = arith.constant 0 : i32
        %dma_start3A_63 = arith.constant 0 : i32
        %dma_start3A_64 = tpu.memref_slice %arg11[%dma_start3A_62, %dma_start3A_63] : memref<10000x128xf32, #tpu.memory_space<vmem_shared>> -> memref<10000x128xf32, #tpu.memory_space<vmem_shared>>
        tpu.enqueue_indirect_dma source(%arg10 : memref<125x128xf32, #tpu.memory_space<vmem>>) target(%dma_start3A_64 : memref<10000x128xf32, #tpu.memory_space<vmem_shared>>) offsets(%dma_start3A_61 : memref<125xi32, #tpu.memory_space<vmem>>) semaphore(%run_scoped3A : memref<!tpu.dma_semaphore, #tpu.memory_space<semaphore_mem>>) {add = true}
        %dma_wait3A_65 = arith.constant 0 : i32
        %dma_wait3A_66 = tpu.memref_slice %arg8[%add3A_45, %dma_wait3A_65] : memref<40x125xi32, #tpu.memory_space<vmem>> -> memref<1x125xi32, #tpu.memory_space<vmem>>
        %dma_wait3A_67 = tpu.memref_squeeze %dma_wait3A_66 : memref<1x125xi32, #tpu.memory_space<vmem>> -> memref<125xi32, #tpu.memory_space<vmem>>
        %dma_wait3A_68 = arith.constant 0 : i32
        %dma_wait3A_69 = arith.constant 0 : i32
        %dma_wait3A_70 = tpu.memref_slice %arg11[%dma_wait3A_68, %dma_wait3A_69] : memref<10000x128xf32, #tpu.memory_space<vmem_shared>> -> memref<10000x128xf32, #tpu.memory_space<vmem_shared>>
        tpu.wait_indirect_dma semaphore(%run_scoped3A : memref<!tpu.dma_semaphore, #tpu.memory_space<semaphore_mem>>) src(%arg10 : memref<125x128xf32, #tpu.memory_space<vmem>>) dst(%dma_wait3A_70 : memref<10000x128xf32, #tpu.memory_space<vmem_shared>>)
        tpu.yield
      }) : () -> ()
    }
    %scan3A_13 = arith.constant 20 : i32
    "tpu.region"() ({
      %run_scoped3A = tpu.sem_alloc : memref<!tpu.dma_semaphore, #tpu.memory_space<semaphore_mem>>
      %dma_start3A_28 = arith.constant 40 : i32
      %dma_start3A_29 = arith.constant 0 : i32
      %dma_start3A_30 = tpu.memref_slice %arg3[%add3A, %dma_start3A_28, %dma_start3A_29] : memref<32x80x125xi32, #tpu.memory_space<hbm>> -> memref<1x40x125xi32, #tpu.memory_space<hbm>>
      %dma_start3A_31 = tpu.memref_squeeze %dma_start3A_30 : memref<1x40x125xi32, #tpu.memory_space<hbm>> -> memref<40x125xi32, #tpu.memory_space<hbm>>
      %dma_start3A_32 = arith.constant 40 : i32
      %dma_start3A_33 = arith.constant 0 : i32
      %dma_start3A_34 = tpu.memref_slice %arg3[%add3A, %dma_start3A_32, %dma_start3A_33] : memref<32x80x125xi32, #tpu.memory_space<hbm>> -> memref<1x40x125xi32, #tpu.memory_space<hbm>>
      %dma_start3A_35 = tpu.memref_squeeze %dma_start3A_34 : memref<1x40x125xi32, #tpu.memory_space<hbm>> -> memref<40x125xi32, #tpu.memory_space<hbm>>
      tpu.enqueue_dma source(%dma_start3A_35 : memref<40x125xi32, #tpu.memory_space<hbm>>) target(%arg7 : memref<40x125xi32, #tpu.memory_space<vmem>>) target_semaphore(%run_scoped3A : memref<!tpu.dma_semaphore, #tpu.memory_space<semaphore_mem>>)
      %dma_wait3A = arith.constant 40 : i32
      %dma_wait3A_36 = arith.constant 0 : i32
      %dma_wait3A_37 = tpu.memref_slice %arg3[%add3A, %dma_wait3A, %dma_wait3A_36] : memref<32x80x125xi32, #tpu.memory_space<hbm>> -> memref<1x40x125xi32, #tpu.memory_space<hbm>>
      %dma_wait3A_38 = tpu.memref_squeeze %dma_wait3A_37 : memref<1x40x125xi32, #tpu.memory_space<hbm>> -> memref<40x125xi32, #tpu.memory_space<hbm>>
      %dma_wait3A_39 = arith.constant 40 : i32
      %dma_wait3A_40 = arith.constant 0 : i32
      %dma_wait3A_41 = tpu.memref_slice %arg3[%add3A, %dma_wait3A_39, %dma_wait3A_40] : memref<32x80x125xi32, #tpu.memory_space<hbm>> -> memref<1x40x125xi32, #tpu.memory_space<hbm>>
      %dma_wait3A_42 = tpu.memref_squeeze %dma_wait3A_41 : memref<1x40x125xi32, #tpu.memory_space<hbm>> -> memref<40x125xi32, #tpu.memory_space<hbm>>
      tpu.wait_dma2 semaphore(%run_scoped3A : memref<!tpu.dma_semaphore, #tpu.memory_space<semaphore_mem>>) src(%dma_wait3A_42 : memref<40x125xi32, #tpu.memory_space<hbm>>) dst(%arg7 : memref<40x125xi32, #tpu.memory_space<vmem>>)
      tpu.yield
    }) : () -> ()
    "tpu.region"() ({
      %run_scoped3A = tpu.sem_alloc : memref<!tpu.dma_semaphore, #tpu.memory_space<semaphore_mem>>
      %dma_start3A_28 = arith.constant 40 : i32
      %dma_start3A_29 = arith.constant 0 : i32
      %dma_start3A_30 = tpu.memref_slice %arg4[%add3A, %dma_start3A_28, %dma_start3A_29] : memref<32x80x125xi32, #tpu.memory_space<hbm>> -> memref<1x40x125xi32, #tpu.memory_space<hbm>>
      %dma_start3A_31 = tpu.memref_squeeze %dma_start3A_30 : memref<1x40x125xi32, #tpu.memory_space<hbm>> -> memref<40x125xi32, #tpu.memory_space<hbm>>
      %dma_start3A_32 = arith.constant 40 : i32
      %dma_start3A_33 = arith.constant 0 : i32
      %dma_start3A_34 = tpu.memref_slice %arg4[%add3A, %dma_start3A_32, %dma_start3A_33] : memref<32x80x125xi32, #tpu.memory_space<hbm>> -> memref<1x40x125xi32, #tpu.memory_space<hbm>>
      %dma_start3A_35 = tpu.memref_squeeze %dma_start3A_34 : memref<1x40x125xi32, #tpu.memory_space<hbm>> -> memref<40x125xi32, #tpu.memory_space<hbm>>
      tpu.enqueue_dma source(%dma_start3A_35 : memref<40x125xi32, #tpu.memory_space<hbm>>) target(%arg8 : memref<40x125xi32, #tpu.memory_space<vmem>>) target_semaphore(%run_scoped3A : memref<!tpu.dma_semaphore, #tpu.memory_space<semaphore_mem>>)
      %dma_wait3A = arith.constant 40 : i32
      %dma_wait3A_36 = arith.constant 0 : i32
      %dma_wait3A_37 = tpu.memref_slice %arg4[%add3A, %dma_wait3A, %dma_wait3A_36] : memref<32x80x125xi32, #tpu.memory_space<hbm>> -> memref<1x40x125xi32, #tpu.memory_space<hbm>>
      %dma_wait3A_38 = tpu.memref_squeeze %dma_wait3A_37 : memref<1x40x125xi32, #tpu.memory_space<hbm>> -> memref<40x125xi32, #tpu.memory_space<hbm>>
      %dma_wait3A_39 = arith.constant 40 : i32
      %dma_wait3A_40 = arith.constant 0 : i32
      %dma_wait3A_41 = tpu.memref_slice %arg4[%add3A, %dma_wait3A_39, %dma_wait3A_40] : memref<32x80x125xi32, #tpu.memory_space<hbm>> -> memref<1x40x125xi32, #tpu.memory_space<hbm>>
      %dma_wait3A_42 = tpu.memref_squeeze %dma_wait3A_41 : memref<1x40x125xi32, #tpu.memory_space<hbm>> -> memref<40x125xi32, #tpu.memory_space<hbm>>
      tpu.wait_dma2 semaphore(%run_scoped3A : memref<!tpu.dma_semaphore, #tpu.memory_space<semaphore_mem>>) src(%dma_wait3A_42 : memref<40x125xi32, #tpu.memory_space<hbm>>) dst(%arg8 : memref<40x125xi32, #tpu.memory_space<vmem>>)
      tpu.yield
    }) : () -> ()
    %dma_start3A_14 = arith.constant 0 : i32
    %dma_start3A_15 = arith.constant 0 : i32
    %dma_start3A_16 = tpu.memref_slice %arg7[%dma_start3A_14, %dma_start3A_15] : memref<40x125xi32, #tpu.memory_space<vmem>> -> memref<1x125xi32, #tpu.memory_space<vmem>>
    %dma_start3A_17 = tpu.memref_squeeze %dma_start3A_16 : memref<1x125xi32, #tpu.memory_space<vmem>> -> memref<125xi32, #tpu.memory_space<vmem>>
    %dma_start3A_18 = arith.constant 0 : i32
    %dma_start3A_19 = arith.constant 0 : i32
    %dma_start3A_20 = tpu.memref_slice %arg2[%dma_start3A_18, %dma_start3A_19] : memref<10000x128xf32, #tpu.memory_space<hbm>> -> memref<10000x128xf32, #tpu.memory_space<hbm>>
    tpu.enqueue_indirect_dma source(%dma_start3A_20 : memref<10000x128xf32, #tpu.memory_space<hbm>>) target(%arg9 : memref<125x128xf32, #tpu.memory_space<vmem>>) offsets(%dma_start3A_17 : memref<125xi32, #tpu.memory_space<vmem>>) semaphore(%arg12 : memref<!tpu.dma_semaphore, #tpu.memory_space<semaphore_mem>>)
    %scan3A_21 = arith.constant 0 : i32
    %scan3A_22 = arith.constant 0 : i32
    %scan3A_23 = arith.constant 20 : i32
    %scan3A_24 = arith.addi %scan3A_22, %scan3A_23 : i32
    %scan3A_25 = arith.constant 1 : i32
    scf.for %scan3A_28 = %scan3A_22 to %scan3A_24 step %scan3A_25  : i32 {
      %mul3A_29 = arith.constant 2 : i32
      %mul3A_30 = arith.muli %mul3A_29, %scan3A_28 : i32
      %add3A_31 = arith.constant 0 : i32
      %add3A_32 = arith.addi %mul3A_30, %add3A_31 : i32
      %add3A_33 = arith.constant 1 : i32
      %add3A_34 = arith.addi %add3A_32, %add3A_33 : i32
      %lt3A = arith.constant 40 : i32
      %lt3A_35 = arith.cmpi slt, %add3A_34, %lt3A : i32
      %convert_element_type3A = arith.extui %lt3A_35 : i1 to i32
      %cond3A = arith.constant 0 : i32
      %cond3A_36 = arith.cmpi ne, %convert_element_type3A, %cond3A : i32
      scf.if %cond3A_36 {
        %dma_start3A_59 = arith.constant 0 : i32
        %dma_start3A_60 = tpu.memref_slice %arg7[%add3A_34, %dma_start3A_59] : memref<40x125xi32, #tpu.memory_space<vmem>> -> memref<1x125xi32, #tpu.memory_space<vmem>>
        %dma_start3A_61 = tpu.memref_squeeze %dma_start3A_60 : memref<1x125xi32, #tpu.memory_space<vmem>> -> memref<125xi32, #tpu.memory_space<vmem>>
        %dma_start3A_62 = arith.constant 0 : i32
        %dma_start3A_63 = arith.constant 0 : i32
        %dma_start3A_64 = tpu.memref_slice %arg2[%dma_start3A_62, %dma_start3A_63] : memref<10000x128xf32, #tpu.memory_space<hbm>> -> memref<10000x128xf32, #tpu.memory_space<hbm>>
        tpu.enqueue_indirect_dma source(%dma_start3A_64 : memref<10000x128xf32, #tpu.memory_space<hbm>>) target(%arg10 : memref<125x128xf32, #tpu.memory_space<vmem>>) offsets(%dma_start3A_61 : memref<125xi32, #tpu.memory_space<vmem>>) semaphore(%arg13 : memref<!tpu.dma_semaphore, #tpu.memory_space<semaphore_mem>>)
      } else {
      }
      %dma_wait3A = arith.constant 0 : i32
      %dma_wait3A_37 = tpu.memref_slice %arg7[%add3A_32, %dma_wait3A] : memref<40x125xi32, #tpu.memory_space<vmem>> -> memref<1x125xi32, #tpu.memory_space<vmem>>
      %dma_wait3A_38 = tpu.memref_squeeze %dma_wait3A_37 : memref<1x125xi32, #tpu.memory_space<vmem>> -> memref<125xi32, #tpu.memory_space<vmem>>
      %dma_wait3A_39 = arith.constant 0 : i32
      %dma_wait3A_40 = arith.constant 0 : i32
      %dma_wait3A_41 = tpu.memref_slice %arg2[%dma_wait3A_39, %dma_wait3A_40] : memref<10000x128xf32, #tpu.memory_space<hbm>> -> memref<10000x128xf32, #tpu.memory_space<hbm>>
      tpu.wait_indirect_dma semaphore(%arg12 : memref<!tpu.dma_semaphore, #tpu.memory_space<semaphore_mem>>) src(%dma_wait3A_41 : memref<10000x128xf32, #tpu.memory_space<hbm>>) dst(%arg9 : memref<125x128xf32, #tpu.memory_space<vmem>>)
      "tpu.region"() ({
        %run_scoped3A = tpu.sem_alloc : memref<!tpu.dma_semaphore, #tpu.memory_space<semaphore_mem>>
        %dma_start3A_59 = arith.constant 0 : i32
        %dma_start3A_60 = tpu.memref_slice %arg8[%add3A_32, %dma_start3A_59] : memref<40x125xi32, #tpu.memory_space<vmem>> -> memref<1x125xi32, #tpu.memory_space<vmem>>
        %dma_start3A_61 = tpu.memref_squeeze %dma_start3A_60 : memref<1x125xi32, #tpu.memory_space<vmem>> -> memref<125xi32, #tpu.memory_space<vmem>>
        %dma_start3A_62 = arith.constant 0 : i32
        %dma_start3A_63 = arith.constant 0 : i32
        %dma_start3A_64 = tpu.memref_slice %arg11[%dma_start3A_62, %dma_start3A_63] : memref<10000x128xf32, #tpu.memory_space<vmem_shared>> -> memref<10000x128xf32, #tpu.memory_space<vmem_shared>>
        tpu.enqueue_indirect_dma source(%arg9 : memref<125x128xf32, #tpu.memory_space<vmem>>) target(%dma_start3A_64 : memref<10000x128xf32, #tpu.memory_space<vmem_shared>>) offsets(%dma_start3A_61 : memref<125xi32, #tpu.memory_space<vmem>>) semaphore(%run_scoped3A : memref<!tpu.dma_semaphore, #tpu.memory_space<semaphore_mem>>) {add = true}
        %dma_wait3A_65 = arith.constant 0 : i32
        %dma_wait3A_66 = tpu.memref_slice %arg8[%add3A_32, %dma_wait3A_65] : memref<40x125xi32, #tpu.memory_space<vmem>> -> memref<1x125xi32, #tpu.memory_space<vmem>>
        %dma_wait3A_67 = tpu.memref_squeeze %dma_wait3A_66 : memref<1x125xi32, #tpu.memory_space<vmem>> -> memref<125xi32, #tpu.memory_space<vmem>>
        %dma_wait3A_68 = arith.constant 0 : i32
        %dma_wait3A_69 = arith.constant 0 : i32
        %dma_wait3A_70 = tpu.memref_slice %arg11[%dma_wait3A_68, %dma_wait3A_69] : memref<10000x128xf32, #tpu.memory_space<vmem_shared>> -> memref<10000x128xf32, #tpu.memory_space<vmem_shared>>
        tpu.wait_indirect_dma semaphore(%run_scoped3A : memref<!tpu.dma_semaphore, #tpu.memory_space<semaphore_mem>>) src(%arg9 : memref<125x128xf32, #tpu.memory_space<vmem>>) dst(%dma_wait3A_70 : memref<10000x128xf32, #tpu.memory_space<vmem_shared>>)
        tpu.yield
      }) : () -> ()
      %mul3A_42 = arith.constant 2 : i32
      %mul3A_43 = arith.muli %mul3A_42, %scan3A_28 : i32
      %add3A_44 = arith.constant 1 : i32
      %add3A_45 = arith.addi %mul3A_43, %add3A_44 : i32
      %add3A_46 = arith.constant 1 : i32
      %add3A_47 = arith.addi %add3A_45, %add3A_46 : i32
      %lt3A_48 = arith.constant 40 : i32
      %lt3A_49 = arith.cmpi slt, %add3A_47, %lt3A_48 : i32
      %convert_element_type3A_50 = arith.extui %lt3A_49 : i1 to i32
      %cond3A_51 = arith.constant 0 : i32
      %cond3A_52 = arith.cmpi ne, %convert_element_type3A_50, %cond3A_51 : i32
      scf.if %cond3A_52 {
        %dma_start3A_59 = arith.constant 0 : i32
        %dma_start3A_60 = tpu.memref_slice %arg7[%add3A_47, %dma_start3A_59] : memref<40x125xi32, #tpu.memory_space<vmem>> -> memref<1x125xi32, #tpu.memory_space<vmem>>
        %dma_start3A_61 = tpu.memref_squeeze %dma_start3A_60 : memref<1x125xi32, #tpu.memory_space<vmem>> -> memref<125xi32, #tpu.memory_space<vmem>>
        %dma_start3A_62 = arith.constant 0 : i32
        %dma_start3A_63 = arith.constant 0 : i32
        %dma_start3A_64 = tpu.memref_slice %arg2[%dma_start3A_62, %dma_start3A_63] : memref<10000x128xf32, #tpu.memory_space<hbm>> -> memref<10000x128xf32, #tpu.memory_space<hbm>>
        tpu.enqueue_indirect_dma source(%dma_start3A_64 : memref<10000x128xf32, #tpu.memory_space<hbm>>) target(%arg9 : memref<125x128xf32, #tpu.memory_space<vmem>>) offsets(%dma_start3A_61 : memref<125xi32, #tpu.memory_space<vmem>>) semaphore(%arg12 : memref<!tpu.dma_semaphore, #tpu.memory_space<semaphore_mem>>)
      } else {
      }
      %dma_wait3A_53 = arith.constant 0 : i32
      %dma_wait3A_54 = tpu.memref_slice %arg7[%add3A_45, %dma_wait3A_53] : memref<40x125xi32, #tpu.memory_space<vmem>> -> memref<1x125xi32, #tpu.memory_space<vmem>>
      %dma_wait3A_55 = tpu.memref_squeeze %dma_wait3A_54 : memref<1x125xi32, #tpu.memory_space<vmem>> -> memref<125xi32, #tpu.memory_space<vmem>>
      %dma_wait3A_56 = arith.constant 0 : i32
      %dma_wait3A_57 = arith.constant 0 : i32
      %dma_wait3A_58 = tpu.memref_slice %arg2[%dma_wait3A_56, %dma_wait3A_57] : memref<10000x128xf32, #tpu.memory_space<hbm>> -> memref<10000x128xf32, #tpu.memory_space<hbm>>
      tpu.wait_indirect_dma semaphore(%arg13 : memref<!tpu.dma_semaphore, #tpu.memory_space<semaphore_mem>>) src(%dma_wait3A_58 : memref<10000x128xf32, #tpu.memory_space<hbm>>) dst(%arg10 : memref<125x128xf32, #tpu.memory_space<vmem>>)
      "tpu.region"() ({
        %run_scoped3A = tpu.sem_alloc : memref<!tpu.dma_semaphore, #tpu.memory_space<semaphore_mem>>
        %dma_start3A_59 = arith.constant 0 : i32
        %dma_start3A_60 = tpu.memref_slice %arg8[%add3A_45, %dma_start3A_59] : memref<40x125xi32, #tpu.memory_space<vmem>> -> memref<1x125xi32, #tpu.memory_space<vmem>>
        %dma_start3A_61 = tpu.memref_squeeze %dma_start3A_60 : memref<1x125xi32, #tpu.memory_space<vmem>> -> memref<125xi32, #tpu.memory_space<vmem>>
        %dma_start3A_62 = arith.constant 0 : i32
        %dma_start3A_63 = arith.constant 0 : i32
        %dma_start3A_64 = tpu.memref_slice %arg11[%dma_start3A_62, %dma_start3A_63] : memref<10000x128xf32, #tpu.memory_space<vmem_shared>> -> memref<10000x128xf32, #tpu.memory_space<vmem_shared>>
        tpu.enqueue_indirect_dma source(%arg10 : memref<125x128xf32, #tpu.memory_space<vmem>>) target(%dma_start3A_64 : memref<10000x128xf32, #tpu.memory_space<vmem_shared>>) offsets(%dma_start3A_61 : memref<125xi32, #tpu.memory_space<vmem>>) semaphore(%run_scoped3A : memref<!tpu.dma_semaphore, #tpu.memory_space<semaphore_mem>>) {add = true}
        %dma_wait3A_65 = arith.constant 0 : i32
        %dma_wait3A_66 = tpu.memref_slice %arg8[%add3A_45, %dma_wait3A_65] : memref<40x125xi32, #tpu.memory_space<vmem>> -> memref<1x125xi32, #tpu.memory_space<vmem>>
        %dma_wait3A_67 = tpu.memref_squeeze %dma_wait3A_66 : memref<1x125xi32, #tpu.memory_space<vmem>> -> memref<125xi32, #tpu.memory_space<vmem>>
        %dma_wait3A_68 = arith.constant 0 : i32
        %dma_wait3A_69 = arith.constant 0 : i32
        %dma_wait3A_70 = tpu.memref_slice %arg11[%dma_wait3A_68, %dma_wait3A_69] : memref<10000x128xf32, #tpu.memory_space<vmem_shared>> -> memref<10000x128xf32, #tpu.memory_space<vmem_shared>>
        tpu.wait_indirect_dma semaphore(%run_scoped3A : memref<!tpu.dma_semaphore, #tpu.memory_space<semaphore_mem>>) src(%arg10 : memref<125x128xf32, #tpu.memory_space<vmem>>) dst(%dma_wait3A_70 : memref<10000x128xf32, #tpu.memory_space<vmem_shared>>)
        tpu.yield
      }) : () -> ()
    }
    %scan3A_26 = arith.constant 20 : i32
    %barrier3A_27 = arith.constant 0 : index
    tpu.barrier barrier_id(%barrier3A_27)
    "tpu.region"() ({
      %run_scoped3A = tpu.sem_alloc : memref<!tpu.dma_semaphore, #tpu.memory_space<semaphore_mem>>
      %dma_start3A_28 = arith.constant 0 : i32
      %dma_start3A_29 = arith.constant 0 : i32
      %dma_start3A_30 = tpu.memref_slice %arg6[%arg0, %arg1, %dma_start3A_28, %dma_start3A_29] : memref<2x16x625x128xf32, #tpu.memory_space<hbm>> -> memref<1x1x625x128xf32, #tpu.memory_space<hbm>>
      %dma_start3A_31 = tpu.memref_squeeze %dma_start3A_30 : memref<1x1x625x128xf32, #tpu.memory_space<hbm>> -> memref<625x128xf32, #tpu.memory_space<hbm>>
      %dma_start3A_32 = arith.constant 0 : i32
      %dma_start3A_33 = tpu.memref_slice %arg11[%mul3A_2, %dma_start3A_32] : memref<10000x128xf32, #tpu.memory_space<vmem_shared>> -> memref<625x128xf32, #tpu.memory_space<vmem_shared>>
      tpu.enqueue_dma source(%dma_start3A_33 : memref<625x128xf32, #tpu.memory_space<vmem_shared>>) target(%dma_start3A_31 : memref<625x128xf32, #tpu.memory_space<hbm>>) target_semaphore(%run_scoped3A : memref<!tpu.dma_semaphore, #tpu.memory_space<semaphore_mem>>)
      %dma_wait3A = arith.constant 0 : i32
      %dma_wait3A_34 = arith.constant 0 : i32
      %dma_wait3A_35 = tpu.memref_slice %arg6[%arg0, %arg1, %dma_wait3A, %dma_wait3A_34] : memref<2x16x625x128xf32, #tpu.memory_space<hbm>> -> memref<1x1x625x128xf32, #tpu.memory_space<hbm>>
      %dma_wait3A_36 = tpu.memref_squeeze %dma_wait3A_35 : memref<1x1x625x128xf32, #tpu.memory_space<hbm>> -> memref<625x128xf32, #tpu.memory_space<hbm>>
      %dma_wait3A_37 = arith.constant 0 : i32
      %dma_wait3A_38 = tpu.memref_slice %arg11[%mul3A_2, %dma_wait3A_37] : memref<10000x128xf32, #tpu.memory_space<vmem_shared>> -> memref<625x128xf32, #tpu.memory_space<vmem_shared>>
      tpu.wait_dma2 semaphore(%run_scoped3A : memref<!tpu.dma_semaphore, #tpu.memory_space<semaphore_mem>>) src(%dma_wait3A_38 : memref<625x128xf32, #tpu.memory_space<vmem_shared>>) dst(%dma_wait3A_36 : memref<625x128xf32, #tpu.memory_space<hbm>>)
      tpu.yield
    }) : () -> ()
    return
  }
}

module attributes {stable_mosaic.version = 14 : i64} {
  func.func @_tc_mm_body(%arg0: i32, %arg1: memref<2000x128xf32, #tpu.memory_space<vmem>>, %arg2: memref<128x128xf32, #tpu.memory_space<vmem>>, %arg3: memref<2000x128xf32, #tpu.memory_space<vmem>>) attributes {dimension_semantics = [#tpu.dimension_semantics<arbitrary>], iteration_bounds = array<i64: 5>, scalar_prefetch = 0 : i64, scratch_operands = 0 : i64, tpu.core_type = #tpu.core_type<tc>, window_params = [{transform_indices = @transform_0, window_bounds = array<i64: 2000, 128>}, {pipeline_mode = #tpu.pipeline_mode<synchronous>, transform_indices = @transform_1, window_bounds = array<i64: 128, 128>}, {transform_indices = @transform_2, window_bounds = array<i64: 2000, 128>}]} {
    %get3A = arith.constant 0 : index
    %get3A_0 = arith.constant 0 : index
    %get3A_1 = vector.load %arg1[%get3A, %get3A_0] : memref<2000x128xf32, #tpu.memory_space<vmem>>, vector<2000x128xf32>
    %get3A_2 = arith.constant 0 : index
    %get3A_3 = arith.constant 0 : index
    %get3A_4 = vector.load %arg2[%get3A_2, %get3A_3] : memref<128x128xf32, #tpu.memory_space<vmem>>, vector<128x128xf32>
    %dot_general3A = arith.constant dense<0.000000e+00> : vector<2000x128xf32>
    %dot_general3A_5 = tpu.matmul %get3A_1, %get3A_4, %dot_general3A {dimension_numbers = #tpu.dot_dimension_numbers<[1], [0], [0], [1], [0, 0, 1, 1], [], []>, transpose_lhs_hint = false} : vector<2000x128xf32>, vector<128x128xf32>, vector<2000x128xf32> -> vector<2000x128xf32>
    %swap3A = arith.constant 0 : index
    %swap3A_6 = arith.constant 0 : index
    %swap3A_7 = vector.load %arg3[%swap3A, %swap3A_6] : memref<2000x128xf32, #tpu.memory_space<vmem>>, vector<2000x128xf32>
    tpu.vector_store %arg3[%swap3A, %swap3A_6], %dot_general3A_5 {strides = array<i32>} : memref<2000x128xf32, #tpu.memory_space<vmem>>, vector<2000x128xf32>,
    return
  }
  func.func @transform_0(%arg0: i32) -> (i32, i32) {
    %c0_i32 = arith.constant 0 : i32
    %c0_i32_0 = arith.constant 0 : i32
    return %arg0, %c0_i32 : i32, i32
  }
  func.func @transform_1(%arg0: i32) -> (i32, i32) {
    %c0_i32 = arith.constant 0 : i32
    %c0_i32_0 = arith.constant 0 : i32
    %c0_i32_1 = arith.constant 0 : i32
    return %c0_i32, %c0_i32_0 : i32, i32
  }
  func.func @transform_2(%arg0: i32) -> (i32, i32) {
    %c0_i32 = arith.constant 0 : i32
    %c0_i32_0 = arith.constant 0 : i32
    return %arg0, %c0_i32 : i32, i32
  }
}

module attributes {stable_mosaic.version = 14 : i64} {
  func.func @_tc_scale_body(%arg0: i32, %arg1: memref<2000x128xf32, #tpu.memory_space<vmem>>, %arg2: memref<2000x128xf32, #tpu.memory_space<vmem>>, %arg3: memref<2000x128xf32, #tpu.memory_space<vmem>>, %arg4: memref<2000x128xf32, #tpu.memory_space<vmem>>) attributes {dimension_semantics = [#tpu.dimension_semantics<arbitrary>], iteration_bounds = array<i64: 5>, scalar_prefetch = 0 : i64, scratch_operands = 0 : i64, tpu.core_type = #tpu.core_type<tc>, window_params = [{transform_indices = @transform_0, window_bounds = array<i64: 2000, 128>}, {transform_indices = @transform_1, window_bounds = array<i64: 2000, 128>}, {transform_indices = @transform_2, window_bounds = array<i64: 2000, 128>}, {transform_indices = @transform_3, window_bounds = array<i64: 2000, 128>}]} {
    %get3A = arith.constant 0 : index
    %get3A_0 = arith.constant 0 : index
    %get3A_1 = vector.load %arg2[%get3A, %get3A_0] : memref<2000x128xf32, #tpu.memory_space<vmem>>, vector<2000x128xf32>
    %get3A_2 = arith.constant 0 : index
    %get3A_3 = arith.constant 0 : index
    %get3A_4 = vector.load %arg3[%get3A_2, %get3A_3] : memref<2000x128xf32, #tpu.memory_space<vmem>>, vector<2000x128xf32>
    %slice3A = vector.extract_strided_slice %get3A_1 {offsets = [0, 0], sizes = [2000, 1], strides = [1, 1]} : vector<2000x128xf32> to vector<2000x1xf32>
    %slice3A_5 = vector.extract_strided_slice %get3A_4 {offsets = [0, 0], sizes = [2000, 1], strides = [1, 1]} : vector<2000x128xf32> to vector<2000x1xf32>
    %add3A = arith.addf %slice3A, %slice3A_5 : vector<2000x1xf32>
    %add3A_6 = arith.constant 1.000000e+00 : f32
    %add3A_7 = vector.broadcast %add3A_6 : f32 to vector<2000x1xf32>
    %add3A_8 = arith.addf %add3A, %add3A_7 : vector<2000x1xf32>
    %rsqrt3A = math.rsqrt %add3A_8 : vector<2000x1xf32>
    %get3A_9 = arith.constant 0 : index
    %get3A_10 = arith.constant 0 : index
    %get3A_11 = vector.load %arg1[%get3A_9, %get3A_10] : memref<2000x128xf32, #tpu.memory_space<vmem>>, vector<2000x128xf32>
    %mul3A = vector.broadcast %rsqrt3A : vector<2000x1xf32> to vector<2000x128xf32>
    %mul3A_12 = arith.mulf %mul3A, %get3A_11 : vector<2000x128xf32>
    %swap3A = arith.constant 0 : index
    %swap3A_13 = arith.constant 0 : index
    %swap3A_14 = vector.load %arg4[%swap3A, %swap3A_13] : memref<2000x128xf32, #tpu.memory_space<vmem>>, vector<2000x128xf32>
    tpu.vector_store %arg4[%swap3A, %swap3A_13], %mul3A_12 {strides = array<i32>} : memref<2000x128xf32, #tpu.memory_space<vmem>>, vector<2000x128xf32>,
    return
  }
  func.func @transform_0(%arg0: i32) -> (i32, i32) {
    %c0_i32 = arith.constant 0 : i32
    %c0_i32_0 = arith.constant 0 : i32
    return %arg0, %c0_i32 : i32, i32
  }
  func.func @transform_1(%arg0: i32) -> (i32, i32) {
    %c0_i32 = arith.constant 0 : i32
    %c0_i32_0 = arith.constant 0 : i32
    return %arg0, %c0_i32 : i32, i32
  }
  func.func @transform_2(%arg0: i32) -> (i32, i32) {
    %c0_i32 = arith.constant 0 : i32
    %c0_i32_0 = arith.constant 0 : i32
    return %arg0, %c0_i32 : i32, i32
  }
  func.func @transform_3(%arg0: i32) -> (i32, i32) {
    %c0_i32 = arith.constant 0 : i32
    %c0_i32_0 = arith.constant 0 : i32
    return %arg0, %c0_i32 : i32, i32
  }
}

module attributes {stable_mosaic.version = 14 : i64} {
  func.func @_tc_mid_body(%arg0: i32, %arg1: memref<2000x128xf32, #tpu.memory_space<vmem>>, %arg2: memref<2000x128xf32, #tpu.memory_space<vmem>>, %arg3: memref<2000x128xf32, #tpu.memory_space<vmem>>, %arg4: memref<2000x128xf32, #tpu.memory_space<vmem>>, %arg5: memref<2000x128xf32, #tpu.memory_space<vmem>>, %arg6: memref<128x128xf32, #tpu.memory_space<vmem>>, %arg7: memref<1x128xf32, #tpu.memory_space<vmem>>, %arg8: memref<2000x128xf32, #tpu.memory_space<vmem>>) attributes {dimension_semantics = [#tpu.dimension_semantics<arbitrary>], iteration_bounds = array<i64: 5>, scalar_prefetch = 0 : i64, scratch_operands = 0 : i64, tpu.core_type = #tpu.core_type<tc>, window_params = [{transform_indices = @transform_0, window_bounds = array<i64: 2000, 128>}, {transform_indices = @transform_1, window_bounds = array<i64: 2000, 128>}, {transform_indices = @transform_2, window_bounds = array<i64: 2000, 128>}, {transform_indices = @transform_3, window_bounds = array<i64: 2000, 128>}, {transform_indices = @transform_4, window_bounds = array<i64: 2000, 128>}, {pipeline_mode = #tpu.pipeline_mode<synchronous>, transform_indices = @transform_5, window_bounds = array<i64: 128, 128>}, {pipeline_mode = #tpu.pipeline_mode<synchronous>, transform_indices = @transform_6, window_bounds = array<i64: 1, 128>}, {transform_indices = @transform_7, window_bounds = array<i64: 2000, 128>}]} {
    %get3A = arith.constant 0 : index
    %get3A_0 = arith.constant 0 : index
    %get3A_1 = vector.load %arg4[%get3A, %get3A_0] : memref<2000x128xf32, #tpu.memory_space<vmem>>, vector<2000x128xf32>
    %get3A_2 = arith.constant 0 : index
    %get3A_3 = arith.constant 0 : index
    %get3A_4 = vector.load %arg5[%get3A_2, %get3A_3] : memref<2000x128xf32, #tpu.memory_space<vmem>>, vector<2000x128xf32>
    %slice3A = vector.extract_strided_slice %get3A_1 {offsets = [0, 0], sizes = [2000, 1], strides = [1, 1]} : vector<2000x128xf32> to vector<2000x1xf32>
    %slice3A_5 = vector.extract_strided_slice %get3A_4 {offsets = [0, 0], sizes = [2000, 1], strides = [1, 1]} : vector<2000x128xf32> to vector<2000x1xf32>
    %add3A = arith.addf %slice3A, %slice3A_5 : vector<2000x1xf32>
    %add3A_6 = arith.constant 1.000000e+00 : f32
    %add3A_7 = vector.broadcast %add3A_6 : f32 to vector<2000x1xf32>
    %add3A_8 = arith.addf %add3A, %add3A_7 : vector<2000x1xf32>
    %rsqrt3A = math.rsqrt %add3A_8 : vector<2000x1xf32>
    %get3A_9 = arith.constant 0 : index
    %get3A_10 = arith.constant 0 : index
    %get3A_11 = vector.load %arg1[%get3A_9, %get3A_10] : memref<2000x128xf32, #tpu.memory_space<vmem>>, vector<2000x128xf32>
    %get3A_12 = arith.constant 0 : index
    %get3A_13 = arith.constant 0 : index
    %get3A_14 = vector.load %arg2[%get3A_12, %get3A_13] : memref<2000x128xf32, #tpu.memory_space<vmem>>, vector<2000x128xf32>
    %add3A_15 = arith.addf %get3A_11, %get3A_14 : vector<2000x128xf32>
    %get3A_16 = arith.constant 0 : index
    %get3A_17 = arith.constant 0 : index
    %get3A_18 = vector.load %arg3[%get3A_16, %get3A_17] : memref<2000x128xf32, #tpu.memory_space<vmem>>, vector<2000x128xf32>
    %add3A_19 = arith.addf %add3A_15, %get3A_18 : vector<2000x128xf32>
    %mul3A = vector.broadcast %rsqrt3A : vector<2000x1xf32> to vector<2000x128xf32>
    %mul3A_20 = arith.mulf %mul3A, %add3A_19 : vector<2000x128xf32>
    %get3A_21 = arith.constant 0 : index
    %get3A_22 = arith.constant 0 : index
    %get3A_23 = vector.load %arg7[%get3A_21, %get3A_22] : memref<1x128xf32, #tpu.memory_space<vmem>>, vector<1x128xf32>
    %add3A_24 = vector.broadcast %get3A_23 : vector<1x128xf32> to vector<2000x128xf32>
    %add3A_25 = arith.addf %mul3A_20, %add3A_24 : vector<2000x128xf32>
    %max3A = arith.constant 0.000000e+00 : f32
    %max3A_26 = vector.broadcast %max3A : f32 to vector<2000x128xf32>
    %max3A_27 = arith.maximumf %add3A_25, %max3A_26 : vector<2000x128xf32>
    %get3A_28 = arith.constant 0 : index
    %get3A_29 = arith.constant 0 : index
    %get3A_30 = vector.load %arg6[%get3A_28, %get3A_29] : memref<128x128xf32, #tpu.memory_space<vmem>>, vector<128x128xf32>
    %dot_general3A = arith.constant dense<0.000000e+00> : vector<2000x128xf32>
    %dot_general3A_31 = tpu.matmul %max3A_27, %get3A_30, %dot_general3A {dimension_numbers = #tpu.dot_dimension_numbers<[1], [0], [0], [1], [0, 0, 1, 1], [], []>, transpose_lhs_hint = false} : vector<2000x128xf32>, vector<128x128xf32>, vector<2000x128xf32> -> vector<2000x128xf32>
    %mul3A_32 = vector.broadcast %rsqrt3A : vector<2000x1xf32> to vector<2000x128xf32>
    %mul3A_33 = arith.mulf %mul3A_32, %dot_general3A_31 : vector<2000x128xf32>
    %swap3A = arith.constant 0 : index
    %swap3A_34 = arith.constant 0 : index
    %swap3A_35 = vector.load %arg8[%swap3A, %swap3A_34] : memref<2000x128xf32, #tpu.memory_space<vmem>>, vector<2000x128xf32>
    tpu.vector_store %arg8[%swap3A, %swap3A_34], %mul3A_33 {strides = array<i32>} : memref<2000x128xf32, #tpu.memory_space<vmem>>, vector<2000x128xf32>,
    return
  }
  func.func @transform_0(%arg0: i32) -> (i32, i32) {
    %c0_i32 = arith.constant 0 : i32
    %c0_i32_0 = arith.constant 0 : i32
    return %arg0, %c0_i32 : i32, i32
  }
  func.func @transform_1(%arg0: i32) -> (i32, i32) {
    %c0_i32 = arith.constant 0 : i32
    %c0_i32_0 = arith.constant 0 : i32
    return %arg0, %c0_i32 : i32, i32
  }
  func.func @transform_2(%arg0: i32) -> (i32, i32) {
    %c0_i32 = arith.constant 0 : i32
    %c0_i32_0 = arith.constant 0 : i32
    return %arg0, %c0_i32 : i32, i32
  }
  func.func @transform_3(%arg0: i32) -> (i32, i32) {
    %c0_i32 = arith.constant 0 : i32
    %c0_i32_0 = arith.constant 0 : i32
    return %arg0, %c0_i32 : i32, i32
  }
  func.func @transform_4(%arg0: i32) -> (i32, i32) {
    %c0_i32 = arith.constant 0 : i32
    %c0_i32_0 = arith.constant 0 : i32
    return %arg0, %c0_i32 : i32, i32
  }
  func.func @transform_5(%arg0: i32) -> (i32, i32) {
    %c0_i32 = arith.constant 0 : i32
    %c0_i32_0 = arith.constant 0 : i32
    %c0_i32_1 = arith.constant 0 : i32
    return %c0_i32, %c0_i32_0 : i32, i32
  }
  func.func @transform_6(%arg0: i32) -> (i32, i32) {
    %c0_i32 = arith.constant 0 : i32
    %c0_i32_0 = arith.constant 0 : i32
    %c0_i32_1 = arith.constant 0 : i32
    return %c0_i32, %c0_i32_0 : i32, i32
  }
  func.func @transform_7(%arg0: i32) -> (i32, i32) {
    %c0_i32 = arith.constant 0 : i32
    %c0_i32_0 = arith.constant 0 : i32
    return %arg0, %c0_i32 : i32, i32
  }
}

module attributes {stable_mosaic.version = 14 : i64} {
  func.func @_tc_final_body(%arg0: i32, %arg1: memref<2000x128xf32, #tpu.memory_space<vmem>>, %arg2: memref<2000x128xf32, #tpu.memory_space<vmem>>, %arg3: memref<2000x128xf32, #tpu.memory_space<vmem>>, %arg4: memref<2000x128xf32, #tpu.memory_space<vmem>>, %arg5: memref<2000x128xf32, #tpu.memory_space<vmem>>, %arg6: memref<1x128xf32, #tpu.memory_space<vmem>>, %arg7: memref<2000x1xi32, #tpu.memory_space<vmem>>, %arg8: memref<128x64xf32, #tpu.memory_space<vmem>>, %arg9: memref<1x64xf32, #tpu.memory_space<vmem>>, %arg10: memref<64x64xf32, #tpu.memory_space<vmem>>, %arg11: memref<64x128xf32, #tpu.memory_space<vmem>>, %arg12: memref<64x128xf32, #tpu.memory_space<vmem>>) attributes {dimension_semantics = [#tpu.dimension_semantics<arbitrary>], iteration_bounds = array<i64: 5>, scalar_prefetch = 0 : i64, scratch_operands = 2 : i64, tpu.core_type = #tpu.core_type<tc>, window_params = [{transform_indices = @transform_0, window_bounds = array<i64: 2000, 128>}, {transform_indices = @transform_1, window_bounds = array<i64: 2000, 128>}, {transform_indices = @transform_2, window_bounds = array<i64: 2000, 128>}, {transform_indices = @transform_3, window_bounds = array<i64: 2000, 128>}, {transform_indices = @transform_4, window_bounds = array<i64: 2000, 128>}, {pipeline_mode = #tpu.pipeline_mode<synchronous>, transform_indices = @transform_5, window_bounds = array<i64: 1, 128>}, {transform_indices = @transform_6, window_bounds = array<i64: 2000, 1>}, {pipeline_mode = #tpu.pipeline_mode<synchronous>, transform_indices = @transform_7, window_bounds = array<i64: 128, 64>}, {pipeline_mode = #tpu.pipeline_mode<synchronous>, transform_indices = @transform_8, window_bounds = array<i64: 1, 64>}, {pipeline_mode = #tpu.pipeline_mode<synchronous>, transform_indices = @transform_9, window_bounds = array<i64: 64, 64>}]} {
    %get3A = arith.constant 0 : index
    %get3A_0 = arith.constant 0 : index
    %get3A_1 = vector.load %arg4[%get3A, %get3A_0] : memref<2000x128xf32, #tpu.memory_space<vmem>>, vector<2000x128xf32>
    %get3A_2 = arith.constant 0 : index
    %get3A_3 = arith.constant 0 : index
    %get3A_4 = vector.load %arg5[%get3A_2, %get3A_3] : memref<2000x128xf32, #tpu.memory_space<vmem>>, vector<2000x128xf32>
    %slice3A = vector.extract_strided_slice %get3A_1 {offsets = [0, 0], sizes = [2000, 1], strides = [1, 1]} : vector<2000x128xf32> to vector<2000x1xf32>
    %slice3A_5 = vector.extract_strided_slice %get3A_4 {offsets = [0, 0], sizes = [2000, 1], strides = [1, 1]} : vector<2000x128xf32> to vector<2000x1xf32>
    %add3A = arith.addf %slice3A, %slice3A_5 : vector<2000x1xf32>
    %add3A_6 = arith.constant 1.000000e+00 : f32
    %add3A_7 = vector.broadcast %add3A_6 : f32 to vector<2000x1xf32>
    %add3A_8 = arith.addf %add3A, %add3A_7 : vector<2000x1xf32>
    %rsqrt3A = math.rsqrt %add3A_8 : vector<2000x1xf32>
    %get3A_9 = arith.constant 0 : index
    %get3A_10 = arith.constant 0 : index
    %get3A_11 = vector.load %arg1[%get3A_9, %get3A_10] : memref<2000x128xf32, #tpu.memory_space<vmem>>, vector<2000x128xf32>
    %get3A_12 = arith.constant 0 : index
    %get3A_13 = arith.constant 0 : index
    %get3A_14 = vector.load %arg2[%get3A_12, %get3A_13] : memref<2000x128xf32, #tpu.memory_space<vmem>>, vector<2000x128xf32>
    %add3A_15 = arith.addf %get3A_11, %get3A_14 : vector<2000x128xf32>
    %get3A_16 = arith.constant 0 : index
    %get3A_17 = arith.constant 0 : index
    %get3A_18 = vector.load %arg3[%get3A_16, %get3A_17] : memref<2000x128xf32, #tpu.memory_space<vmem>>, vector<2000x128xf32>
    %add3A_19 = arith.addf %add3A_15, %get3A_18 : vector<2000x128xf32>
    %mul3A = vector.broadcast %rsqrt3A : vector<2000x1xf32> to vector<2000x128xf32>
    %mul3A_20 = arith.mulf %mul3A, %add3A_19 : vector<2000x128xf32>
    %get3A_21 = arith.constant 0 : index
    %get3A_22 = arith.constant 0 : index
    %get3A_23 = vector.load %arg6[%get3A_21, %get3A_22] : memref<1x128xf32, #tpu.memory_space<vmem>>, vector<1x128xf32>
    %add3A_24 = vector.broadcast %get3A_23 : vector<1x128xf32> to vector<2000x128xf32>
    %add3A_25 = arith.addf %mul3A_20, %add3A_24 : vector<2000x128xf32>
    %iota3A = tpu.iota {dimensions = array<i32: 1>} : vector<2000x64xi32>
    %get3A_26 = arith.constant 0 : index
    %get3A_27 = arith.constant 0 : index
    %get3A_28 = vector.load %arg7[%get3A_26, %get3A_27] : memref<2000x1xi32, #tpu.memory_space<vmem>>, vector<2000x1xi32>
    %eq3A = vector.broadcast %get3A_28 : vector<2000x1xi32> to vector<2000x64xi32>
    %eq3A_29 = arith.cmpi eq, %eq3A, %iota3A : vector<2000x64xi32>
    %convert_element_type3A = arith.extui %eq3A_29 : vector<2000x64xi1> to vector<2000x64xi32>
    %convert_element_type3A_30 = arith.sitofp %convert_element_type3A : vector<2000x64xi32> to vector<2000x64xf32>
    %broadcast_in_dim3A = arith.constant 1.000000e+00 : f32
    %broadcast_in_dim3A_31 = vector.broadcast %broadcast_in_dim3A : f32 to vector<2000x128xf32>
    %dot_general3A = arith.constant dense<0.000000e+00> : vector<64x128xf32>
    %dot_general3A_32 = tpu.matmul %convert_element_type3A_30, %add3A_25, %dot_general3A {dimension_numbers = #tpu.dot_dimension_numbers<[0], [0], [1], [1], [0, 1, 1, 1], [], []>, transpose_lhs_hint = false} : vector<2000x64xf32>, vector<2000x128xf32>, vector<64x128xf32> -> vector<64x128xf32>
    %dot_general3A_33 = arith.constant dense<0.000000e+00> : vector<64x128xf32>
    %dot_general3A_34 = tpu.matmul %convert_element_type3A_30, %broadcast_in_dim3A_31, %dot_general3A_33 {dimension_numbers = #tpu.dot_dimension_numbers<[0], [0], [1], [1], [0, 1, 1, 1], [], []>, transpose_lhs_hint = false} : vector<2000x64xf32>, vector<2000x128xf32>, vector<64x128xf32> -> vector<64x128xf32>
    %eq3A_35 = arith.constant 0 : i32
    %eq3A_36 = arith.cmpi eq, %arg0, %eq3A_35 : i32
    %convert_element_type3A_37 = arith.extui %eq3A_36 : i1 to i32
    %cond3A = arith.constant 0 : i32
    %cond3A_38 = arith.cmpi ne, %convert_element_type3A_37, %cond3A : i32
    scf.if %cond3A_38 {
      %broadcast_in_dim3A_57 = arith.constant 0.000000e+00 : f32
      %broadcast_in_dim3A_58 = vector.broadcast %broadcast_in_dim3A_57 : f32 to vector<64x128xf32>
      %swap3A_59 = arith.constant 0 : index
      %swap3A_60 = arith.constant 0 : index
      %swap3A_61 = vector.load %arg11[%swap3A_59, %swap3A_60] : memref<64x128xf32, #tpu.memory_space<vmem>>, vector<64x128xf32>
      tpu.vector_store %arg11[%swap3A_59, %swap3A_60], %broadcast_in_dim3A_58 {strides = array<i32>} : memref<64x128xf32, #tpu.memory_space<vmem>>, vector<64x128xf32>,
      %broadcast_in_dim3A_62 = arith.constant 0.000000e+00 : f32
      %broadcast_in_dim3A_63 = vector.broadcast %broadcast_in_dim3A_62 : f32 to vector<64x128xf32>
      %swap3A_64 = arith.constant 0 : index
      %swap3A_65 = arith.constant 0 : index
      %swap3A_66 = vector.load %arg12[%swap3A_64, %swap3A_65] : memref<64x128xf32, #tpu.memory_space<vmem>>, vector<64x128xf32>
      tpu.vector_store %arg12[%swap3A_64, %swap3A_65], %broadcast_in_dim3A_63 {strides = array<i32>} : memref<64x128xf32, #tpu.memory_space<vmem>>, vector<64x128xf32>,
    } else {
    }
    %get3A_39 = arith.constant 0 : index
    %get3A_40 = arith.constant 0 : index
    %get3A_41 = vector.load %arg11[%get3A_39, %get3A_40] : memref<64x128xf32, #tpu.memory_space<vmem>>, vector<64x128xf32>
    %add3A_42 = arith.addf %get3A_41, %dot_general3A_32 : vector<64x128xf32>
    %swap3A = arith.constant 0 : index
    %swap3A_43 = arith.constant 0 : index
    %swap3A_44 = vector.load %arg11[%swap3A, %swap3A_43] : memref<64x128xf32, #tpu.memory_space<vmem>>, vector<64x128xf32>
    tpu.vector_store %arg11[%swap3A, %swap3A_43], %add3A_42 {strides = array<i32>} : memref<64x128xf32, #tpu.memory_space<vmem>>, vector<64x128xf32>,
    %get3A_45 = arith.constant 0 : index
    %get3A_46 = arith.constant 0 : index
    %get3A_47 = vector.load %arg12[%get3A_45, %get3A_46] : memref<64x128xf32, #tpu.memory_space<vmem>>, vector<64x128xf32>
    %add3A_48 = arith.addf %get3A_47, %dot_general3A_34 : vector<64x128xf32>
    %swap3A_49 = arith.constant 0 : index
    %swap3A_50 = arith.constant 0 : index
    %swap3A_51 = vector.load %arg12[%swap3A_49, %swap3A_50] : memref<64x128xf32, #tpu.memory_space<vmem>>, vector<64x128xf32>
    tpu.vector_store %arg12[%swap3A_49, %swap3A_50], %add3A_48 {strides = array<i32>} : memref<64x128xf32, #tpu.memory_space<vmem>>, vector<64x128xf32>,
    %eq3A_52 = arith.constant 4 : i32
    %eq3A_53 = arith.cmpi eq, %arg0, %eq3A_52 : i32
    %convert_element_type3A_54 = arith.extui %eq3A_53 : i1 to i32
    %cond3A_55 = arith.constant 0 : i32
    %cond3A_56 = arith.cmpi ne, %convert_element_type3A_54, %cond3A_55 : i32
    scf.if %cond3A_56 {
      %get3A_57 = arith.constant 0 : index
      %get3A_58 = arith.constant 0 : index
      %get3A_59 = vector.load %arg11[%get3A_57, %get3A_58] : memref<64x128xf32, #tpu.memory_space<vmem>>, vector<64x128xf32>
      %get3A_60 = arith.constant 0 : index
      %get3A_61 = arith.constant 0 : index
      %get3A_62 = vector.load %arg12[%get3A_60, %get3A_61] : memref<64x128xf32, #tpu.memory_space<vmem>>, vector<64x128xf32>
      %div3A = arith.divf %get3A_59, %get3A_62 : vector<64x128xf32>
      %get3A_63 = arith.constant 0 : index
      %get3A_64 = arith.constant 0 : index
      %get3A_65 = vector.load %arg8[%get3A_63, %get3A_64] : memref<128x64xf32, #tpu.memory_space<vmem>>, vector<128x64xf32>
      %dot_general3A_66 = arith.constant dense<0.000000e+00> : vector<64x64xf32>
      %dot_general3A_67 = tpu.matmul %div3A, %get3A_65, %dot_general3A_66 {dimension_numbers = #tpu.dot_dimension_numbers<[1], [0], [0], [1], [0, 0, 1, 1], [], []>, transpose_lhs_hint = false} : vector<64x128xf32>, vector<128x64xf32>, vector<64x64xf32> -> vector<64x64xf32>
      %get3A_68 = arith.constant 0 : index
      %get3A_69 = arith.constant 0 : index
      %get3A_70 = vector.load %arg9[%get3A_68, %get3A_69] : memref<1x64xf32, #tpu.memory_space<vmem>>, vector<1x64xf32>
      %add3A_71 = vector.broadcast %get3A_70 : vector<1x64xf32> to vector<64x64xf32>
      %add3A_72 = arith.addf %dot_general3A_67, %add3A_71 : vector<64x64xf32>
      %swap3A_73 = arith.constant 0 : index
      %swap3A_74 = arith.constant 0 : index
      %swap3A_75 = vector.load %arg10[%swap3A_73, %swap3A_74] : memref<64x64xf32, #tpu.memory_space<vmem>>, vector<64x64xf32>
      tpu.vector_store %arg10[%swap3A_73, %swap3A_74], %add3A_72 {strides = array<i32>} : memref<64x64xf32, #tpu.memory_space<vmem>>, vector<64x64xf32>,
    } else {
    }
    return
  }
  func.func @transform_0(%arg0: i32) -> (i32, i32) {
    %c0_i32 = arith.constant 0 : i32
    %c0_i32_0 = arith.constant 0 : i32
    return %arg0, %c0_i32 : i32, i32
  }
  func.func @transform_1(%arg0: i32) -> (i32, i32) {
    %c0_i32 = arith.constant 0 : i32
    %c0_i32_0 = arith.constant 0 : i32
    return %arg0, %c0_i32 : i32, i32
  }
  func.func @transform_2(%arg0: i32) -> (i32, i32) {
    %c0_i32 = arith.constant 0 : i32
    %c0_i32_0 = arith.constant 0 : i32
    return %arg0, %c0_i32 : i32, i32
  }
  func.func @transform_3(%arg0: i32) -> (i32, i32) {
    %c0_i32 = arith.constant 0 : i32
    %c0_i32_0 = arith.constant 0 : i32
    return %arg0, %c0_i32 : i32, i32
  }
  func.func @transform_4(%arg0: i32) -> (i32, i32) {
    %c0_i32 = arith.constant 0 : i32
    %c0_i32_0 = arith.constant 0 : i32
    return %arg0, %c0_i32 : i32, i32
  }
  func.func @transform_5(%arg0: i32) -> (i32, i32) {
    %c0_i32 = arith.constant 0 : i32
    %c0_i32_0 = arith.constant 0 : i32
    %c0_i32_1 = arith.constant 0 : i32
    return %c0_i32, %c0_i32_0 : i32, i32
  }
  func.func @transform_6(%arg0: i32) -> (i32, i32) {
    %c0_i32 = arith.constant 0 : i32
    %c0_i32_0 = arith.constant 0 : i32
    return %arg0, %c0_i32 : i32, i32
  }
  func.func @transform_7(%arg0: i32) -> (i32, i32) {
    %c0_i32 = arith.constant 0 : i32
    %c0_i32_0 = arith.constant 0 : i32
    %c0_i32_1 = arith.constant 0 : i32
    return %c0_i32, %c0_i32_0 : i32, i32
  }
  func.func @transform_8(%arg0: i32) -> (i32, i32) {
    %c0_i32 = arith.constant 0 : i32
    %c0_i32_0 = arith.constant 0 : i32
    %c0_i32_1 = arith.constant 0 : i32
    return %c0_i32, %c0_i32_0 : i32, i32
  }
  func.func @transform_9(%arg0: i32) -> (i32, i32) {
    %c0_i32 = arith.constant 0 : i32
    %c0_i32_0 = arith.constant 0 : i32
    %c0_i32_1 = arith.constant 0 : i32
    return %c0_i32, %c0_i32_0 : i32, i32
  }
}

</mosaic_0001>

<sc_bundles>
// kernel: kernel.12.cloned.1.call-start
scs
__scs_entry_jumppad:
0x0: {  	(pc) =	sbr.rel $0x88, $3  }
0x1: {  	(tag) =	ssettag $0x0;
	lr =	simm.s32 $0x1  }
0x2: {  	[smem:$0x3F98] =	sst lr;
	_ =	strace $0xD0000000  }
0x3: {  	_ = 	snop  }
0x4: {  	_ = 	snop  }
0x5: {  	_ = 	snop  }
0x6: {  	_ = 	snop  }
0x7: {  	_ = 	snop  }
__scs_overlays_trampoline_lowered:
0x8: {  	[smem:$0x3FA7] =	sst s0  }
0x9: {  	[smem:$0x3FA8] =	sst s1  }
0xa: {  	[smem:$0x3FA9] =	sst s2  }
0xb: {  	[smem:$0x3FAA] =	sst s3  }
0xc: {  	[smem:$0x3FAB] =	sst s4  }
0xd: {  	[smem:$0x3FAC] =	sst s5  }
0xe: {  	[smem:$0x3FAD] =	sst s6  }
0xf: {  	[smem:$0x3FAE] =	sst s7  }
0x10: {  	[smem:$0x3FAF] =	sst s8  }
0x11: {  	[smem:$0x3FB0] =	sst s9;
	s0 =	simm.s32 @!p0 $0x0  }
0x12: {  	s1 =	sld [smem:$0x3F96];
	s0 =	simm.s32 @p0 $0x1  }
0x13: {  	[smem:$0x3FB1] =	sst s0;
	s0 =	simm.s32 @!p1 $0x0  }
0x14: {  	s2 =	sld [smem:$0x3F95];
	s0 =	simm.s32 @p1 $0x1  }
0x15: {  	[smem:$0x3FB2] =	sst s0;
	s0 =	simm.s32 @!p2 $0x0  }
0x16: {  	s3 =	sld [smem:$0x3FDB];
	s0 =	simm.s32 @p2 $0x1  }
0x17: {  	s4 =	simm.s32 $0x1BF5;
	[smem:$0x3FB4] =	sst s0  }
0x18: {  	s0 =	sld [smem:$0x3F97];
	_ =	swait.ge [sflag:s4], $0x0  }
0x19: {  	s7 =	sld [smem:$0x3F98]  }
0x1a: {  	s8 =	sadd.s32 $0xFFFFE003, lr  }
0x1b: {  	s9 =	sadd.s32 $0xFFFFFEF7, lr;
	s5 =	simm.s32 $0xFFFFFFFF;
	p2 =	slt.u32 s8, $0xFFFFF086  }
0x1c: {  	p1 =	slt.u32 s9, $0xF7A;
	s5 =	simm.s32 @!p2 $0x0  }
0x1d: {  	s5 =	simm.s32 @p1 $0x1;
	p0 =	seq.s32 s7, s2  }
0x1e: {  	s7 =	smul.u32 @!p0 $0xF7A, s2;
	p2 =	seq.s32 @!p0 s5, $0x0  }
0x1f: {  	s9 =	smul.u32 $0xF7A, s1;
	s8 =	simm.s32 @!p0 $0x1BF5;
	p2 =	por !p2, p0  }
0x20: {  	[sflag:s8] =	ssyncset.s32 @!p0 $0xFFFFF086;
	s6 =	sadd.s32 @!p0 s3, s7;
	s7 =	simm.s32 @!p0 $0x108  }
0x21: {  	s3 =	sadd.s32 s3, s9;
	s6 =	sadd.s32 @!p0 $0x88, s6;
	s7 =	simm.s32 @p2 $0x1082  }
0x22: {  	[simem:s7], [sflag:s8] =	dma.local @!p0 [hbm:s6], $0xF7A  }
0x23: {  	s9 =	sor.u32 $0xD0000000, s2;
	s6 =	simm.s32 $0x108;
	_ =	swait.ge @!p0 [sflag:s8], $0x0  }
0x24: {  	s3 =	sadd.s32 $0x88, s3;
	s6 =	simm.s32 @!p1 $0x1082;
	[sflag:s4] =	ssyncset.s32 $0xFFFFF086  }
0x25: {  	[simem:s6], [sflag:s4] =	dma.local [hbm:s3], $0xF7A  }
0x26: {  	[smem:$0x3F98] =	sst s1;
	(tag) =	ssettag s2;
	_ =	strace s9  }
0x27: {  	s1 =	sld [smem:$0x3FA8]  }
0x28: {  	s2 =	sld [smem:$0x3FA9]  }
0x29: {  	s4 =	sld [smem:$0x3FAB]  }
0x2a: {  	p0 =	seq.s32 s5, $0x0;
	s5 =	sld [smem:$0x3FAC]  }
0x2b: {  	s6 =	sld [smem:$0x3FAD]  }
0x2c: {  	s7 =	sld [smem:$0x3FAE]  }
0x2d: {  	s3 =	simm.s32 $0x108;
	s8 =	sld [smem:$0x3FAF]  }
0x2e: {  	s3 =	simm.s32 @!p0 $0x1082;
	s9 =	sld [smem:$0x3FB0]  }
0x2f: {  	lr =	sadd.s32 s0, s3;
	s0 =	sld [smem:$0x3FA7]  }
0x30: {  	s3 =	sld [smem:$0x3FAA]  }
0x31: {  	[smem:$0x3FB3] =	sst s10  }
0x32: {  	s10 =	sld [smem:$0x3FB1];
	_ =	sdelay $0x3  }
0x33: {  	p0 =	seq.s32 s10, $0x1;
	s10 =	sld [smem:$0x3FB3];
	_ =	sdelay $0x3  }
0x34: {  	[smem:$0x3FB3] =	sst s10  }
0x35: {  	s10 =	sld [smem:$0x3FB2];
	_ =	sdelay $0x3  }
0x36: {  	p1 =	seq.s32 s10, $0x1;
	s10 =	sld [smem:$0x3FB3];
	_ =	sdelay $0x3  }
0x37: {  	[smem:$0x3FB3] =	sst s10  }
0x38: {  	s10 =	sld [smem:$0x3FB4]  }
0x39: {  	_ = 	snop;
	(pc) =	sbr.ind lr, $3  }
0x3a: {  	_ = 	snop  }
0x3b: {  	_ = 	snop  }
0x3c: {  	p2 =	seq.s32 s10, $0x1;
	s10 =	sld [smem:$0x3FB3]  }
0x3d: {  	_ =	shalt  }
0x3e: {  	_ =	shalt  }
0x3f: {  	_ =	shalt  }
0x40: {  	_ =	shalt  }
0x41: {  	_ =	shalt  }
0x42: {  	_ =	shalt  }
0x43: {  	_ =	shalt  }
0x44: {  	_ =	shalt  }
0x45: {  	_ =	shalt  }
0x46: {  	_ =	shalt  }
0x47: {  	_ =	shalt  }
0x48: {  	_ =	shalt  }
0x49: {  	_ =	shalt  }
0x4a: {  	_ =	shalt  }
0x4b: {  	_ =	shalt  }
0x4c: {  	_ =	shalt  }
0x4d: {  	_ =	shalt  }
0x4e: {  	_ =	shalt  }
0x4f: {  	_ =	shalt  }
0x50: {  	_ =	shalt  }
0x51: {  	_ =	shalt  }
0x52: {  	_ =	shalt  }
0x53: {  	_ =	shalt  }
0x54: {  	_ =	shalt  }
0x55: {  	_ =	shalt  }
0x56: {  	_ =	shalt  }
0x57: {  	_ =	shalt  }
0x58: {  	_ =	shalt  }
0x59: {  	_ =	shalt  }
0x5a: {  	_ =	shalt  }
0x5b: {  	_ =	shalt  }
0x5c: {  	_ =	shalt  }
0x5d: {  	_ =	shalt  }
0x5e: {  	_ =	shalt  }
0x5f: {  	_ =	shalt  }
0x60: {  	_ =	shalt  }
0x61: {  	_ =	shalt  }
0x62: {  	_ =	shalt  }
0x63: {  	_ =	shalt  }
0x64: {  	_ =	shalt  }
0x65: {  	_ =	shalt  }
0x66: {  	_ =	shalt  }
0x67: {  	_ =	shalt  }
0x68: {  	_ =	shalt  }
0x69: {  	_ =	shalt  }
0x6a: {  	_ =	shalt  }
0x6b: {  	_ =	shalt  }
0x6c: {  	_ =	shalt  }
0x6d: {  	_ =	shalt  }
0x6e: {  	_ =	shalt  }
0x6f: {  	_ =	shalt  }
0x70: {  	_ =	shalt  }
0x71: {  	_ =	shalt  }
0x72: {  	_ =	shalt  }
0x73: {  	_ =	shalt  }
0x74: {  	_ =	shalt  }
0x75: {  	_ =	shalt  }
0x76: {  	_ =	shalt  }
0x77: {  	_ =	shalt  }
0x78: {  	_ =	shalt  }
0x79: {  	_ =	shalt  }
0x7a: {  	_ =	shalt  }
0x7b: {  	_ =	shalt  }
0x7c: {  	_ =	shalt  }
0x7d: {  	_ =	shalt  }
0x7e: {  	_ =	shalt  }
0x7f: {  	_ =	shalt  }
0x80: {  	_ =	shalt  }
0x81: {  	_ =	shalt  }
0x82: {  	_ =	shalt  }
0x83: {  	_ =	shalt  }
0x84: {  	_ =	shalt  }
0x85: {  	_ =	shalt  }
0x86: {  	_ =	shalt  }
0x87: {  	_ =	shalt  }
.Lfunc_end0:
.L_simem_size_0:
called_computation.1_lowered:
.L_overlay_start_0:
0x88: {  	s2 =	sld [smem:$0x3FD9]  }
0x89: {  	s3 =	sld [smem:$0x3FFE];
	_ =	sdelay $0x1  }
0x8a: {  	s1 =	srdreg.scid  }
0x8b: {  	s0 =	sand.u32 $0x1, s1  }
0x8c: {  	s16 =	sshll.u32 s0, $0xA;
	s2 =	sadd.s32 s3, s2  }
0x8d: {  	s2 =	sadd.s32 s2, s16  }
0x8e: {  	[smem:$0x3FBF] =	sst s2  }
0x8f: {  	_ = 	snop  }
0x90: {  	(tm) =	ssettm $0x1  }
0x91: {  	s17 =	sld [smem:$0x3FFB];
	_ =	sdelay $0x3  }
0x92: {  	_ =	strace s17  }
0x93: {  	s2 =	sld [smem:$0x3FFC];
	_ =	sdelay $0x3  }
0x94: {  	_ =	strace s2  }
0x95: {  	s2 =	sld [smem:$0x3FFD];
	_ =	sdelay $0x3  }
0x96: {  	_ =	strace s2  }
0x97: {  	_ =	strace $0x8FFFFFFF  }
0x98: {  	s18 =	sld [smem:$0x3FDB];
	_ =	sdelay $0x1  }
0x99: {  	s19 =	simm.s32 $_scs_section_size  }
0x9a: {  	s4 =	simm.s32 $_size__tile_overlayer_lowered;
	s5 =	simm.s32 $_tile_overlayer_lowered  }
0x9b: {  	s22 =	simm.s32 $0x1BFF;
	s21 =	sshll.u32 s5, $0x1;
	s2 =	sadd.s32 s19, s18  }
0x9c: {  	s6 =	simm.s32 $0x0;
	s20 =	sshll.u32 s4, $0x1;
	s4 =	sadd.s32 s21, s2  }
0x9d: {  	[timem:s6], [sflag:s22] =	dma.local [hbm:s4], s20  }
0x9e: {  	_ =	swait.ge [sflag:s22], s20  }
0x9f: {  	s3 =	ssub.s32 $0x0, s20;
	[sflag:s22] =	ssyncset.done $0x0  }
0xa0: {  	[sflag:s22] =	ssyncadd.s32 s3;
	_ =	sdelay $0x1  }
0xa1: {  	s23 =	simm.s32 $0x1B8B  }
0xa2: {  	_ =	swait.ge [sflag:s23], $0x1  }
0xa3: {  	[sflag:s23] =	ssyncset.done $0x0  }
0xa4: {  	s25 =	simm.s32 $0x1B8E;
	s24 =	sld [smem:$0x3FFE];
	[sflag:s23] =	ssyncadd.s32 $0xFFFFFFFF  }
0xa5: {  	s26 =	simm.s32 $execute0_lowered;
	[smem:$0x3FD2] =	sst s25  }
0xa6: {  	s4 =	sshll.u32 s26, $0x1;
	_ =	strace $0x80000049;
	[dreg:$0x1] =	wrdreg $0xFFFFFFFF  }
0xa7: {  	s28 =	simm.s32 $_size_execute0_lowered;
	s2 =	sadd.s32 s2, s4;
	[dreg:$0x0] =	wrdreg $0x0  }
0xa8: {  	s4 =	sshll.u32 s28, $0x1;
	[dreg:$0x2] =	wrdreg s2  }
0xa9: {  	[dreg:$0x3] =	wrdreg s4  }
0xaa: {  	[dreg:$0x4] =	wrdreg $0xC0  }
0xab: {  	_ =	task [dreg:s6], $0x5FFFF  }
0xac: {  	[dreg:$0x1] =	wrdreg $0xFFFFFFFF  }
0xad: {  	[dreg:$0x0] =	wrdreg $0x60  }
0xae: {  	[dreg:$0x2] =	wrdreg s24  }
0xaf: {  	[dreg:$0x3] =	wrdreg $0xA8000  }
0xb0: {  	[dreg:$0x4] =	wrdreg $0x9  }
0xb1: {  	_ =	task.clear_ibuf [dreg:s6], $0x5FFFF;
	_ =	strace $0x90000049  }
0xb2: {  	s29 =	simm.s32 $0x9;
	_ =	strace $0x8000004B  }
0xb3: {  	_ =	swait.ge [sflag:s29], $0x1  }
0xb4: {  	[sflag:s29] =	ssyncadd.s32 $0xFFFFFFFF  }
0xb5: {  	_ =	strace $0x9000004B  }
0xb6: {  	_ =	sfence  }
0xb7: {  	s30 =	sld [smem:$0x0];
	_ =	sdelay $0x2  }
0xb8: {  	s31 =	sshll.u32 s1, $0xD;
	s1 =	sshrl.u32 s1, $0x2  }
0xb9: {  	s3 =	sand.u32 $0x4000, s31;
	s1 =	sadd.s32 s1, s30  }
0xba: {  	s0 =	sor.u32 s3, s0;
	s1 =	sshll.u32 s1, $0x11  }
0xbb: {  	s0 =	sor.u32 s1, s0  }
0xbc: {  	s0 =	sadd.s32 $0x8F2B, s0  }
0xbd: {  	[sflag:s0] =	ssyncadd.remote.s32 $0x1  }
0xbe: {  	_ =	sfence.sel $0xFFFF  }
0xbf: {  	[dreg:$0x0] =	wrdreg $0xFFFFFFFF;
	(pc) =	sbr.abs _section_cstart, $3  }
0xc0: {  	[dreg:$0x1] =	wrdreg $0xFFFFFFFF  }
0xc1: {  	_ =	task.clear_ibuf [dreg:s6], $0x2FFFF;
	_ =	strace $0x9FFFFFFF  }
0xc2: {  	(tm) =	ssettm $0x7FFFFFFF  }
0xc3: {  	_ =	shalt  }
tec
execute0_lowered:
.L_overlay_start_1:
0x0: {  	(tag) =	ssettag $0x1  }
0x1: {  	s5 =	rddreg [dreg:$0x0]  }
0x2: {  	s2 =	rddreg [dreg:$0x1]  }
0x3: {  	s0 =	rddreg [dreg:$0x2]  }
0x4: {  	s3 =	simm.s32 $0x0;
	s1 =	stileid.u32;
	s4 =	srdreg.scid  }
0x5: {  	s16 =	simm.s32 $0x7D;
	s17 =	simm.s32 $0x2800;
	s18 =	simm.s32 $0x6800  }
0x6: {  	s19 =	simm.s32 $0x1;
	s20 =	simm.s32 $0x2;
	s21 =	simm.s32 $0x1380  }
0x7: {  	s22 =	simm.s32 $0x2700;
	s23 =	simm.s32 $0x2780;
	s24 =	simm.s32 $0x0  }
0x8: {  	[smem:$0x7FF] =	sst s3;
	s6 =	smul.u32 $0x13C00, s1;
	s7 =	sand.u32 $0x1, s4  }
0x9: {  	s4 =	sadd.s32 $0x84200, s5;
	s9 =	sadd.s32 $0xAC000, s5;
	s10 =	sadd.s32 $0x4600, s5  }
0xa: {  	s12 =	smul.u32 $0x4E200, s1;
	s30 =	sshll.u32 s1, $0x6;
	_ =	strace $0x8000004A  }
0xb: {  	s8 =	smul.u32 $0x13C000, s7;
	s28 =	sshll.u32 s7, $0x4;
	s7 =	ssub.s32 $0x2, s7  }
0xc: {  	s11 =	sshrl.u32 s6, $0x3;
	s13 =	sshrl.u32 s7, $0x1;
	s29 =	sshrl.u32 s12, $0x2  }
0xd: {  	s11 =	sadd.s32 s11, s5;
	s6 =	sadd.s32 s6, s8;
	s8 =	sor.u32 s1, s28  }
0xe: {  	s13 =	ssub.s32 s7, s13;
	s15 =	sadd.s32 s29, s2;
	s6 =	sshrl.u32 s6, $0x3  }
0xf: {  	s8 =	smul.u32 $0x2800, s8;
	s12 =	smax.u32 s13, $0x1;
	s13 =	sshrl.u32 s15, $0x3  }
0x10: {  	s15 =	simm.s32 $0x1400;
	s14 =	sadd.s32 s6, s5;
	s5 =	sadd.s32 $0xE600, s11  }
0x11: {  	s6 =	sor.u32 $0x1C03, s30;
	s8 =	sshrl.u32 s8, $0x3;
	s11 =	sadd.s32 $0xB6000, s14  }
0x12: {  	s14 =	simm.s32 $0x3;
	s31 =	sadd.s32 $0x280, s8;
	s7 =	sadd.s32 s9, s8  }
0x13: {  	s8 =	sadd.s32 s10, s8;
	s9 =	sadd.s32 s9, s31;
	s10 =	sadd.s32 s10, s31  }
.LBB2_1:
0x14: {  	[spmem:s13], [sflag:s6] =	dma.local [hbm:s5], $0x2710  }
0x15: {  	_ =	swait.ge [sflag:s14], $0x2710  }
0x16: {  	[sflag:s14] =	ssyncset.done $0x0  }
0x17: {  	[sflag:s14] =	ssyncadd.s32 $0xFFFFD8F0  }
0x18: {  	[bflag:$0x0] =	sbarrier.arrive $0xFFFF  }
0x19: {  	[tilespmem:s3], [sflag:$0x3] =	stream.linear.gather [hbm4b:s7+s3], $0x1400, $0x38;
	[tilespmem:$0x1E080] =	vst v63  }
0x1a: {  	_ =	swait.ge [sflag:s14], $0x1400  }
0x1b: {  	[sflag:s14] =	ssyncset.done $0x0  }
0x1c: {  	[sflag:s14] =	ssyncadd.s32 $0xFFFFEC00  }
0x1d: {  	[tilespmem:s15], [sflag:$0x3] =	stream.linear.gather [hbm4b:s8+s3], $0x1400, $0x38;
	[tilespmem:$0x1E080] =	vst v63  }
0x1e: {  	_ =	swait.ge [sflag:s14], $0x1400  }
0x1f: {  	[sflag:s14] =	ssyncset.done $0x0  }
0x20: {  	[sflag:s14] =	ssyncadd.s32 $0xFFFFEC00  }
0x21: {  	[tilespmem:s17], [sflag:$0x1] =	stream.indirect.gather [hbm4b:s4+s16], $0x80, s3, s16, $0xb8;
	[tilespmem:$0x1E080] =	vst v63  }
0x22: {  	s25 =	simm.s32 $0x80  }
0x23: {  	[tilespmem:s18], [sflag:$0x2] =	stream.indirect.gather [hbm4b:s4+s16], $0x80, s25, s16, $0xb8;
	[tilespmem:$0x1E080] =	vst v63  }
0x24: {  	_ =	swait.ge [sflag:s19], $0x3E80  }
0x25: {  	[sflag:s19] =	ssyncset.done $0x0  }
0x26: {  	s29 =	simm.s32 $0x1400;
	[sflag:s19] =	ssyncadd.s32 $0xFFFFC180  }
0x27: {  	[spmem:s2] =	stream.indirect.scatter.add.f32 [tilespmem:s17], [sflag:$0x3], $0x80, s29, s16, $0xb8;
	[tilespmem:$0x1E080] =	vst v63  }
0x28: {  	_ =	swait.ge [sflag:s14], $0x3E80  }
0x29: {  	[sflag:s14] =	ssyncset.done $0x0  }
0x2a: {  	s30 =	simm.s32 $0x100;
	[sflag:s14] =	ssyncadd.s32 $0xFFFFC180  }
0x2b: {  	[tilespmem:s17], [sflag:$0x1] =	stream.indirect.gather [hbm4b:s4+s16], $0x80, s30, s16, $0xb8;
	[tilespmem:$0x1E080] =	vst v63  }
0x2c: {  	_ =	swait.ge [sflag:s20], $0x3E80  }
0x2d: {  	[sflag:s20] =	ssyncset.done $0x0  }
0x2e: {  	s31 =	simm.s32 $0x1480;
	[sflag:s20] =	ssyncadd.s32 $0xFFFFC180  }
0x2f: {  	[spmem:s2] =	stream.indirect.scatter.add.f32 [tilespmem:s18], [sflag:$0x3], $0x80, s31, s16, $0xb8;
	[tilespmem:$0x1E080] =	vst v63  }
0x30: {  	_ =	swait.ge [sflag:s14], $0x3E80  }
0x31: {  	s26 =	simm.s32 $0x800;
	s25 =	simm.s32 $0x100;
	[sflag:s14] =	ssyncset.done $0x0  }
.LBB2_2:
0x32: {  	s28 =	sadd.s32 $0x80, s25  }
0x33: {  	[sflag:s14] =	ssyncadd.s32 $0xFFFFC180;
	s29 =	smov.u32 s26;
	s30 =	sadd.s32 $0x400, s26  }
0x34: {  	[tilespmem:s18], [sflag:$0x2] =	stream.indirect.gather [hbm4b:s4+s16], $0x80, s28, s16, $0xb8;
	[tilespmem:$0x1E080] =	vst v63  }
0x35: {  	p0 =	sne.s32 s26, $0x4800;
	_ =	swait.ge [sflag:s19], $0x3E80  }
0x36: {  	[sflag:s19] =	ssyncset.done $0x0  }
0x37: {  	s26 =	sadd.s32 $0x1400, s25;
	[sflag:s19] =	ssyncadd.s32 $0xFFFFC180  }
0x38: {  	[spmem:s2] =	stream.indirect.scatter.add.f32 [tilespmem:s17], [sflag:$0x3], $0x80, s26, s16, $0xb8;
	[tilespmem:$0x1E080] =	vst v63  }
0x39: {  	_ =	swait.ge [sflag:s14], $0x3E80  }
0x3a: {  	[sflag:s14] =	ssyncset.done $0x0  }
0x3b: {  	s26 =	sadd.s32 $0x100, s25;
	[sflag:s14] =	ssyncadd.s32 $0xFFFFC180  }
0x3c: {  	[tilespmem:s17], [sflag:$0x1] =	stream.indirect.gather [hbm4b:s4+s16], $0x80, s26, s16, $0xb8;
	[tilespmem:$0x1E080] =	vst v63  }
0x3d: {  	_ =	swait.ge [sflag:s20], $0x3E80  }
.Ltmp0:
0x3e: {  	[sflag:s20] =	ssyncset.done $0x0;
	(pc) =	sbr.rel @p0 .LBB2_2-.Ltmp0, $4  }
0x3f: {  	s25 =	sadd.s32 $0x1480, s25;
	[sflag:s20] =	ssyncadd.s32 $0xFFFFC180  }
0x40: {  	[spmem:s2] =	stream.indirect.scatter.add.f32 [tilespmem:s18], [sflag:$0x3], $0x80, s25, s16, $0xb8;
	[tilespmem:$0x1E080] =	vst v63  }
0x41: {  	_ =	swait.ge [sflag:s14], $0x3E80  }
0x42: {  	s26 =	smov.u32 s30;
	s25 =	sshra.s32 s29, $0x2;
	[sflag:s14] =	ssyncset.done $0x0  }
0x43: {  	s26 =	sadd.s32 $0x80, s25;
	[sflag:s14] =	ssyncadd.s32 $0xFFFFC180  }
0x44: {  	[tilespmem:s18], [sflag:$0x2] =	stream.indirect.gather [hbm4b:s4+s16], $0x80, s26, s16, $0xb8;
	[tilespmem:$0x1E080] =	vst v63  }
0x45: {  	_ =	swait.ge [sflag:s19], $0x3E80  }
0x46: {  	[sflag:s19] =	ssyncset.done $0x0  }
0x47: {  	s29 =	sadd.s32 $0x1400, s25;
	[sflag:s19] =	ssyncadd.s32 $0xFFFFC180  }
0x48: {  	[spmem:s2] =	stream.indirect.scatter.add.f32 [tilespmem:s17], [sflag:$0x3], $0x80, s29, s16, $0xb8;
	[tilespmem:$0x1E080] =	vst v63  }
0x49: {  	_ =	swait.ge [sflag:s14], $0x3E80  }
0x4a: {  	[sflag:s14] =	ssyncset.done $0x0  }
0x4b: {  	s30 =	sadd.s32 $0x100, s25;
	[sflag:s14] =	ssyncadd.s32 $0xFFFFC180  }
0x4c: {  	[tilespmem:s17], [sflag:$0x1] =	stream.indirect.gather [hbm4b:s4+s16], $0x80, s30, s16, $0xb8;
	[tilespmem:$0x1E080] =	vst v63  }
0x4d: {  	_ =	swait.ge [sflag:s20], $0x3E80  }
0x4e: {  	[sflag:s20] =	ssyncset.done $0x0  }
0x4f: {  	s31 =	sadd.s32 $0x1480, s25;
	[sflag:s20] =	ssyncadd.s32 $0xFFFFC180  }
0x50: {  	[spmem:s2] =	stream.indirect.scatter.add.f32 [tilespmem:s18], [sflag:$0x3], $0x80, s31, s16, $0xb8;
	[tilespmem:$0x1E080] =	vst v63  }
0x51: {  	_ =	swait.ge [sflag:s14], $0x3E80  }
0x52: {  	[sflag:s14] =	ssyncset.done $0x0  }
0x53: {  	[sflag:s14] =	ssyncadd.s32 $0xFFFFC180  }
0x54: {  	[tilespmem:s18], [sflag:$0x2] =	stream.indirect.gather [hbm4b:s4+s16], $0x80, s21, s16, $0xb8;
	[tilespmem:$0x1E080] =	vst v63  }
0x55: {  	_ =	swait.ge [sflag:s19], $0x3E80  }
0x56: {  	[sflag:s19] =	ssyncset.done $0x0  }
0x57: {  	[sflag:s19] =	ssyncadd.s32 $0xFFFFC180  }
0x58: {  	[spmem:s2] =	stream.indirect.scatter.add.f32 [tilespmem:s17], [sflag:$0x3], $0x80, s22, s16, $0xb8;
	[tilespmem:$0x1E080] =	vst v63  }
0x59: {  	_ =	swait.ge [sflag:s14], $0x3E80  }
0x5a: {  	[sflag:s14] =	ssyncset.done $0x0  }
0x5b: {  	[sflag:s14] =	ssyncadd.s32 $0xFFFFC180  }
0x5c: {  	_ =	swait.ge [sflag:s20], $0x3E80  }
0x5d: {  	[sflag:s20] =	ssyncset.done $0x0  }
0x5e: {  	[sflag:s20] =	ssyncadd.s32 $0xFFFFC180  }
0x5f: {  	[spmem:s2] =	stream.indirect.scatter.add.f32 [tilespmem:s18], [sflag:$0x3], $0x80, s23, s16, $0xb8;
	[tilespmem:$0x1E080] =	vst v63  }
0x60: {  	_ =	swait.ge [sflag:s14], $0x3E80  }
0x61: {  	[sflag:s14] =	ssyncset.done $0x0  }
0x62: {  	s26 =	simm.s32 $0x0;
	[sflag:s14] =	ssyncadd.s32 $0xFFFFC180  }
0x63: {  	[tilespmem:s26], [sflag:$0x3] =	stream.linear.gather [hbm4b:s9+s26], $0x1400, $0x38;
	[tilespmem:$0x1E080] =	vst v63  }
0x64: {  	_ =	swait.ge [sflag:s14], $0x1400  }
0x65: {  	[sflag:s14] =	ssyncset.done $0x0  }
0x66: {  	[sflag:s14] =	ssyncadd.s32 $0xFFFFEC00  }
0x67: {  	[tilespmem:s15], [sflag:$0x3] =	stream.linear.gather [hbm4b:s10+s26], $0x1400, $0x38;
	[tilespmem:$0x1E080] =	vst v63  }
0x68: {  	_ =	swait.ge [sflag:s14], $0x1400  }
0x69: {  	[sflag:s14] =	ssyncset.done $0x0  }
0x6a: {  	[sflag:s14] =	ssyncadd.s32 $0xFFFFEC00  }
0x6b: {  	[tilespmem:s17], [sflag:$0x1] =	stream.indirect.gather [hbm4b:s4+s16], $0x80, s26, s16, $0xb8;
	[tilespmem:$0x1E080] =	vst v63  }
0x6c: {  	s28 =	simm.s32 $0x80  }
0x6d: {  	[tilespmem:s18], [sflag:$0x2] =	stream.indirect.gather [hbm4b:s4+s16], $0x80, s28, s16, $0xb8;
	[tilespmem:$0x1E080] =	vst v63  }
0x6e: {  	_ =	swait.ge [sflag:s19], $0x3E80  }
0x6f: {  	[sflag:s19] =	ssyncset.done $0x0  }
0x70: {  	s29 =	simm.s32 $0x1400;
	[sflag:s19] =	ssyncadd.s32 $0xFFFFC180  }
0x71: {  	[spmem:s2] =	stream.indirect.scatter.add.f32 [tilespmem:s17], [sflag:$0x3], $0x80, s29, s16, $0xb8;
	[tilespmem:$0x1E080] =	vst v63  }
0x72: {  	_ =	swait.ge [sflag:s14], $0x3E80  }
0x73: {  	[sflag:s14] =	ssyncset.done $0x0  }
0x74: {  	s30 =	simm.s32 $0x100;
	[sflag:s14] =	ssyncadd.s32 $0xFFFFC180  }
0x75: {  	[tilespmem:s17], [sflag:$0x1] =	stream.indirect.gather [hbm4b:s4+s16], $0x80, s30, s16, $0xb8;
	[tilespmem:$0x1E080] =	vst v63  }
0x76: {  	_ =	swait.ge [sflag:s20], $0x3E80  }
0x77: {  	[sflag:s20] =	ssyncset.done $0x0  }
0x78: {  	s31 =	simm.s32 $0x1480;
	[sflag:s20] =	ssyncadd.s32 $0xFFFFC180  }
0x79: {  	[spmem:s2] =	stream.indirect.scatter.add.f32 [tilespmem:s18], [sflag:$0x3], $0x80, s31, s16, $0xb8;
	[tilespmem:$0x1E080] =	vst v63  }
0x7a: {  	_ =	swait.ge [sflag:s14], $0x3E80  }
0x7b: {  	s25 =	simm.s32 $0x100;
	s26 =	simm.s32 $0x800;
	[sflag:s14] =	ssyncset.done $0x0  }
.LBB2_4:
0x7c: {  	s28 =	sadd.s32 $0x80, s25  }
0x7d: {  	[sflag:s14] =	ssyncadd.s32 $0xFFFFC180;
	s29 =	smov.u32 s26;
	s30 =	sadd.s32 $0x400, s26  }
0x7e: {  	[tilespmem:s18], [sflag:$0x2] =	stream.indirect.gather [hbm4b:s4+s16], $0x80, s28, s16, $0xb8;
	[tilespmem:$0x1E080] =	vst v63  }
0x7f: {  	p0 =	sne.s32 s26, $0x4800;
	_ =	swait.ge [sflag:s19], $0x3E80  }
0x80: {  	[sflag:s19] =	ssyncset.done $0x0  }
0x81: {  	s26 =	sadd.s32 $0x1400, s25;
	[sflag:s19] =	ssyncadd.s32 $0xFFFFC180  }
0x82: {  	[spmem:s2] =	stream.indirect.scatter.add.f32 [tilespmem:s17], [sflag:$0x3], $0x80, s26, s16, $0xb8;
	[tilespmem:$0x1E080] =	vst v63  }
0x83: {  	_ =	swait.ge [sflag:s14], $0x3E80  }
0x84: {  	[sflag:s14] =	ssyncset.done $0x0  }
0x85: {  	s26 =	sadd.s32 $0x100, s25;
	[sflag:s14] =	ssyncadd.s32 $0xFFFFC180  }
0x86: {  	[tilespmem:s17], [sflag:$0x1] =	stream.indirect.gather [hbm4b:s4+s16], $0x80, s26, s16, $0xb8;
	[tilespmem:$0x1E080] =	vst v63  }
0x87: {  	_ =	swait.ge [sflag:s20], $0x3E80  }
.Ltmp1:
0x88: {  	[sflag:s20] =	ssyncset.done $0x0;
	(pc) =	sbr.rel @p0 .LBB2_4-.Ltmp1, $4  }
0x89: {  	s25 =	sadd.s32 $0x1480, s25;
	[sflag:s20] =	ssyncadd.s32 $0xFFFFC180  }
0x8a: {  	[spmem:s2] =	stream.indirect.scatter.add.f32 [tilespmem:s18], [sflag:$0x3], $0x80, s25, s16, $0xb8;
	[tilespmem:$0x1E080] =	vst v63  }
0x8b: {  	_ =	swait.ge [sflag:s14], $0x3E80  }
0x8c: {  	s26 =	smov.u32 s30;
	s25 =	sshra.s32 s29, $0x2;
	[sflag:s14] =	ssyncset.done $0x0  }
0x8d: {  	s26 =	sadd.s32 $0x80, s25;
	[sflag:s14] =	ssyncadd.s32 $0xFFFFC180  }
0x8e: {  	[tilespmem:s18], [sflag:$0x2] =	stream.indirect.gather [hbm4b:s4+s16], $0x80, s26, s16, $0xb8;
	[tilespmem:$0x1E080] =	vst v63  }
0x8f: {  	_ =	swait.ge [sflag:s19], $0x3E80  }
0x90: {  	[sflag:s19] =	ssyncset.done $0x0  }
0x91: {  	s29 =	sadd.s32 $0x1400, s25;
	[sflag:s19] =	ssyncadd.s32 $0xFFFFC180  }
0x92: {  	[spmem:s2] =	stream.indirect.scatter.add.f32 [tilespmem:s17], [sflag:$0x3], $0x80, s29, s16, $0xb8;
	[tilespmem:$0x1E080] =	vst v63  }
0x93: {  	_ =	swait.ge [sflag:s14], $0x3E80  }
0x94: {  	[sflag:s14] =	ssyncset.done $0x0  }
0x95: {  	s30 =	sadd.s32 $0x100, s25;
	[sflag:s14] =	ssyncadd.s32 $0xFFFFC180  }
0x96: {  	[tilespmem:s17], [sflag:$0x1] =	stream.indirect.gather [hbm4b:s4+s16], $0x80, s30, s16, $0xb8;
	[tilespmem:$0x1E080] =	vst v63  }
0x97: {  	_ =	swait.ge [sflag:s20], $0x3E80  }
0x98: {  	[sflag:s20] =	ssyncset.done $0x0  }
0x99: {  	s31 =	sadd.s32 $0x1480, s25;
	[sflag:s20] =	ssyncadd.s32 $0xFFFFC180  }
0x9a: {  	[spmem:s2] =	stream.indirect.scatter.add.f32 [tilespmem:s18], [sflag:$0x3], $0x80, s31, s16, $0xb8;
	[tilespmem:$0x1E080] =	vst v63  }
0x9b: {  	_ =	swait.ge [sflag:s14], $0x3E80  }
0x9c: {  	[sflag:s14] =	ssyncset.done $0x0  }
0x9d: {  	[sflag:s14] =	ssyncadd.s32 $0xFFFFC180  }
0x9e: {  	[tilespmem:s18], [sflag:$0x2] =	stream.indirect.gather [hbm4b:s4+s16], $0x80, s21, s16, $0xb8;
	[tilespmem:$0x1E080] =	vst v63  }
0x9f: {  	_ =	swait.ge [sflag:s19], $0x3E80  }
0xa0: {  	[sflag:s19] =	ssyncset.done $0x0  }
0xa1: {  	[sflag:s19] =	ssyncadd.s32 $0xFFFFC180  }
0xa2: {  	[spmem:s2] =	stream.indirect.scatter.add.f32 [tilespmem:s17], [sflag:$0x3], $0x80, s22, s16, $0xb8;
	[tilespmem:$0x1E080] =	vst v63  }
0xa3: {  	_ =	swait.ge [sflag:s14], $0x3E80  }
0xa4: {  	[sflag:s14] =	ssyncset.done $0x0  }
0xa5: {  	[sflag:s14] =	ssyncadd.s32 $0xFFFFC180  }
0xa6: {  	_ =	swait.ge [sflag:s20], $0x3E80  }
0xa7: {  	[sflag:s20] =	ssyncset.done $0x0  }
0xa8: {  	[sflag:s20] =	ssyncadd.s32 $0xFFFFC180  }
0xa9: {  	[spmem:s2] =	stream.indirect.scatter.add.f32 [tilespmem:s18], [sflag:$0x3], $0x80, s23, s16, $0xb8;
	[tilespmem:$0x1E080] =	vst v63  }
0xaa: {  	_ =	swait.ge [sflag:s14], $0x3E80  }
0xab: {  	s24 =	sadd.s32 $0x1, s24;
	[sflag:s14] =	ssyncset.done $0x0  }
0xac: {  	p0 =	sne.s32 s24, s12;
	[sflag:s14] =	ssyncadd.s32 $0xFFFFC180  }
.Ltmp2:
0xad: {  	[bflag:$0x0] =	sbarrier.arrive $0xFFFF;
	(pc) =	sbr.rel @p0 .LBB2_1-.Ltmp2, $4  }
0xae: {  	[hbm:s11], [sflag:s6] =	dma.local [spmem:s13], $0x2710  }
0xaf: {  	_ =	swait.ge [sflag:s14], $0x2710  }
0xb0: {  	[sflag:s14] =	ssyncset.done $0x0  }
0xb1: {  	[sflag:s14] =	ssyncadd.s32 $0xFFFFD8F0  }
0xb2: {  	_ =	sfence.sel $0x180000  }
0xb3: {  	[bflag:$0x0] =	sbarrier.arrive $0xFFFF  }
0xb4: {  	p0 =	sne.s32 s1, $0x0;
	_ =	strace $0x9000004A  }
0xb5: {  	s0 =	sadd.s32 @!p0 $0x100000, s0;
	[bflag:$0x2] =	sbarrier.arrive $0xFFFF  }
0xb6: {  	[sflag:s0] =	ssyncadd.tile.s32 @!p0 $0x1;
	_ =	shalt  }
.Lfunc_end2:
_tile_overlayer_lowered:
.L_overlay_start_2:
0xb7: {  	(tag) =	ssettag $0x2  }
0xb8: {  	s0 =	rddreg [dreg:$0x0];
	s2 =	stileid.u32  }
0xb9: {  	s1 =	rddreg [dreg:$0x1];
	p0 =	sne.s32 s2, $0x0  }
0xba: {  	s3 =	rddreg [dreg:$0x2];
	[bflag:$0x3] =	sbarrier.arrive $0xFFFF;
	s2 =	simm.s32 @!p0 $0x1C03  }
0xbb: {  	[timem:s3], [sflag:s2] =	dma.local @!p0 [hbm:s0], s1  }
0xbc: {  	s0 =	simm.s32 @!p0 $0x3  }
0xbd: {  	_ =	swait.ge @!p0 [sflag:s0], s1  }
0xbe: {  	s1 =	ssub.s32 @!p0 $0x0, s1;
	[sflag:s0] =	ssyncset.done @!p0 $0x0  }
0xbf: {  	[sflag:s0] =	ssyncadd.s32 @!p0 s1  }
0xc0: {  	[bflag:$0x3] =	sbarrier.arrive $0xFFFF  }
0xc1: {  	_ =	shalt  }

// kernel: kernel.15.cloned.1.call-start
scs
__scs_entry_jumppad:
0x0: {  	(pc) =	sbr.rel $0x88, $3  }
0x1: {  	(tag) =	ssettag $0x0;
	lr =	simm.s32 $0x1  }
0x2: {  	[smem:$0x3F98] =	sst lr;
	_ =	strace $0xD0000000  }
0x3: {  	_ = 	snop  }
0x4: {  	_ = 	snop  }
0x5: {  	_ = 	snop  }
0x6: {  	_ = 	snop  }
0x7: {  	_ = 	snop  }
__scs_overlays_trampoline_lowered:
0x8: {  	[smem:$0x3FA7] =	sst s0  }
0x9: {  	[smem:$0x3FA8] =	sst s1  }
0xa: {  	[smem:$0x3FA9] =	sst s2  }
0xb: {  	[smem:$0x3FAA] =	sst s3  }
0xc: {  	[smem:$0x3FAB] =	sst s4  }
0xd: {  	[smem:$0x3FAC] =	sst s5  }
0xe: {  	[smem:$0x3FAD] =	sst s6  }
0xf: {  	[smem:$0x3FAE] =	sst s7  }
0x10: {  	[smem:$0x3FAF] =	sst s8  }
0x11: {  	[smem:$0x3FB0] =	sst s9;
	s0 =	simm.s32 @!p0 $0x0  }
0x12: {  	s1 =	sld [smem:$0x3F96];
	s0 =	simm.s32 @p0 $0x1  }
0x13: {  	[smem:$0x3FB1] =	sst s0;
	s0 =	simm.s32 @!p1 $0x0  }
0x14: {  	s2 =	sld [smem:$0x3F95];
	s0 =	simm.s32 @p1 $0x1  }
0x15: {  	[smem:$0x3FB2] =	sst s0;
	s0 =	simm.s32 @!p2 $0x0  }
0x16: {  	s3 =	sld [smem:$0x3FDB];
	s0 =	simm.s32 @p2 $0x1  }
0x17: {  	s4 =	simm.s32 $0x1BF5;
	[smem:$0x3FB4] =	sst s0  }
0x18: {  	s0 =	sld [smem:$0x3F97];
	_ =	swait.ge [sflag:s4], $0x0  }
0x19: {  	s7 =	sld [smem:$0x3F98]  }
0x1a: {  	s8 =	sadd.s32 $0xFFFFE003, lr  }
0x1b: {  	s9 =	sadd.s32 $0xFFFFFEF7, lr;
	s5 =	simm.s32 $0xFFFFFFFF;
	p2 =	slt.u32 s8, $0xFFFFF086  }
0x1c: {  	p1 =	slt.u32 s9, $0xF7A;
	s5 =	simm.s32 @!p2 $0x0  }
0x1d: {  	s5 =	simm.s32 @p1 $0x1;
	p0 =	seq.s32 s7, s2  }
0x1e: {  	s7 =	smul.u32 @!p0 $0xF7A, s2;
	p2 =	seq.s32 @!p0 s5, $0x0  }
0x1f: {  	s9 =	smul.u32 $0xF7A, s1;
	s8 =	simm.s32 @!p0 $0x1BF5;
	p2 =	por !p2, p0  }
0x20: {  	[sflag:s8] =	ssyncset.s32 @!p0 $0xFFFFF086;
	s6 =	sadd.s32 @!p0 s3, s7;
	s7 =	simm.s32 @!p0 $0x108  }
0x21: {  	s3 =	sadd.s32 s3, s9;
	s6 =	sadd.s32 @!p0 $0x88, s6;
	s7 =	simm.s32 @p2 $0x1082  }
0x22: {  	[simem:s7], [sflag:s8] =	dma.local @!p0 [hbm:s6], $0xF7A  }
0x23: {  	s9 =	sor.u32 $0xD0000000, s2;
	s6 =	simm.s32 $0x108;
	_ =	swait.ge @!p0 [sflag:s8], $0x0  }
0x24: {  	s3 =	sadd.s32 $0x88, s3;
	s6 =	simm.s32 @!p1 $0x1082;
	[sflag:s4] =	ssyncset.s32 $0xFFFFF086  }
0x25: {  	[simem:s6], [sflag:s4] =	dma.local [hbm:s3], $0xF7A  }
0x26: {  	[smem:$0x3F98] =	sst s1;
	(tag) =	ssettag s2;
	_ =	strace s9  }
0x27: {  	s1 =	sld [smem:$0x3FA8]  }
0x28: {  	s2 =	sld [smem:$0x3FA9]  }
0x29: {  	s4 =	sld [smem:$0x3FAB]  }
0x2a: {  	p0 =	seq.s32 s5, $0x0;
	s5 =	sld [smem:$0x3FAC]  }
0x2b: {  	s6 =	sld [smem:$0x3FAD]  }
0x2c: {  	s7 =	sld [smem:$0x3FAE]  }
0x2d: {  	s3 =	simm.s32 $0x108;
	s8 =	sld [smem:$0x3FAF]  }
0x2e: {  	s3 =	simm.s32 @!p0 $0x1082;
	s9 =	sld [smem:$0x3FB0]  }
0x2f: {  	lr =	sadd.s32 s0, s3;
	s0 =	sld [smem:$0x3FA7]  }
0x30: {  	s3 =	sld [smem:$0x3FAA]  }
0x31: {  	[smem:$0x3FB3] =	sst s10  }
0x32: {  	s10 =	sld [smem:$0x3FB1];
	_ =	sdelay $0x3  }
0x33: {  	p0 =	seq.s32 s10, $0x1;
	s10 =	sld [smem:$0x3FB3];
	_ =	sdelay $0x3  }
0x34: {  	[smem:$0x3FB3] =	sst s10  }
0x35: {  	s10 =	sld [smem:$0x3FB2];
	_ =	sdelay $0x3  }
0x36: {  	p1 =	seq.s32 s10, $0x1;
	s10 =	sld [smem:$0x3FB3];
	_ =	sdelay $0x3  }
0x37: {  	[smem:$0x3FB3] =	sst s10  }
0x38: {  	s10 =	sld [smem:$0x3FB4]  }
0x39: {  	_ = 	snop;
	(pc) =	sbr.ind lr, $3  }
0x3a: {  	_ = 	snop  }
0x3b: {  	_ = 	snop  }
0x3c: {  	p2 =	seq.s32 s10, $0x1;
	s10 =	sld [smem:$0x3FB3]  }
0x3d: {  	_ =	shalt  }
0x3e: {  	_ =	shalt  }
0x3f: {  	_ =	shalt  }
0x40: {  	_ =	shalt  }
0x41: {  	_ =	shalt  }
0x42: {  	_ =	shalt  }
0x43: {  	_ =	shalt  }
0x44: {  	_ =	shalt  }
0x45: {  	_ =	shalt  }
0x46: {  	_ =	shalt  }
0x47: {  	_ =	shalt  }
0x48: {  	_ =	shalt  }
0x49: {  	_ =	shalt  }
0x4a: {  	_ =	shalt  }
0x4b: {  	_ =	shalt  }
0x4c: {  	_ =	shalt  }
0x4d: {  	_ =	shalt  }
0x4e: {  	_ =	shalt  }
0x4f: {  	_ =	shalt  }
0x50: {  	_ =	shalt  }
0x51: {  	_ =	shalt  }
0x52: {  	_ =	shalt  }
0x53: {  	_ =	shalt  }
0x54: {  	_ =	shalt  }
0x55: {  	_ =	shalt  }
0x56: {  	_ =	shalt  }
0x57: {  	_ =	shalt  }
0x58: {  	_ =	shalt  }
0x59: {  	_ =	shalt  }
0x5a: {  	_ =	shalt  }
0x5b: {  	_ =	shalt  }
0x5c: {  	_ =	shalt  }
0x5d: {  	_ =	shalt  }
0x5e: {  	_ =	shalt  }
0x5f: {  	_ =	shalt  }
0x60: {  	_ =	shalt  }
0x61: {  	_ =	shalt  }
0x62: {  	_ =	shalt  }
0x63: {  	_ =	shalt  }
0x64: {  	_ =	shalt  }
0x65: {  	_ =	shalt  }
0x66: {  	_ =	shalt  }
0x67: {  	_ =	shalt  }
0x68: {  	_ =	shalt  }
0x69: {  	_ =	shalt  }
0x6a: {  	_ =	shalt  }
0x6b: {  	_ =	shalt  }
0x6c: {  	_ =	shalt  }
0x6d: {  	_ =	shalt  }
0x6e: {  	_ =	shalt  }
0x6f: {  	_ =	shalt  }
0x70: {  	_ =	shalt  }
0x71: {  	_ =	shalt  }
0x72: {  	_ =	shalt  }
0x73: {  	_ =	shalt  }
0x74: {  	_ =	shalt  }
0x75: {  	_ =	shalt  }
0x76: {  	_ =	shalt  }
0x77: {  	_ =	shalt  }
0x78: {  	_ =	shalt  }
0x79: {  	_ =	shalt  }
0x7a: {  	_ =	shalt  }
0x7b: {  	_ =	shalt  }
0x7c: {  	_ =	shalt  }
0x7d: {  	_ =	shalt  }
0x7e: {  	_ =	shalt  }
0x7f: {  	_ =	shalt  }
0x80: {  	_ =	shalt  }
0x81: {  	_ =	shalt  }
0x82: {  	_ =	shalt  }
0x83: {  	_ =	shalt  }
0x84: {  	_ =	shalt  }
0x85: {  	_ =	shalt  }
0x86: {  	_ =	shalt  }
0x87: {  	_ =	shalt  }
.Lfunc_end0:
.L_simem_size_0:
called_computation.2_lowered:
.L_overlay_start_0:
0x88: {  	s2 =	sld [smem:$0x3FD9]  }
0x89: {  	s3 =	sld [smem:$0x3FFE];
	_ =	sdelay $0x1  }
0x8a: {  	s1 =	srdreg.scid  }
0x8b: {  	s0 =	sand.u32 $0x1, s1  }
0x8c: {  	s16 =	sshll.u32 s0, $0xA;
	s2 =	sadd.s32 s3, s2  }
0x8d: {  	s2 =	sadd.s32 s2, s16  }
0x8e: {  	[smem:$0x3FBF] =	sst s2  }
0x8f: {  	_ = 	snop  }
0x90: {  	(tm) =	ssettm $0x1  }
0x91: {  	s17 =	sld [smem:$0x3FFB];
	_ =	sdelay $0x3  }
0x92: {  	_ =	strace s17  }
0x93: {  	s2 =	sld [smem:$0x3FFC];
	_ =	sdelay $0x3  }
0x94: {  	_ =	strace s2  }
0x95: {  	s2 =	sld [smem:$0x3FFD];
	_ =	sdelay $0x3  }
0x96: {  	_ =	strace s2  }
0x97: {  	_ =	strace $0x8FFFFFFF  }
0x98: {  	s18 =	sld [smem:$0x3FDB];
	_ =	sdelay $0x1  }
0x99: {  	s19 =	simm.s32 $_scs_section_size  }
0x9a: {  	s4 =	simm.s32 $_size__tile_overlayer_lowered;
	s5 =	simm.s32 $_tile_overlayer_lowered  }
0x9b: {  	s22 =	simm.s32 $0x1BFF;
	s21 =	sshll.u32 s5, $0x1;
	s2 =	sadd.s32 s19, s18  }
0x9c: {  	s6 =	simm.s32 $0x0;
	s20 =	sshll.u32 s4, $0x1;
	s4 =	sadd.s32 s21, s2  }
0x9d: {  	[timem:s6], [sflag:s22] =	dma.local [hbm:s4], s20  }
0x9e: {  	_ =	swait.ge [sflag:s22], s20  }
0x9f: {  	s3 =	ssub.s32 $0x0, s20;
	[sflag:s22] =	ssyncset.done $0x0  }
0xa0: {  	[sflag:s22] =	ssyncadd.s32 s3;
	_ =	sdelay $0x1  }
0xa1: {  	s23 =	simm.s32 $0x1B8B  }
0xa2: {  	_ =	swait.ge [sflag:s23], $0x1  }
0xa3: {  	[sflag:s23] =	ssyncset.done $0x0  }
0xa4: {  	s25 =	simm.s32 $0x1B8E;
	s24 =	sld [smem:$0x3FFE];
	[sflag:s23] =	ssyncadd.s32 $0xFFFFFFFF  }
0xa5: {  	s26 =	simm.s32 $execute0_lowered;
	[smem:$0x3FD2] =	sst s25  }
0xa6: {  	s4 =	sshll.u32 s26, $0x1;
	_ =	strace $0x8000004C;
	[dreg:$0x1] =	wrdreg $0xFFFFFFFF  }
0xa7: {  	s28 =	simm.s32 $_size_execute0_lowered;
	s2 =	sadd.s32 s2, s4;
	[dreg:$0x0] =	wrdreg $0x0  }
0xa8: {  	s4 =	sshll.u32 s28, $0x1;
	[dreg:$0x2] =	wrdreg s2  }
0xa9: {  	[dreg:$0x3] =	wrdreg s4  }
0xaa: {  	[dreg:$0x4] =	wrdreg $0xC0  }
0xab: {  	_ =	task [dreg:s6], $0x5FFFF  }
0xac: {  	[dreg:$0x1] =	wrdreg $0xFFFFFFFF  }
0xad: {  	[dreg:$0x0] =	wrdreg $0x60  }
0xae: {  	[dreg:$0x2] =	wrdreg s24  }
0xaf: {  	[dreg:$0x3] =	wrdreg $0xA8000  }
0xb0: {  	[dreg:$0x4] =	wrdreg $0x9  }
0xb1: {  	_ =	task.clear_ibuf [dreg:s6], $0x5FFFF;
	_ =	strace $0x9000004C  }
0xb2: {  	s29 =	simm.s32 $0x9;
	_ =	strace $0x8000004E  }
0xb3: {  	_ =	swait.ge [sflag:s29], $0x1  }
0xb4: {  	[sflag:s29] =	ssyncadd.s32 $0xFFFFFFFF  }
0xb5: {  	_ =	strace $0x9000004E  }
0xb6: {  	_ =	sfence  }
0xb7: {  	s30 =	sld [smem:$0x0];
	_ =	sdelay $0x2  }
0xb8: {  	s31 =	sshll.u32 s1, $0xD;
	s1 =	sshrl.u32 s1, $0x2  }
0xb9: {  	s3 =	sand.u32 $0x4000, s31;
	s1 =	sadd.s32 s1, s30  }
0xba: {  	s0 =	sor.u32 s3, s0;
	s1 =	sshll.u32 s1, $0x11  }
0xbb: {  	s0 =	sor.u32 s1, s0  }
0xbc: {  	s0 =	sadd.s32 $0x8F2B, s0  }
0xbd: {  	[sflag:s0] =	ssyncadd.remote.s32 $0x1  }
0xbe: {  	_ =	sfence.sel $0xFFFF  }
0xbf: {  	[dreg:$0x0] =	wrdreg $0xFFFFFFFF;
	(pc) =	sbr.abs _section_cstart, $3  }
0xc0: {  	[dreg:$0x1] =	wrdreg $0xFFFFFFFF  }
0xc1: {  	_ =	task.clear_ibuf [dreg:s6], $0x2FFFF;
	_ =	strace $0x9FFFFFFF  }
0xc2: {  	(tm) =	ssettm $0x7FFFFFFF  }
0xc3: {  	_ =	shalt  }
tec
execute0_lowered:
.L_overlay_start_1:
0x0: {  	(tag) =	ssettag $0x1  }
0x1: {  	s5 =	rddreg [dreg:$0x0]  }
0x2: {  	s2 =	rddreg [dreg:$0x1]  }
0x3: {  	s0 =	rddreg [dreg:$0x2]  }
0x4: {  	s3 =	simm.s32 $0x0;
	s1 =	stileid.u32;
	s4 =	srdreg.scid  }
0x5: {  	s16 =	simm.s32 $0x7D;
	s17 =	simm.s32 $0x2800;
	s18 =	simm.s32 $0x6800  }
0x6: {  	s19 =	simm.s32 $0x1;
	s20 =	simm.s32 $0x2;
	s21 =	simm.s32 $0x1380  }
0x7: {  	s22 =	simm.s32 $0x2700;
	s23 =	simm.s32 $0x2780;
	s24 =	simm.s32 $0x0  }
0x8: {  	[smem:$0x7FF] =	sst s3;
	s6 =	smul.u32 $0x13C00, s1;
	s7 =	sand.u32 $0x1, s4  }
0x9: {  	s4 =	sadd.s32 $0x84200, s5;
	s9 =	sadd.s32 $0xAC000, s5;
	s10 =	sadd.s32 $0x4600, s5  }
0xa: {  	s12 =	smul.u32 $0x4E200, s1;
	s30 =	sshll.u32 s1, $0x6;
	_ =	strace $0x8000004D  }
0xb: {  	s8 =	smul.u32 $0x13C000, s7;
	s28 =	sshll.u32 s7, $0x4;
	s7 =	ssub.s32 $0x2, s7  }
0xc: {  	s11 =	sshrl.u32 s6, $0x3;
	s13 =	sshrl.u32 s7, $0x1;
	s29 =	sshrl.u32 s12, $0x2  }
0xd: {  	s11 =	sadd.s32 s11, s5;
	s6 =	sadd.s32 s6, s8;
	s8 =	sor.u32 s1, s28  }
0xe: {  	s13 =	ssub.s32 s7, s13;
	s15 =	sadd.s32 s29, s2;
	s6 =	sshrl.u32 s6, $0x3  }
0xf: {  	s8 =	smul.u32 $0x2800, s8;
	s12 =	smax.u32 s13, $0x1;
	s13 =	sshrl.u32 s15, $0x3  }
0x10: {  	s15 =	simm.s32 $0x1400;
	s14 =	sadd.s32 s6, s5;
	s5 =	sadd.s32 $0xE600, s11  }
0x11: {  	s6 =	sor.u32 $0x1C03, s30;
	s8 =	sshrl.u32 s8, $0x3;
	s11 =	sadd.s32 $0xB6000, s14  }
0x12: {  	s14 =	simm.s32 $0x3;
	s31 =	sadd.s32 $0x280, s8;
	s7 =	sadd.s32 s9, s8  }
0x13: {  	s8 =	sadd.s32 s10, s8;
	s9 =	sadd.s32 s9, s31;
	s10 =	sadd.s32 s10, s31  }
.LBB2_1:
0x14: {  	[spmem:s13], [sflag:s6] =	dma.local [hbm:s5], $0x2710  }
0x15: {  	_ =	swait.ge [sflag:s14], $0x2710  }
0x16: {  	[sflag:s14] =	ssyncset.done $0x0  }
0x17: {  	[sflag:s14] =	ssyncadd.s32 $0xFFFFD8F0  }
0x18: {  	[bflag:$0x0] =	sbarrier.arrive $0xFFFF  }
0x19: {  	[tilespmem:s3], [sflag:$0x3] =	stream.linear.gather [hbm4b:s7+s3], $0x1400, $0x38;
	[tilespmem:$0x1E080] =	vst v63  }
0x1a: {  	_ =	swait.ge [sflag:s14], $0x1400  }
0x1b: {  	[sflag:s14] =	ssyncset.done $0x0  }
0x1c: {  	[sflag:s14] =	ssyncadd.s32 $0xFFFFEC00  }
0x1d: {  	[tilespmem:s15], [sflag:$0x3] =	stream.linear.gather [hbm4b:s8+s3], $0x1400, $0x38;
	[tilespmem:$0x1E080] =	vst v63  }
0x1e: {  	_ =	swait.ge [sflag:s14], $0x1400  }
0x1f: {  	[sflag:s14] =	ssyncset.done $0x0  }
0x20: {  	[sflag:s14] =	ssyncadd.s32 $0xFFFFEC00  }
0x21: {  	[tilespmem:s17], [sflag:$0x1] =	stream.indirect.gather [hbm4b:s4+s16], $0x80, s3, s16, $0xb8;
	[tilespmem:$0x1E080] =	vst v63  }
0x22: {  	s25 =	simm.s32 $0x80  }
0x23: {  	[tilespmem:s18], [sflag:$0x2] =	stream.indirect.gather [hbm4b:s4+s16], $0x80, s25, s16, $0xb8;
	[tilespmem:$0x1E080] =	vst v63  }
0x24: {  	_ =	swait.ge [sflag:s19], $0x3E80  }
0x25: {  	[sflag:s19] =	ssyncset.done $0x0  }
0x26: {  	s29 =	simm.s32 $0x1400;
	[sflag:s19] =	ssyncadd.s32 $0xFFFFC180  }
0x27: {  	[spmem:s2] =	stream.indirect.scatter.add.f32 [tilespmem:s17], [sflag:$0x3], $0x80, s29, s16, $0xb8;
	[tilespmem:$0x1E080] =	vst v63  }
0x28: {  	_ =	swait.ge [sflag:s14], $0x3E80  }
0x29: {  	[sflag:s14] =	ssyncset.done $0x0  }
0x2a: {  	s30 =	simm.s32 $0x100;
	[sflag:s14] =	ssyncadd.s32 $0xFFFFC180  }
0x2b: {  	[tilespmem:s17], [sflag:$0x1] =	stream.indirect.gather [hbm4b:s4+s16], $0x80, s30, s16, $0xb8;
	[tilespmem:$0x1E080] =	vst v63  }
0x2c: {  	_ =	swait.ge [sflag:s20], $0x3E80  }
0x2d: {  	[sflag:s20] =	ssyncset.done $0x0  }
0x2e: {  	s31 =	simm.s32 $0x1480;
	[sflag:s20] =	ssyncadd.s32 $0xFFFFC180  }
0x2f: {  	[spmem:s2] =	stream.indirect.scatter.add.f32 [tilespmem:s18], [sflag:$0x3], $0x80, s31, s16, $0xb8;
	[tilespmem:$0x1E080] =	vst v63  }
0x30: {  	_ =	swait.ge [sflag:s14], $0x3E80  }
0x31: {  	s26 =	simm.s32 $0x800;
	s25 =	simm.s32 $0x100;
	[sflag:s14] =	ssyncset.done $0x0  }
.LBB2_2:
0x32: {  	s28 =	sadd.s32 $0x80, s25  }
0x33: {  	[sflag:s14] =	ssyncadd.s32 $0xFFFFC180;
	s29 =	smov.u32 s26;
	s30 =	sadd.s32 $0x400, s26  }
0x34: {  	[tilespmem:s18], [sflag:$0x2] =	stream.indirect.gather [hbm4b:s4+s16], $0x80, s28, s16, $0xb8;
	[tilespmem:$0x1E080] =	vst v63  }
0x35: {  	p0 =	sne.s32 s26, $0x4800;
	_ =	swait.ge [sflag:s19], $0x3E80  }
0x36: {  	[sflag:s19] =	ssyncset.done $0x0  }
0x37: {  	s26 =	sadd.s32 $0x1400, s25;
	[sflag:s19] =	ssyncadd.s32 $0xFFFFC180  }
0x38: {  	[spmem:s2] =	stream.indirect.scatter.add.f32 [tilespmem:s17], [sflag:$0x3], $0x80, s26, s16, $0xb8;
	[tilespmem:$0x1E080] =	vst v63  }
0x39: {  	_ =	swait.ge [sflag:s14], $0x3E80  }
0x3a: {  	[sflag:s14] =	ssyncset.done $0x0  }
0x3b: {  	s26 =	sadd.s32 $0x100, s25;
	[sflag:s14] =	ssyncadd.s32 $0xFFFFC180  }
0x3c: {  	[tilespmem:s17], [sflag:$0x1] =	stream.indirect.gather [hbm4b:s4+s16], $0x80, s26, s16, $0xb8;
	[tilespmem:$0x1E080] =	vst v63  }
0x3d: {  	_ =	swait.ge [sflag:s20], $0x3E80  }
.Ltmp0:
0x3e: {  	[sflag:s20] =	ssyncset.done $0x0;
	(pc) =	sbr.rel @p0 .LBB2_2-.Ltmp0, $4  }
0x3f: {  	s25 =	sadd.s32 $0x1480, s25;
	[sflag:s20] =	ssyncadd.s32 $0xFFFFC180  }
0x40: {  	[spmem:s2] =	stream.indirect.scatter.add.f32 [tilespmem:s18], [sflag:$0x3], $0x80, s25, s16, $0xb8;
	[tilespmem:$0x1E080] =	vst v63  }
0x41: {  	_ =	swait.ge [sflag:s14], $0x3E80  }
0x42: {  	s26 =	smov.u32 s30;
	s25 =	sshra.s32 s29, $0x2;
	[sflag:s14] =	ssyncset.done $0x0  }
0x43: {  	s26 =	sadd.s32 $0x80, s25;
	[sflag:s14] =	ssyncadd.s32 $0xFFFFC180  }
0x44: {  	[tilespmem:s18], [sflag:$0x2] =	stream.indirect.gather [hbm4b:s4+s16], $0x80, s26, s16, $0xb8;
	[tilespmem:$0x1E080] =	vst v63  }
0x45: {  	_ =	swait.ge [sflag:s19], $0x3E80  }
0x46: {  	[sflag:s19] =	ssyncset.done $0x0  }
0x47: {  	s29 =	sadd.s32 $0x1400, s25;
	[sflag:s19] =	ssyncadd.s32 $0xFFFFC180  }
0x48: {  	[spmem:s2] =	stream.indirect.scatter.add.f32 [tilespmem:s17], [sflag:$0x3], $0x80, s29, s16, $0xb8;
	[tilespmem:$0x1E080] =	vst v63  }
0x49: {  	_ =	swait.ge [sflag:s14], $0x3E80  }
0x4a: {  	[sflag:s14] =	ssyncset.done $0x0  }
0x4b: {  	s30 =	sadd.s32 $0x100, s25;
	[sflag:s14] =	ssyncadd.s32 $0xFFFFC180  }
0x4c: {  	[tilespmem:s17], [sflag:$0x1] =	stream.indirect.gather [hbm4b:s4+s16], $0x80, s30, s16, $0xb8;
	[tilespmem:$0x1E080] =	vst v63  }
0x4d: {  	_ =	swait.ge [sflag:s20], $0x3E80  }
0x4e: {  	[sflag:s20] =	ssyncset.done $0x0  }
0x4f: {  	s31 =	sadd.s32 $0x1480, s25;
	[sflag:s20] =	ssyncadd.s32 $0xFFFFC180  }
0x50: {  	[spmem:s2] =	stream.indirect.scatter.add.f32 [tilespmem:s18], [sflag:$0x3], $0x80, s31, s16, $0xb8;
	[tilespmem:$0x1E080] =	vst v63  }
0x51: {  	_ =	swait.ge [sflag:s14], $0x3E80  }
0x52: {  	[sflag:s14] =	ssyncset.done $0x0  }
0x53: {  	[sflag:s14] =	ssyncadd.s32 $0xFFFFC180  }
0x54: {  	[tilespmem:s18], [sflag:$0x2] =	stream.indirect.gather [hbm4b:s4+s16], $0x80, s21, s16, $0xb8;
	[tilespmem:$0x1E080] =	vst v63  }
0x55: {  	_ =	swait.ge [sflag:s19], $0x3E80  }
0x56: {  	[sflag:s19] =	ssyncset.done $0x0  }
0x57: {  	[sflag:s19] =	ssyncadd.s32 $0xFFFFC180  }
0x58: {  	[spmem:s2] =	stream.indirect.scatter.add.f32 [tilespmem:s17], [sflag:$0x3], $0x80, s22, s16, $0xb8;
	[tilespmem:$0x1E080] =	vst v63  }
0x59: {  	_ =	swait.ge [sflag:s14], $0x3E80  }
0x5a: {  	[sflag:s14] =	ssyncset.done $0x0  }
0x5b: {  	[sflag:s14] =	ssyncadd.s32 $0xFFFFC180  }
0x5c: {  	_ =	swait.ge [sflag:s20], $0x3E80  }
0x5d: {  	[sflag:s20] =	ssyncset.done $0x0  }
0x5e: {  	[sflag:s20] =	ssyncadd.s32 $0xFFFFC180  }
0x5f: {  	[spmem:s2] =	stream.indirect.scatter.add.f32 [tilespmem:s18], [sflag:$0x3], $0x80, s23, s16, $0xb8;
	[tilespmem:$0x1E080] =	vst v63  }
0x60: {  	_ =	swait.ge [sflag:s14], $0x3E80  }
0x61: {  	[sflag:s14] =	ssyncset.done $0x0  }
0x62: {  	s26 =	simm.s32 $0x0;
	[sflag:s14] =	ssyncadd.s32 $0xFFFFC180  }
0x63: {  	[tilespmem:s26], [sflag:$0x3] =	stream.linear.gather [hbm4b:s9+s26], $0x1400, $0x38;
	[tilespmem:$0x1E080] =	vst v63  }
0x64: {  	_ =	swait.ge [sflag:s14], $0x1400  }
0x65: {  	[sflag:s14] =	ssyncset.done $0x0  }
0x66: {  	[sflag:s14] =	ssyncadd.s32 $0xFFFFEC00  }
0x67: {  	[tilespmem:s15], [sflag:$0x3] =	stream.linear.gather [hbm4b:s10+s26], $0x1400, $0x38;
	[tilespmem:$0x1E080] =	vst v63  }
0x68: {  	_ =	swait.ge [sflag:s14], $0x1400  }
0x69: {  	[sflag:s14] =	ssyncset.done $0x0  }
0x6a: {  	[sflag:s14] =	ssyncadd.s32 $0xFFFFEC00  }
0x6b: {  	[tilespmem:s17], [sflag:$0x1] =	stream.indirect.gather [hbm4b:s4+s16], $0x80, s26, s16, $0xb8;
	[tilespmem:$0x1E080] =	vst v63  }
0x6c: {  	s28 =	simm.s32 $0x80  }
0x6d: {  	[tilespmem:s18], [sflag:$0x2] =	stream.indirect.gather [hbm4b:s4+s16], $0x80, s28, s16, $0xb8;
	[tilespmem:$0x1E080] =	vst v63  }
0x6e: {  	_ =	swait.ge [sflag:s19], $0x3E80  }
0x6f: {  	[sflag:s19] =	ssyncset.done $0x0  }
0x70: {  	s29 =	simm.s32 $0x1400;
	[sflag:s19] =	ssyncadd.s32 $0xFFFFC180  }
0x71: {  	[spmem:s2] =	stream.indirect.scatter.add.f32 [tilespmem:s17], [sflag:$0x3], $0x80, s29, s16, $0xb8;
	[tilespmem:$0x1E080] =	vst v63  }
0x72: {  	_ =	swait.ge [sflag:s14], $0x3E80  }
0x73: {  	[sflag:s14] =	ssyncset.done $0x0  }
0x74: {  	s30 =	simm.s32 $0x100;
	[sflag:s14] =	ssyncadd.s32 $0xFFFFC180  }
0x75: {  	[tilespmem:s17], [sflag:$0x1] =	stream.indirect.gather [hbm4b:s4+s16], $0x80, s30, s16, $0xb8;
	[tilespmem:$0x1E080] =	vst v63  }
0x76: {  	_ =	swait.ge [sflag:s20], $0x3E80  }
0x77: {  	[sflag:s20] =	ssyncset.done $0x0  }
0x78: {  	s31 =	simm.s32 $0x1480;
	[sflag:s20] =	ssyncadd.s32 $0xFFFFC180  }
0x79: {  	[spmem:s2] =	stream.indirect.scatter.add.f32 [tilespmem:s18], [sflag:$0x3], $0x80, s31, s16, $0xb8;
	[tilespmem:$0x1E080] =	vst v63  }
0x7a: {  	_ =	swait.ge [sflag:s14], $0x3E80  }
0x7b: {  	s25 =	simm.s32 $0x100;
	s26 =	simm.s32 $0x800;
	[sflag:s14] =	ssyncset.done $0x0  }
.LBB2_4:
0x7c: {  	s28 =	sadd.s32 $0x80, s25  }
0x7d: {  	[sflag:s14] =	ssyncadd.s32 $0xFFFFC180;
	s29 =	smov.u32 s26;
	s30 =	sadd.s32 $0x400, s26  }
0x7e: {  	[tilespmem:s18], [sflag:$0x2] =	stream.indirect.gather [hbm4b:s4+s16], $0x80, s28, s16, $0xb8;
	[tilespmem:$0x1E080] =	vst v63  }
0x7f: {  	p0 =	sne.s32 s26, $0x4800;
	_ =	swait.ge [sflag:s19], $0x3E80  }
0x80: {  	[sflag:s19] =	ssyncset.done $0x0  }
0x81: {  	s26 =	sadd.s32 $0x1400, s25;
	[sflag:s19] =	ssyncadd.s32 $0xFFFFC180  }
0x82: {  	[spmem:s2] =	stream.indirect.scatter.add.f32 [tilespmem:s17], [sflag:$0x3], $0x80, s26, s16, $0xb8;
	[tilespmem:$0x1E080] =	vst v63  }
0x83: {  	_ =	swait.ge [sflag:s14], $0x3E80  }
0x84: {  	[sflag:s14] =	ssyncset.done $0x0  }
0x85: {  	s26 =	sadd.s32 $0x100, s25;
	[sflag:s14] =	ssyncadd.s32 $0xFFFFC180  }
0x86: {  	[tilespmem:s17], [sflag:$0x1] =	stream.indirect.gather [hbm4b:s4+s16], $0x80, s26, s16, $0xb8;
	[tilespmem:$0x1E080] =	vst v63  }
0x87: {  	_ =	swait.ge [sflag:s20], $0x3E80  }
.Ltmp1:
0x88: {  	[sflag:s20] =	ssyncset.done $0x0;
	(pc) =	sbr.rel @p0 .LBB2_4-.Ltmp1, $4  }
0x89: {  	s25 =	sadd.s32 $0x1480, s25;
	[sflag:s20] =	ssyncadd.s32 $0xFFFFC180  }
0x8a: {  	[spmem:s2] =	stream.indirect.scatter.add.f32 [tilespmem:s18], [sflag:$0x3], $0x80, s25, s16, $0xb8;
	[tilespmem:$0x1E080] =	vst v63  }
0x8b: {  	_ =	swait.ge [sflag:s14], $0x3E80  }
0x8c: {  	s26 =	smov.u32 s30;
	s25 =	sshra.s32 s29, $0x2;
	[sflag:s14] =	ssyncset.done $0x0  }
0x8d: {  	s26 =	sadd.s32 $0x80, s25;
	[sflag:s14] =	ssyncadd.s32 $0xFFFFC180  }
0x8e: {  	[tilespmem:s18], [sflag:$0x2] =	stream.indirect.gather [hbm4b:s4+s16], $0x80, s26, s16, $0xb8;
	[tilespmem:$0x1E080] =	vst v63  }
0x8f: {  	_ =	swait.ge [sflag:s19], $0x3E80  }
0x90: {  	[sflag:s19] =	ssyncset.done $0x0  }
0x91: {  	s29 =	sadd.s32 $0x1400, s25;
	[sflag:s19] =	ssyncadd.s32 $0xFFFFC180  }
0x92: {  	[spmem:s2] =	stream.indirect.scatter.add.f32 [tilespmem:s17], [sflag:$0x3], $0x80, s29, s16, $0xb8;
	[tilespmem:$0x1E080] =	vst v63  }
0x93: {  	_ =	swait.ge [sflag:s14], $0x3E80  }
0x94: {  	[sflag:s14] =	ssyncset.done $0x0  }
0x95: {  	s30 =	sadd.s32 $0x100, s25;
	[sflag:s14] =	ssyncadd.s32 $0xFFFFC180  }
0x96: {  	[tilespmem:s17], [sflag:$0x1] =	stream.indirect.gather [hbm4b:s4+s16], $0x80, s30, s16, $0xb8;
	[tilespmem:$0x1E080] =	vst v63  }
0x97: {  	_ =	swait.ge [sflag:s20], $0x3E80  }
0x98: {  	[sflag:s20] =	ssyncset.done $0x0  }
0x99: {  	s31 =	sadd.s32 $0x1480, s25;
	[sflag:s20] =	ssyncadd.s32 $0xFFFFC180  }
0x9a: {  	[spmem:s2] =	stream.indirect.scatter.add.f32 [tilespmem:s18], [sflag:$0x3], $0x80, s31, s16, $0xb8;
	[tilespmem:$0x1E080] =	vst v63  }
0x9b: {  	_ =	swait.ge [sflag:s14], $0x3E80  }
0x9c: {  	[sflag:s14] =	ssyncset.done $0x0  }
0x9d: {  	[sflag:s14] =	ssyncadd.s32 $0xFFFFC180  }
0x9e: {  	[tilespmem:s18], [sflag:$0x2] =	stream.indirect.gather [hbm4b:s4+s16], $0x80, s21, s16, $0xb8;
	[tilespmem:$0x1E080] =	vst v63  }
0x9f: {  	_ =	swait.ge [sflag:s19], $0x3E80  }
0xa0: {  	[sflag:s19] =	ssyncset.done $0x0  }
0xa1: {  	[sflag:s19] =	ssyncadd.s32 $0xFFFFC180  }
0xa2: {  	[spmem:s2] =	stream.indirect.scatter.add.f32 [tilespmem:s17], [sflag:$0x3], $0x80, s22, s16, $0xb8;
	[tilespmem:$0x1E080] =	vst v63  }
0xa3: {  	_ =	swait.ge [sflag:s14], $0x3E80  }
0xa4: {  	[sflag:s14] =	ssyncset.done $0x0  }
0xa5: {  	[sflag:s14] =	ssyncadd.s32 $0xFFFFC180  }
0xa6: {  	_ =	swait.ge [sflag:s20], $0x3E80  }
0xa7: {  	[sflag:s20] =	ssyncset.done $0x0  }
0xa8: {  	[sflag:s20] =	ssyncadd.s32 $0xFFFFC180  }
0xa9: {  	[spmem:s2] =	stream.indirect.scatter.add.f32 [tilespmem:s18], [sflag:$0x3], $0x80, s23, s16, $0xb8;
	[tilespmem:$0x1E080] =	vst v63  }
0xaa: {  	_ =	swait.ge [sflag:s14], $0x3E80  }
0xab: {  	s24 =	sadd.s32 $0x1, s24;
	[sflag:s14] =	ssyncset.done $0x0  }
0xac: {  	p0 =	sne.s32 s24, s12;
	[sflag:s14] =	ssyncadd.s32 $0xFFFFC180  }
.Ltmp2:
0xad: {  	[bflag:$0x0] =	sbarrier.arrive $0xFFFF;
	(pc) =	sbr.rel @p0 .LBB2_1-.Ltmp2, $4  }
0xae: {  	[hbm:s11], [sflag:s6] =	dma.local [spmem:s13], $0x2710  }
0xaf: {  	_ =	swait.ge [sflag:s14], $0x2710  }
0xb0: {  	[sflag:s14] =	ssyncset.done $0x0  }
0xb1: {  	[sflag:s14] =	ssyncadd.s32 $0xFFFFD8F0  }
0xb2: {  	_ =	sfence.sel $0x180000  }
0xb3: {  	[bflag:$0x0] =	sbarrier.arrive $0xFFFF  }
0xb4: {  	p0 =	sne.s32 s1, $0x0;
	_ =	strace $0x9000004D  }
0xb5: {  	s0 =	sadd.s32 @!p0 $0x100000, s0;
	[bflag:$0x2] =	sbarrier.arrive $0xFFFF  }
0xb6: {  	[sflag:s0] =	ssyncadd.tile.s32 @!p0 $0x1;
	_ =	shalt  }
.Lfunc_end2:
_tile_overlayer_lowered:
.L_overlay_start_2:
0xb7: {  	(tag) =	ssettag $0x2  }
0xb8: {  	s0 =	rddreg [dreg:$0x0];
	s2 =	stileid.u32  }
0xb9: {  	s1 =	rddreg [dreg:$0x1];
	p0 =	sne.s32 s2, $0x0  }
0xba: {  	s3 =	rddreg [dreg:$0x2];
	[bflag:$0x3] =	sbarrier.arrive $0xFFFF;
	s2 =	simm.s32 @!p0 $0x1C03  }
0xbb: {  	[timem:s3], [sflag:s2] =	dma.local @!p0 [hbm:s0], s1  }
0xbc: {  	s0 =	simm.s32 @!p0 $0x3  }
0xbd: {  	_ =	swait.ge @!p0 [sflag:s0], s1  }
0xbe: {  	s1 =	ssub.s32 @!p0 $0x0, s1;
	[sflag:s0] =	ssyncset.done @!p0 $0x0  }
0xbf: {  	[sflag:s0] =	ssyncadd.s32 @!p0 s1  }
0xc0: {  	[bflag:$0x3] =	sbarrier.arrive $0xFFFF  }
0xc1: {  	_ =	shalt  }

// kernel: kernel.9.cloned.1.call-start
scs
__scs_entry_jumppad:
0x0: {  	(pc) =	sbr.rel $0x88, $3  }
0x1: {  	(tag) =	ssettag $0x0;
	lr =	simm.s32 $0x1  }
0x2: {  	[smem:$0x3F98] =	sst lr;
	_ =	strace $0xD0000000  }
0x3: {  	_ = 	snop  }
0x4: {  	_ = 	snop  }
0x5: {  	_ = 	snop  }
0x6: {  	_ = 	snop  }
0x7: {  	_ = 	snop  }
__scs_overlays_trampoline_lowered:
0x8: {  	[smem:$0x3FA7] =	sst s0  }
0x9: {  	[smem:$0x3FA8] =	sst s1  }
0xa: {  	[smem:$0x3FA9] =	sst s2  }
0xb: {  	[smem:$0x3FAA] =	sst s3  }
0xc: {  	[smem:$0x3FAB] =	sst s4  }
0xd: {  	[smem:$0x3FAC] =	sst s5  }
0xe: {  	[smem:$0x3FAD] =	sst s6  }
0xf: {  	[smem:$0x3FAE] =	sst s7  }
0x10: {  	[smem:$0x3FAF] =	sst s8  }
0x11: {  	[smem:$0x3FB0] =	sst s9;
	s0 =	simm.s32 @!p0 $0x0  }
0x12: {  	s1 =	sld [smem:$0x3F96];
	s0 =	simm.s32 @p0 $0x1  }
0x13: {  	[smem:$0x3FB1] =	sst s0;
	s0 =	simm.s32 @!p1 $0x0  }
0x14: {  	s2 =	sld [smem:$0x3F95];
	s0 =	simm.s32 @p1 $0x1  }
0x15: {  	[smem:$0x3FB2] =	sst s0;
	s0 =	simm.s32 @!p2 $0x0  }
0x16: {  	s3 =	sld [smem:$0x3FDB];
	s0 =	simm.s32 @p2 $0x1  }
0x17: {  	s4 =	simm.s32 $0x1BF5;
	[smem:$0x3FB4] =	sst s0  }
0x18: {  	s0 =	sld [smem:$0x3F97];
	_ =	swait.ge [sflag:s4], $0x0  }
0x19: {  	s7 =	sld [smem:$0x3F98]  }
0x1a: {  	s8 =	sadd.s32 $0xFFFFE003, lr  }
0x1b: {  	s9 =	sadd.s32 $0xFFFFFEF7, lr;
	s5 =	simm.s32 $0xFFFFFFFF;
	p2 =	slt.u32 s8, $0xFFFFF086  }
0x1c: {  	p1 =	slt.u32 s9, $0xF7A;
	s5 =	simm.s32 @!p2 $0x0  }
0x1d: {  	s5 =	simm.s32 @p1 $0x1;
	p0 =	seq.s32 s7, s2  }
0x1e: {  	s7 =	smul.u32 @!p0 $0xF7A, s2;
	p2 =	seq.s32 @!p0 s5, $0x0  }
0x1f: {  	s9 =	smul.u32 $0xF7A, s1;
	s8 =	simm.s32 @!p0 $0x1BF5;
	p2 =	por !p2, p0  }
0x20: {  	[sflag:s8] =	ssyncset.s32 @!p0 $0xFFFFF086;
	s6 =	sadd.s32 @!p0 s3, s7;
	s7 =	simm.s32 @!p0 $0x108  }
0x21: {  	s3 =	sadd.s32 s3, s9;
	s6 =	sadd.s32 @!p0 $0x88, s6;
	s7 =	simm.s32 @p2 $0x1082  }
0x22: {  	[simem:s7], [sflag:s8] =	dma.local @!p0 [hbm:s6], $0xF7A  }
0x23: {  	s9 =	sor.u32 $0xD0000000, s2;
	s6 =	simm.s32 $0x108;
	_ =	swait.ge @!p0 [sflag:s8], $0x0  }
0x24: {  	s3 =	sadd.s32 $0x88, s3;
	s6 =	simm.s32 @!p1 $0x1082;
	[sflag:s4] =	ssyncset.s32 $0xFFFFF086  }
0x25: {  	[simem:s6], [sflag:s4] =	dma.local [hbm:s3], $0xF7A  }
0x26: {  	[smem:$0x3F98] =	sst s1;
	(tag) =	ssettag s2;
	_ =	strace s9  }
0x27: {  	s1 =	sld [smem:$0x3FA8]  }
0x28: {  	s2 =	sld [smem:$0x3FA9]  }
0x29: {  	s4 =	sld [smem:$0x3FAB]  }
0x2a: {  	p0 =	seq.s32 s5, $0x0;
	s5 =	sld [smem:$0x3FAC]  }
0x2b: {  	s6 =	sld [smem:$0x3FAD]  }
0x2c: {  	s7 =	sld [smem:$0x3FAE]  }
0x2d: {  	s3 =	simm.s32 $0x108;
	s8 =	sld [smem:$0x3FAF]  }
0x2e: {  	s3 =	simm.s32 @!p0 $0x1082;
	s9 =	sld [smem:$0x3FB0]  }
0x2f: {  	lr =	sadd.s32 s0, s3;
	s0 =	sld [smem:$0x3FA7]  }
0x30: {  	s3 =	sld [smem:$0x3FAA]  }
0x31: {  	[smem:$0x3FB3] =	sst s10  }
0x32: {  	s10 =	sld [smem:$0x3FB1];
	_ =	sdelay $0x3  }
0x33: {  	p0 =	seq.s32 s10, $0x1;
	s10 =	sld [smem:$0x3FB3];
	_ =	sdelay $0x3  }
0x34: {  	[smem:$0x3FB3] =	sst s10  }
0x35: {  	s10 =	sld [smem:$0x3FB2];
	_ =	sdelay $0x3  }
0x36: {  	p1 =	seq.s32 s10, $0x1;
	s10 =	sld [smem:$0x3FB3];
	_ =	sdelay $0x3  }
0x37: {  	[smem:$0x3FB3] =	sst s10  }
0x38: {  	s10 =	sld [smem:$0x3FB4]  }
0x39: {  	_ = 	snop;
	(pc) =	sbr.ind lr, $3  }
0x3a: {  	_ = 	snop  }
0x3b: {  	_ = 	snop  }
0x3c: {  	p2 =	seq.s32 s10, $0x1;
	s10 =	sld [smem:$0x3FB3]  }
0x3d: {  	_ =	shalt  }
0x3e: {  	_ =	shalt  }
0x3f: {  	_ =	shalt  }
0x40: {  	_ =	shalt  }
0x41: {  	_ =	shalt  }
0x42: {  	_ =	shalt  }
0x43: {  	_ =	shalt  }
0x44: {  	_ =	shalt  }
0x45: {  	_ =	shalt  }
0x46: {  	_ =	shalt  }
0x47: {  	_ =	shalt  }
0x48: {  	_ =	shalt  }
0x49: {  	_ =	shalt  }
0x4a: {  	_ =	shalt  }
0x4b: {  	_ =	shalt  }
0x4c: {  	_ =	shalt  }
0x4d: {  	_ =	shalt  }
0x4e: {  	_ =	shalt  }
0x4f: {  	_ =	shalt  }
0x50: {  	_ =	shalt  }
0x51: {  	_ =	shalt  }
0x52: {  	_ =	shalt  }
0x53: {  	_ =	shalt  }
0x54: {  	_ =	shalt  }
0x55: {  	_ =	shalt  }
0x56: {  	_ =	shalt  }
0x57: {  	_ =	shalt  }
0x58: {  	_ =	shalt  }
0x59: {  	_ =	shalt  }
0x5a: {  	_ =	shalt  }
0x5b: {  	_ =	shalt  }
0x5c: {  	_ =	shalt  }
0x5d: {  	_ =	shalt  }
0x5e: {  	_ =	shalt  }
0x5f: {  	_ =	shalt  }
0x60: {  	_ =	shalt  }
0x61: {  	_ =	shalt  }
0x62: {  	_ =	shalt  }
0x63: {  	_ =	shalt  }
0x64: {  	_ =	shalt  }
0x65: {  	_ =	shalt  }
0x66: {  	_ =	shalt  }
0x67: {  	_ =	shalt  }
0x68: {  	_ =	shalt  }
0x69: {  	_ =	shalt  }
0x6a: {  	_ =	shalt  }
0x6b: {  	_ =	shalt  }
0x6c: {  	_ =	shalt  }
0x6d: {  	_ =	shalt  }
0x6e: {  	_ =	shalt  }
0x6f: {  	_ =	shalt  }
0x70: {  	_ =	shalt  }
0x71: {  	_ =	shalt  }
0x72: {  	_ =	shalt  }
0x73: {  	_ =	shalt  }
0x74: {  	_ =	shalt  }
0x75: {  	_ =	shalt  }
0x76: {  	_ =	shalt  }
0x77: {  	_ =	shalt  }
0x78: {  	_ =	shalt  }
0x79: {  	_ =	shalt  }
0x7a: {  	_ =	shalt  }
0x7b: {  	_ =	shalt  }
0x7c: {  	_ =	shalt  }
0x7d: {  	_ =	shalt  }
0x7e: {  	_ =	shalt  }
0x7f: {  	_ =	shalt  }
0x80: {  	_ =	shalt  }
0x81: {  	_ =	shalt  }
0x82: {  	_ =	shalt  }
0x83: {  	_ =	shalt  }
0x84: {  	_ =	shalt  }
0x85: {  	_ =	shalt  }
0x86: {  	_ =	shalt  }
0x87: {  	_ =	shalt  }
.Lfunc_end0:
.L_simem_size_0:
called_computation_lowered:
.L_overlay_start_0:
0x88: {  	s2 =	sld [smem:$0x3FD9]  }
0x89: {  	s3 =	sld [smem:$0x3FFE];
	_ =	sdelay $0x1  }
0x8a: {  	s1 =	srdreg.scid  }
0x8b: {  	s0 =	sand.u32 $0x1, s1  }
0x8c: {  	s16 =	sshll.u32 s0, $0xA;
	s2 =	sadd.s32 s3, s2  }
0x8d: {  	s2 =	sadd.s32 s2, s16  }
0x8e: {  	[smem:$0x3FBF] =	sst s2  }
0x8f: {  	_ = 	snop  }
0x90: {  	(tm) =	ssettm $0x1  }
0x91: {  	s17 =	sld [smem:$0x3FFB];
	_ =	sdelay $0x3  }
0x92: {  	_ =	strace s17  }
0x93: {  	s2 =	sld [smem:$0x3FFC];
	_ =	sdelay $0x3  }
0x94: {  	_ =	strace s2  }
0x95: {  	s2 =	sld [smem:$0x3FFD];
	_ =	sdelay $0x3  }
0x96: {  	_ =	strace s2  }
0x97: {  	_ =	strace $0x8FFFFFFF  }
0x98: {  	s18 =	sld [smem:$0x3FDB];
	_ =	sdelay $0x1  }
0x99: {  	s19 =	simm.s32 $_scs_section_size  }
0x9a: {  	s4 =	simm.s32 $_size__tile_overlayer_lowered;
	s5 =	simm.s32 $_tile_overlayer_lowered  }
0x9b: {  	s22 =	simm.s32 $0x1BFF;
	s21 =	sshll.u32 s5, $0x1;
	s2 =	sadd.s32 s19, s18  }
0x9c: {  	s6 =	simm.s32 $0x0;
	s20 =	sshll.u32 s4, $0x1;
	s4 =	sadd.s32 s21, s2  }
0x9d: {  	[timem:s6], [sflag:s22] =	dma.local [hbm:s4], s20  }
0x9e: {  	_ =	swait.ge [sflag:s22], s20  }
0x9f: {  	s3 =	ssub.s32 $0x0, s20;
	[sflag:s22] =	ssyncset.done $0x0  }
0xa0: {  	[sflag:s22] =	ssyncadd.s32 s3;
	_ =	sdelay $0x1  }
0xa1: {  	s23 =	simm.s32 $0x1B8B  }
0xa2: {  	_ =	swait.ge [sflag:s23], $0x1  }
0xa3: {  	[sflag:s23] =	ssyncset.done $0x0  }
0xa4: {  	s25 =	simm.s32 $0x1B8E;
	s24 =	sld [smem:$0x3FFE];
	[sflag:s23] =	ssyncadd.s32 $0xFFFFFFFF  }
0xa5: {  	s26 =	simm.s32 $execute0_lowered;
	[smem:$0x3FD2] =	sst s25  }
0xa6: {  	s4 =	sshll.u32 s26, $0x1;
	_ =	strace $0x80000046;
	[dreg:$0x1] =	wrdreg $0xFFFFFFFF  }
0xa7: {  	s28 =	simm.s32 $_size_execute0_lowered;
	s2 =	sadd.s32 s2, s4;
	[dreg:$0x0] =	wrdreg $0x0  }
0xa8: {  	s4 =	sshll.u32 s28, $0x1;
	[dreg:$0x2] =	wrdreg s2  }
0xa9: {  	[dreg:$0x3] =	wrdreg s4  }
0xaa: {  	[dreg:$0x4] =	wrdreg $0xC0  }
0xab: {  	_ =	task [dreg:s6], $0x5FFFF  }
0xac: {  	[dreg:$0x1] =	wrdreg $0xFFFFFFFF  }
0xad: {  	[dreg:$0x0] =	wrdreg $0x60  }
0xae: {  	[dreg:$0x2] =	wrdreg s24  }
0xaf: {  	[dreg:$0x3] =	wrdreg $0xA8000  }
0xb0: {  	[dreg:$0x4] =	wrdreg $0x9  }
0xb1: {  	_ =	task.clear_ibuf [dreg:s6], $0x5FFFF;
	_ =	strace $0x90000046  }
0xb2: {  	s29 =	simm.s32 $0x9;
	_ =	strace $0x80000048  }
0xb3: {  	_ =	swait.ge [sflag:s29], $0x1  }
0xb4: {  	[sflag:s29] =	ssyncadd.s32 $0xFFFFFFFF  }
0xb5: {  	_ =	strace $0x90000048  }
0xb6: {  	_ =	sfence  }
0xb7: {  	s30 =	sld [smem:$0x0];
	_ =	sdelay $0x2  }
0xb8: {  	s31 =	sshll.u32 s1, $0xD;
	s1 =	sshrl.u32 s1, $0x2  }
0xb9: {  	s3 =	sand.u32 $0x4000, s31;
	s1 =	sadd.s32 s1, s30  }
0xba: {  	s0 =	sor.u32 s3, s0;
	s1 =	sshll.u32 s1, $0x11  }
0xbb: {  	s0 =	sor.u32 s1, s0  }
0xbc: {  	s0 =	sadd.s32 $0x8F2B, s0  }
0xbd: {  	[sflag:s0] =	ssyncadd.remote.s32 $0x1  }
0xbe: {  	_ =	sfence.sel $0xFFFF  }
0xbf: {  	[dreg:$0x0] =	wrdreg $0xFFFFFFFF;
	(pc) =	sbr.abs _section_cstart, $3  }
0xc0: {  	[dreg:$0x1] =	wrdreg $0xFFFFFFFF  }
0xc1: {  	_ =	task.clear_ibuf [dreg:s6], $0x2FFFF;
	_ =	strace $0x9FFFFFFF  }
0xc2: {  	(tm) =	ssettm $0x7FFFFFFF  }
0xc3: {  	_ =	shalt  }
tec
execute0_lowered:
.L_overlay_start_1:
0x0: {  	(tag) =	ssettag $0x1  }
0x1: {  	s0 =	srdreg.scid;
	s6 =	rddreg [dreg:$0x0]  }
0x2: {  	s2 =	rddreg [dreg:$0x1];
	s3 =	simm.s32 $0x0;
	s14 =	simm.s32 $0x7D  }
0x3: {  	s15 =	simm.s32 $0x2800;
	s16 =	simm.s32 $0x6800;
	s17 =	simm.s32 $0x1  }
0x4: {  	s18 =	simm.s32 $0x2;
	s5 =	sand.u32 $0x1, s0;
	s0 =	stileid.u32  }
0x5: {  	s19 =	simm.s32 $0x1380;
	s20 =	simm.s32 $0x2700;
	s7 =	smul.u32 $0x13C00, s0  }
0x6: {  	s21 =	simm.s32 $0x2780;
	s22 =	simm.s32 $0x0;
	s9 =	smul.u32 $0x13C000, s5  }
0x7: {  	[smem:$0x7FF] =	sst s3;
	s1 =	sshll.u32 s5, $0x4;
	s28 =	smul.u32 $0x4E200, s0  }
0x8: {  	s5 =	ssub.s32 $0x2, s5;
	s31 =	sshll.u32 s0, $0x6;
	s1 =	sor.u32 s0, s1  }
0x9: {  	s29 =	sshrl.u32 s5, $0x1;
	s4 =	smul.u32 $0x2800, s1;
	s1 =	rddreg [dreg:$0x2]  }
0xa: {  	_ =	strace $0x80000047;
	s10 =	sshrl.u32 s7, $0x3;
	s7 =	sadd.s32 s7, s9  }
0xb: {  	s30 =	sshrl.u32 s28, $0x2;
	s12 =	ssub.s32 s5, s29;
	s10 =	sadd.s32 s10, s6  }
0xc: {  	s7 =	sshrl.u32 s7, $0x3;
	s13 =	sadd.s32 s30, s2;
	s8 =	sshrl.u32 s4, $0x3  }
0xd: {  	s4 =	sadd.s32 $0x35E00, s6;
	s11 =	sadd.s32 s7, s6;
	s5 =	sadd.s32 $0xE600, s10  }
0xe: {  	s10 =	smax.u32 s12, $0x1;
	s12 =	simm.s32 $0x3;
	s8 =	sadd.s32 s8, s6  }
0xf: {  	s6 =	sor.u32 $0x1C03, s31;
	s9 =	sadd.s32 $0x5D000, s11;
	s11 =	sshrl.u32 s13, $0x3  }
0x10: {  	s13 =	simm.s32 $0x1400;
	s7 =	sadd.s32 $0x4600, s8;
	s8 =	sadd.s32 $0x4880, s8  }
.LBB2_1:
0x11: {  	[spmem:s11], [sflag:s6] =	dma.local [hbm:s5], $0x2710  }
0x12: {  	_ =	swait.ge [sflag:s12], $0x2710  }
0x13: {  	[sflag:s12] =	ssyncset.done $0x0  }
0x14: {  	[sflag:s12] =	ssyncadd.s32 $0xFFFFD8F0  }
0x15: {  	[bflag:$0x0] =	sbarrier.arrive $0xFFFF  }
0x16: {  	[tilespmem:s3], [sflag:$0x3] =	stream.linear.gather [hbm4b:s7+s3], $0x1400, $0x38;
	[tilespmem:$0x1E080] =	vst v63  }
0x17: {  	_ =	swait.ge [sflag:s12], $0x1400  }
0x18: {  	[sflag:s12] =	ssyncset.done $0x0  }
0x19: {  	[sflag:s12] =	ssyncadd.s32 $0xFFFFEC00  }
0x1a: {  	[tilespmem:s13], [sflag:$0x3] =	stream.linear.gather [hbm4b:s7+s3], $0x1400, $0x38;
	[tilespmem:$0x1E080] =	vst v63  }
0x1b: {  	_ =	swait.ge [sflag:s12], $0x1400  }
0x1c: {  	[sflag:s12] =	ssyncset.done $0x0  }
0x1d: {  	[sflag:s12] =	ssyncadd.s32 $0xFFFFEC00  }
0x1e: {  	[tilespmem:s15], [sflag:$0x1] =	stream.indirect.gather [hbm4b:s4+s14], $0x80, s3, s14, $0xb8;
	[tilespmem:$0x1E080] =	vst v63  }
0x1f: {  	s23 =	simm.s32 $0x80  }
0x20: {  	[tilespmem:s16], [sflag:$0x2] =	stream.indirect.gather [hbm4b:s4+s14], $0x80, s23, s14, $0xb8;
	[tilespmem:$0x1E080] =	vst v63  }
0x21: {  	_ =	swait.ge [sflag:s17], $0x3E80  }
0x22: {  	[sflag:s17] =	ssyncset.done $0x0  }
0x23: {  	s29 =	simm.s32 $0x1400;
	[sflag:s17] =	ssyncadd.s32 $0xFFFFC180  }
0x24: {  	[spmem:s2] =	stream.indirect.scatter.add.f32 [tilespmem:s15], [sflag:$0x3], $0x80, s29, s14, $0xb8;
	[tilespmem:$0x1E080] =	vst v63  }
0x25: {  	_ =	swait.ge [sflag:s12], $0x3E80  }
0x26: {  	[sflag:s12] =	ssyncset.done $0x0  }
0x27: {  	s30 =	simm.s32 $0x100;
	[sflag:s12] =	ssyncadd.s32 $0xFFFFC180  }
0x28: {  	[tilespmem:s15], [sflag:$0x1] =	stream.indirect.gather [hbm4b:s4+s14], $0x80, s30, s14, $0xb8;
	[tilespmem:$0x1E080] =	vst v63  }
0x29: {  	_ =	swait.ge [sflag:s18], $0x3E80  }
0x2a: {  	[sflag:s18] =	ssyncset.done $0x0  }
0x2b: {  	s31 =	simm.s32 $0x1480;
	[sflag:s18] =	ssyncadd.s32 $0xFFFFC180  }
0x2c: {  	[spmem:s2] =	stream.indirect.scatter.add.f32 [tilespmem:s16], [sflag:$0x3], $0x80, s31, s14, $0xb8;
	[tilespmem:$0x1E080] =	vst v63  }
0x2d: {  	_ =	swait.ge [sflag:s12], $0x3E80  }
0x2e: {  	s24 =	simm.s32 $0x800;
	s23 =	simm.s32 $0x100;
	[sflag:s12] =	ssyncset.done $0x0  }
.LBB2_2:
0x2f: {  	s25 =	sadd.s32 $0x80, s23  }
0x30: {  	[sflag:s12] =	ssyncadd.s32 $0xFFFFC180;
	s26 =	smov.u32 s24;
	s28 =	sadd.s32 $0x400, s24  }
0x31: {  	[tilespmem:s16], [sflag:$0x2] =	stream.indirect.gather [hbm4b:s4+s14], $0x80, s25, s14, $0xb8;
	[tilespmem:$0x1E080] =	vst v63  }
0x32: {  	p0 =	sne.s32 s24, $0x4800;
	_ =	swait.ge [sflag:s17], $0x3E80  }
0x33: {  	[sflag:s17] =	ssyncset.done $0x0  }
0x34: {  	s24 =	sadd.s32 $0x1400, s23;
	[sflag:s17] =	ssyncadd.s32 $0xFFFFC180  }
0x35: {  	[spmem:s2] =	stream.indirect.scatter.add.f32 [tilespmem:s15], [sflag:$0x3], $0x80, s24, s14, $0xb8;
	[tilespmem:$0x1E080] =	vst v63  }
0x36: {  	_ =	swait.ge [sflag:s12], $0x3E80  }
0x37: {  	[sflag:s12] =	ssyncset.done $0x0  }
0x38: {  	s24 =	sadd.s32 $0x100, s23;
	[sflag:s12] =	ssyncadd.s32 $0xFFFFC180  }
0x39: {  	[tilespmem:s15], [sflag:$0x1] =	stream.indirect.gather [hbm4b:s4+s14], $0x80, s24, s14, $0xb8;
	[tilespmem:$0x1E080] =	vst v63  }
0x3a: {  	_ =	swait.ge [sflag:s18], $0x3E80  }
.Ltmp0:
0x3b: {  	[sflag:s18] =	ssyncset.done $0x0;
	(pc) =	sbr.rel @p0 .LBB2_2-.Ltmp0, $4  }
0x3c: {  	s23 =	sadd.s32 $0x1480, s23;
	[sflag:s18] =	ssyncadd.s32 $0xFFFFC180  }
0x3d: {  	[spmem:s2] =	stream.indirect.scatter.add.f32 [tilespmem:s16], [sflag:$0x3], $0x80, s23, s14, $0xb8;
	[tilespmem:$0x1E080] =	vst v63  }
0x3e: {  	_ =	swait.ge [sflag:s12], $0x3E80  }
0x3f: {  	s24 =	smov.u32 s28;
	s23 =	sshra.s32 s26, $0x2;
	[sflag:s12] =	ssyncset.done $0x0  }
0x40: {  	s24 =	sadd.s32 $0x80, s23;
	[sflag:s12] =	ssyncadd.s32 $0xFFFFC180  }
0x41: {  	[tilespmem:s16], [sflag:$0x2] =	stream.indirect.gather [hbm4b:s4+s14], $0x80, s24, s14, $0xb8;
	[tilespmem:$0x1E080] =	vst v63  }
0x42: {  	_ =	swait.ge [sflag:s17], $0x3E80  }
0x43: {  	[sflag:s17] =	ssyncset.done $0x0  }
0x44: {  	s30 =	sadd.s32 $0x1400, s23;
	[sflag:s17] =	ssyncadd.s32 $0xFFFFC180  }
0x45: {  	[spmem:s2] =	stream.indirect.scatter.add.f32 [tilespmem:s15], [sflag:$0x3], $0x80, s30, s14, $0xb8;
	[tilespmem:$0x1E080] =	vst v63  }
0x46: {  	_ =	swait.ge [sflag:s12], $0x3E80  }
0x47: {  	[sflag:s12] =	ssyncset.done $0x0  }
0x48: {  	s31 =	sadd.s32 $0x100, s23;
	[sflag:s12] =	ssyncadd.s32 $0xFFFFC180  }
0x49: {  	[tilespmem:s15], [sflag:$0x1] =	stream.indirect.gather [hbm4b:s4+s14], $0x80, s31, s14, $0xb8;
	[tilespmem:$0x1E080] =	vst v63  }
0x4a: {  	_ =	swait.ge [sflag:s18], $0x3E80  }
0x4b: {  	[sflag:s18] =	ssyncset.done $0x0  }
0x4c: {  	s25 =	sadd.s32 $0x1480, s23;
	[sflag:s18] =	ssyncadd.s32 $0xFFFFC180  }
0x4d: {  	[spmem:s2] =	stream.indirect.scatter.add.f32 [tilespmem:s16], [sflag:$0x3], $0x80, s25, s14, $0xb8;
	[tilespmem:$0x1E080] =	vst v63  }
0x4e: {  	_ =	swait.ge [sflag:s12], $0x3E80  }
0x4f: {  	[sflag:s12] =	ssyncset.done $0x0  }
0x50: {  	[sflag:s12] =	ssyncadd.s32 $0xFFFFC180  }
0x51: {  	[tilespmem:s16], [sflag:$0x2] =	stream.indirect.gather [hbm4b:s4+s14], $0x80, s19, s14, $0xb8;
	[tilespmem:$0x1E080] =	vst v63  }
0x52: {  	_ =	swait.ge [sflag:s17], $0x3E80  }
0x53: {  	[sflag:s17] =	ssyncset.done $0x0  }
0x54: {  	[sflag:s17] =	ssyncadd.s32 $0xFFFFC180  }
0x55: {  	[spmem:s2] =	stream.indirect.scatter.add.f32 [tilespmem:s15], [sflag:$0x3], $0x80, s20, s14, $0xb8;
	[tilespmem:$0x1E080] =	vst v63  }
0x56: {  	_ =	swait.ge [sflag:s12], $0x3E80  }
0x57: {  	[sflag:s12] =	ssyncset.done $0x0  }
0x58: {  	[sflag:s12] =	ssyncadd.s32 $0xFFFFC180  }
0x59: {  	_ =	swait.ge [sflag:s18], $0x3E80  }
0x5a: {  	[sflag:s18] =	ssyncset.done $0x0  }
0x5b: {  	[sflag:s18] =	ssyncadd.s32 $0xFFFFC180  }
0x5c: {  	[spmem:s2] =	stream.indirect.scatter.add.f32 [tilespmem:s16], [sflag:$0x3], $0x80, s21, s14, $0xb8;
	[tilespmem:$0x1E080] =	vst v63  }
0x5d: {  	_ =	swait.ge [sflag:s12], $0x3E80  }
0x5e: {  	[sflag:s12] =	ssyncset.done $0x0  }
0x5f: {  	s26 =	simm.s32 $0x0;
	[sflag:s12] =	ssyncadd.s32 $0xFFFFC180  }
0x60: {  	[tilespmem:s26], [sflag:$0x3] =	stream.linear.gather [hbm4b:s8+s26], $0x1400, $0x38;
	[tilespmem:$0x1E080] =	vst v63  }
0x61: {  	_ =	swait.ge [sflag:s12], $0x1400  }
0x62: {  	[sflag:s12] =	ssyncset.done $0x0  }
0x63: {  	[sflag:s12] =	ssyncadd.s32 $0xFFFFEC00  }
0x64: {  	[tilespmem:s13], [sflag:$0x3] =	stream.linear.gather [hbm4b:s8+s26], $0x1400, $0x38;
	[tilespmem:$0x1E080] =	vst v63  }
0x65: {  	_ =	swait.ge [sflag:s12], $0x1400  }
0x66: {  	[sflag:s12] =	ssyncset.done $0x0  }
0x67: {  	[sflag:s12] =	ssyncadd.s32 $0xFFFFEC00  }
0x68: {  	[tilespmem:s15], [sflag:$0x1] =	stream.indirect.gather [hbm4b:s4+s14], $0x80, s26, s14, $0xb8;
	[tilespmem:$0x1E080] =	vst v63  }
0x69: {  	s28 =	simm.s32 $0x80  }
0x6a: {  	[tilespmem:s16], [sflag:$0x2] =	stream.indirect.gather [hbm4b:s4+s14], $0x80, s28, s14, $0xb8;
	[tilespmem:$0x1E080] =	vst v63  }
0x6b: {  	_ =	swait.ge [sflag:s17], $0x3E80  }
0x6c: {  	[sflag:s17] =	ssyncset.done $0x0  }
0x6d: {  	s29 =	simm.s32 $0x1400;
	[sflag:s17] =	ssyncadd.s32 $0xFFFFC180  }
0x6e: {  	[spmem:s2] =	stream.indirect.scatter.add.f32 [tilespmem:s15], [sflag:$0x3], $0x80, s29, s14, $0xb8;
	[tilespmem:$0x1E080] =	vst v63  }
0x6f: {  	_ =	swait.ge [sflag:s12], $0x3E80  }
0x70: {  	[sflag:s12] =	ssyncset.done $0x0  }
0x71: {  	s30 =	simm.s32 $0x100;
	[sflag:s12] =	ssyncadd.s32 $0xFFFFC180  }
0x72: {  	[tilespmem:s15], [sflag:$0x1] =	stream.indirect.gather [hbm4b:s4+s14], $0x80, s30, s14, $0xb8;
	[tilespmem:$0x1E080] =	vst v63  }
0x73: {  	_ =	swait.ge [sflag:s18], $0x3E80  }
0x74: {  	[sflag:s18] =	ssyncset.done $0x0  }
0x75: {  	s31 =	simm.s32 $0x1480;
	[sflag:s18] =	ssyncadd.s32 $0xFFFFC180  }
0x76: {  	[spmem:s2] =	stream.indirect.scatter.add.f32 [tilespmem:s16], [sflag:$0x3], $0x80, s31, s14, $0xb8;
	[tilespmem:$0x1E080] =	vst v63  }
0x77: {  	_ =	swait.ge [sflag:s12], $0x3E80  }
0x78: {  	s23 =	simm.s32 $0x100;
	s24 =	simm.s32 $0x800;
	[sflag:s12] =	ssyncset.done $0x0  }
.LBB2_4:
0x79: {  	s25 =	sadd.s32 $0x80, s23  }
0x7a: {  	[sflag:s12] =	ssyncadd.s32 $0xFFFFC180;
	s26 =	smov.u32 s24;
	s28 =	sadd.s32 $0x400, s24  }
0x7b: {  	[tilespmem:s16], [sflag:$0x2] =	stream.indirect.gather [hbm4b:s4+s14], $0x80, s25, s14, $0xb8;
	[tilespmem:$0x1E080] =	vst v63  }
0x7c: {  	p0 =	sne.s32 s24, $0x4800;
	_ =	swait.ge [sflag:s17], $0x3E80  }
0x7d: {  	[sflag:s17] =	ssyncset.done $0x0  }
0x7e: {  	s24 =	sadd.s32 $0x1400, s23;
	[sflag:s17] =	ssyncadd.s32 $0xFFFFC180  }
0x7f: {  	[spmem:s2] =	stream.indirect.scatter.add.f32 [tilespmem:s15], [sflag:$0x3], $0x80, s24, s14, $0xb8;
	[tilespmem:$0x1E080] =	vst v63  }
0x80: {  	_ =	swait.ge [sflag:s12], $0x3E80  }
0x81: {  	[sflag:s12] =	ssyncset.done $0x0  }
0x82: {  	s24 =	sadd.s32 $0x100, s23;
	[sflag:s12] =	ssyncadd.s32 $0xFFFFC180  }
0x83: {  	[tilespmem:s15], [sflag:$0x1] =	stream.indirect.gather [hbm4b:s4+s14], $0x80, s24, s14, $0xb8;
	[tilespmem:$0x1E080] =	vst v63  }
0x84: {  	_ =	swait.ge [sflag:s18], $0x3E80  }
.Ltmp1:
0x85: {  	[sflag:s18] =	ssyncset.done $0x0;
	(pc) =	sbr.rel @p0 .LBB2_4-.Ltmp1, $4  }
0x86: {  	s23 =	sadd.s32 $0x1480, s23;
	[sflag:s18] =	ssyncadd.s32 $0xFFFFC180  }
0x87: {  	[spmem:s2] =	stream.indirect.scatter.add.f32 [tilespmem:s16], [sflag:$0x3], $0x80, s23, s14, $0xb8;
	[tilespmem:$0x1E080] =	vst v63  }
0x88: {  	_ =	swait.ge [sflag:s12], $0x3E80  }
0x89: {  	s24 =	smov.u32 s28;
	s23 =	sshra.s32 s26, $0x2;
	[sflag:s12] =	ssyncset.done $0x0  }
0x8a: {  	s24 =	sadd.s32 $0x80, s23;
	[sflag:s12] =	ssyncadd.s32 $0xFFFFC180  }
0x8b: {  	[tilespmem:s16], [sflag:$0x2] =	stream.indirect.gather [hbm4b:s4+s14], $0x80, s24, s14, $0xb8;
	[tilespmem:$0x1E080] =	vst v63  }
0x8c: {  	_ =	swait.ge [sflag:s17], $0x3E80  }
0x8d: {  	[sflag:s17] =	ssyncset.done $0x0  }
0x8e: {  	s29 =	sadd.s32 $0x1400, s23;
	[sflag:s17] =	ssyncadd.s32 $0xFFFFC180  }
0x8f: {  	[spmem:s2] =	stream.indirect.scatter.add.f32 [tilespmem:s15], [sflag:$0x3], $0x80, s29, s14, $0xb8;
	[tilespmem:$0x1E080] =	vst v63  }
0x90: {  	_ =	swait.ge [sflag:s12], $0x3E80  }
0x91: {  	[sflag:s12] =	ssyncset.done $0x0  }
0x92: {  	s30 =	sadd.s32 $0x100, s23;
	[sflag:s12] =	ssyncadd.s32 $0xFFFFC180  }
0x93: {  	[tilespmem:s15], [sflag:$0x1] =	stream.indirect.gather [hbm4b:s4+s14], $0x80, s30, s14, $0xb8;
	[tilespmem:$0x1E080] =	vst v63  }
0x94: {  	_ =	swait.ge [sflag:s18], $0x3E80  }
0x95: {  	[sflag:s18] =	ssyncset.done $0x0  }
0x96: {  	s31 =	sadd.s32 $0x1480, s23;
	[sflag:s18] =	ssyncadd.s32 $0xFFFFC180  }
0x97: {  	[spmem:s2] =	stream.indirect.scatter.add.f32 [tilespmem:s16], [sflag:$0x3], $0x80, s31, s14, $0xb8;
	[tilespmem:$0x1E080] =	vst v63  }
0x98: {  	_ =	swait.ge [sflag:s12], $0x3E80  }
0x99: {  	[sflag:s12] =	ssyncset.done $0x0  }
0x9a: {  	[sflag:s12] =	ssyncadd.s32 $0xFFFFC180  }
0x9b: {  	[tilespmem:s16], [sflag:$0x2] =	stream.indirect.gather [hbm4b:s4+s14], $0x80, s19, s14, $0xb8;
	[tilespmem:$0x1E080] =	vst v63  }
0x9c: {  	_ =	swait.ge [sflag:s17], $0x3E80  }
0x9d: {  	[sflag:s17] =	ssyncset.done $0x0  }
0x9e: {  	[sflag:s17] =	ssyncadd.s32 $0xFFFFC180  }
0x9f: {  	[spmem:s2] =	stream.indirect.scatter.add.f32 [tilespmem:s15], [sflag:$0x3], $0x80, s20, s14, $0xb8;
	[tilespmem:$0x1E080] =	vst v63  }
0xa0: {  	_ =	swait.ge [sflag:s12], $0x3E80  }
0xa1: {  	[sflag:s12] =	ssyncset.done $0x0  }
0xa2: {  	[sflag:s12] =	ssyncadd.s32 $0xFFFFC180  }
0xa3: {  	_ =	swait.ge [sflag:s18], $0x3E80  }
0xa4: {  	[sflag:s18] =	ssyncset.done $0x0  }
0xa5: {  	[sflag:s18] =	ssyncadd.s32 $0xFFFFC180  }
0xa6: {  	[spmem:s2] =	stream.indirect.scatter.add.f32 [tilespmem:s16], [sflag:$0x3], $0x80, s21, s14, $0xb8;
	[tilespmem:$0x1E080] =	vst v63  }
0xa7: {  	_ =	swait.ge [sflag:s12], $0x3E80  }
0xa8: {  	s22 =	sadd.s32 $0x1, s22;
	[sflag:s12] =	ssyncset.done $0x0  }
0xa9: {  	p0 =	sne.s32 s22, s10;
	[sflag:s12] =	ssyncadd.s32 $0xFFFFC180  }
.Ltmp2:
0xaa: {  	[bflag:$0x0] =	sbarrier.arrive $0xFFFF;
	(pc) =	sbr.rel @p0 .LBB2_1-.Ltmp2, $4  }
0xab: {  	[hbm:s9], [sflag:s6] =	dma.local [spmem:s11], $0x2710  }
0xac: {  	_ =	swait.ge [sflag:s12], $0x2710  }
0xad: {  	[sflag:s12] =	ssyncset.done $0x0  }
0xae: {  	[sflag:s12] =	ssyncadd.s32 $0xFFFFD8F0  }
0xaf: {  	_ =	sfence.sel $0x180000  }
0xb0: {  	[bflag:$0x0] =	sbarrier.arrive $0xFFFF  }
0xb1: {  	p0 =	sne.s32 s0, $0x0;
	_ =	strace $0x90000047  }
0xb2: {  	s0 =	sadd.s32 @!p0 $0x100000, s1;
	[bflag:$0x2] =	sbarrier.arrive $0xFFFF  }
0xb3: {  	[sflag:s0] =	ssyncadd.tile.s32 @!p0 $0x1;
	_ =	shalt  }
.Lfunc_end2:
_tile_overlayer_lowered:
.L_overlay_start_2:
0xb4: {  	(tag) =	ssettag $0x2  }
0xb5: {  	s0 =	rddreg [dreg:$0x0];
	s2 =	stileid.u32  }
0xb6: {  	s1 =	rddreg [dreg:$0x1];
	p0 =	sne.s32 s2, $0x0  }
0xb7: {  	s3 =	rddreg [dreg:$0x2];
	[bflag:$0x3] =	sbarrier.arrive $0xFFFF;
	s2 =	simm.s32 @!p0 $0x1C03  }
0xb8: {  	[timem:s3], [sflag:s2] =	dma.local @!p0 [hbm:s0], s1  }
0xb9: {  	s0 =	simm.s32 @!p0 $0x3  }
0xba: {  	_ =	swait.ge @!p0 [sflag:s0], s1  }
0xbb: {  	s1 =	ssub.s32 @!p0 $0x0, s1;
	[sflag:s0] =	ssyncset.done @!p0 $0x0  }
0xbc: {  	[sflag:s0] =	ssyncadd.s32 @!p0 s1  }
0xbd: {  	[bflag:$0x3] =	sbarrier.arrive $0xFFFF  }
0xbe: {  	_ =	shalt  }

</sc_bundles>
